<compile_context>
chip_gen: v7x
topology: tpu7x:2x2x1
jax: 0.10.2.dev20260603
libtpu: 0.0.44.dev20260713+nightly
codegen_flags: <defaults>
</compile_context>

<pallas_src>
import functools

import jax
import jax.numpy as jnp
from jax import lax
from jax.experimental import pallas as pl
from jax.experimental.pallas import tpu as pltpu
from jax.experimental.pallas import tpu_sc as plsc

N_CLS = 1000
D = 128
B = 16384
PROTO_M = 0.999
TEMP = 0.1
BASE_TEMP = 0.1

NCLS_PAD = 1024
NW = 32
K = NCLS_PAD // NW
NV = D // 16
CH = 256
NT = 16
SLICE = B // NT
NVREG = SLICE // 16
QLEN = B + 2 * CH
BASE_LEN = NCLS_PAD + 64


def _ema_kernel(feat_hbm, lbl_hbm, protos_hbm, out_hbm,
                protos_v, lblv, cntv, matv, basev, curv, posb, valb,
                idx0, idx1, rows0, rows1, cntmat_sh, queue_sh,
                sem0, sem1, qsem0, qsem1):
    sid = lax.axis_index("s")
    wid = sid * 2 + lax.axis_index("c")
    c0 = wid * K
    lane = lax.iota(jnp.int32, 16)
    zeros16 = jnp.zeros((16,), jnp.int32)
    ones16 = jnp.ones((16,), jnp.int32)

    pltpu.sync_copy(lbl_hbm.at[pl.ds(sid * SLICE, SLICE)], lblv)

    def zero_body(i, _):
        cntv[pl.ds(i * 16, 16)] = zeros16
        return _
    lax.fori_loop(0, NCLS_PAD // 16, zero_body, 0)

    def hist_body(i, _):
        lv = lblv[pl.ds(i * 16, 16)]
        plsc.addupdate_scatter(cntv, [lv], ones16)
        return _
    lax.fori_loop(0, NVREG, hist_body, 0)

    pltpu.sync_copy(cntv, cntmat_sh.at[sid])
    plsc.subcore_barrier()
    pltpu.sync_copy(cntmat_sh, matv)

    def colsum_body(j, _):
        tot = zeros16
        pre = zeros16
        for t in range(NT):
            row = matv[t, pl.ds(j * 16, 16)]
            tot = tot + row
            pre = pre + row * (jnp.int32(t) < sid).astype(jnp.int32)
        cntv[pl.ds(j * 16, 16)] = tot
        curv[pl.ds(j * 16, 16)] = pre
        return _
    lax.fori_loop(0, NCLS_PAD // 16, colsum_body, 0)

    def cumsum_body(j, run):
        chv = cntv[pl.ds(j * 16, 16)]
        inc = plsc.cumsum(chv)
        ex = inc - chv + jnp.full((16,), run, jnp.int32)
        basev[pl.ds(j * 16, 16)] = ex
        curv[pl.ds(j * 16, 16)] = curv[pl.ds(j * 16, 16)] + ex
        return run + inc[15]
    total = lax.fori_loop(0, NCLS_PAD // 16, cumsum_body, jnp.int32(0))
    for j in range(NCLS_PAD // 16, BASE_LEN // 16):
        basev[pl.ds(j * 16, 16)] = jnp.full((16,), total, jnp.int32)

    def place_body(i, _):
        lv = lblv[pl.ds(i * 16, 16)]
        cnt, _last = plsc.scan_count(lv)
        g = plsc.load_gather(curv, [lv])
        pos = g + cnt - 1
        r = lax.div(i, 8)
        col = 16 * lax.rem(i, 8)
        posb[r, pl.ds(col, 16)] = pos
        valb[r, pl.ds(col, 16)] = sid * SLICE + i * 16 + lane
        plsc.addupdate_scatter(curv, [lv], ones16)
        return _
    lax.fori_loop(0, NVREG, place_body, 0)

    for jj in range(8):
        pltpu.async_copy(valb.at[jj], queue_sh.at[posb.at[jj]], sem0)
    for jj in range(8):
        pltpu.make_async_copy(valb.at[jj], queue_sh.at[posb.at[jj]],
                              sem0).wait()

    @pl.when(sid == 0)
    def _():
        def zq_body(i, _):
            idx0[pl.ds(i * 16, 16)] = zeros16
            return _
        lax.fori_loop(0, CH // 16, zq_body, 0)
        pltpu.sync_copy(idx0, queue_sh.at[pl.ds(B, CH)])
        pltpu.sync_copy(idx0, queue_sh.at[pl.ds(B + CH, CH)])
    plsc.subcore_barrier()

    pltpu.sync_copy(protos_hbm.at[pl.ds(c0, K)], protos_v)
    bfly = [lax.bitwise_xor(lane, jnp.int32(s)) for s in (8, 4, 2, 1)]
    sems = (sem0, sem1)
    qsems = (qsem0, qsem1)
    idxs = (idx0, idx1)
    rows = (rows0, rows1)

    def off_at(i):
        return basev[pl.ds(c0 + i, 16)][0]

    s0 = off_at(0)
    s1 = off_at(K)
    al = pl.multiple_of(lax.bitwise_and(s0, -16), 16)
    nwin = lax.div(s1 - al + (CH - 1), CH)

    def win_start(t):
        return pl.multiple_of(al + t * CH, 16)

    def idx_copy(t, buf):
        pltpu.async_copy(queue_sh.at[pl.ds(win_start(t), CH)], idxs[buf],
                         qsems[buf])

    def idx_wait(t, buf):
        pltpu.make_async_copy(queue_sh.at[pl.ds(win_start(t), CH)],
                              idxs[buf], qsems[buf]).wait()

    @pl.when(nwin > 0)
    def _():
        idx_copy(0, 0)
        idx_wait(0, 0)
        pltpu.async_copy(feat_hbm.at[idxs[0]], rows[0], sems[0])

    @pl.when(nwin > 1)
    def _():
        idx_copy(1, 1)

    def do_window(t, buf, cur_p):
        @pl.when(t < nwin)
        def _():
            pltpu.make_async_copy(feat_hbm.at[idxs[buf]],
                                  rows[buf], sems[buf]).wait()

        @pl.when(t + 1 < nwin)
        def _():
            idx_wait(t + 1, 1 - buf)
            pltpu.async_copy(feat_hbm.at[idxs[1 - buf]], rows[1 - buf],
                             sems[1 - buf])

        @pl.when(t + 2 < nwin)
        def _():
            idx_copy(t + 2, buf)

        base = al + t * CH
        lo = jnp.maximum(s0 - base, 0)
        hi = jnp.minimum(s1 - base, CH)

        def samp_body(r, cur_p):
            j = base + r

            def sw_true(ci, bnd, *p):
                for v in range(NV):
                    protos_v[ci, pl.ds(v * 16, 16)] = p[v]
                ci = lax.while_loop(lambda a: off_at(a + 1) <= j,
                                    lambda a: a + 1, ci)
                return (ci, off_at(ci + 1)) + tuple(
                    protos_v[ci, pl.ds(v * 16, 16)] for v in range(NV))

            def sw_false(ci, bnd, *p):
                return (ci, bnd) + tuple(p)

            cur_p = lax.cond(j >= cur_p[1], sw_true, sw_false, *cur_p)
            p = cur_p[2:]
            q = [PROTO_M * p[v]
                 + (1.0 - PROTO_M) * rows[buf][r, pl.ds(v * 16, 16)]
                 for v in range(NV)]
            d = [q[2 * v] * q[2 * v] + q[2 * v + 1] * q[2 * v + 1]
                 for v in range(NV // 2)]
            d = [d[0] + d[1], d[2] + d[3]]
            acc = d[0] + d[1]
            n2 = plsc.cumsum(acc)[15]
            n2v = jnp.maximum(jnp.full((16,), n2, jnp.float32),
                              jnp.float32(1e-24))
            y = plsc.bitcast(
                jnp.int32(0x5F3759DF)
                - lax.shift_right_arithmetic(
                    plsc.bitcast(n2v, jnp.int32), jnp.int32(1)),
                jnp.float32)
            h = jnp.float32(0.5) * n2v
            for _ in range(2):
                y = y * (jnp.float32(1.5) - h * y * y)
            return cur_p[:2] + tuple(q[v] * y for v in range(NV))

        return lax.fori_loop(lo, hi, samp_body, cur_p)

    def pair_body(g, cur_p):
        cur_p = do_window(2 * g, 0, cur_p)
        cur_p = do_window(2 * g + 1, 1, cur_p)
        return cur_p

    ci0 = lax.while_loop(
        lambda a: jnp.logical_and(a < K, off_at(a + 1) <= s0),
        lambda a: a + 1, 0)
    ci0 = jnp.minimum(ci0, K - 1)
    cur_p = (ci0, off_at(ci0 + 1)) + tuple(
        protos_v[ci0, pl.ds(v * 16, 16)] for v in range(NV))
    cur_p = lax.fori_loop(0, lax.div(nwin + 1, 2), pair_body, cur_p)

    @pl.when(s1 > s0)
    def _():
        for v in range(NV):
            protos_v[cur_p[0], pl.ds(v * 16, 16)] = cur_p[2 + v]

    pltpu.sync_copy(protos_v, out_hbm.at[pl.ds(c0, K)])


def _loss_kernel(p_ref, o_ref):
    p = p_ref[...]
    s = lax.dot_general(p, p, (((1,), (1,)), ((), ())),
                        preferred_element_type=jnp.float32) * (1.0 / TEMP)
    row = lax.broadcasted_iota(jnp.int32, (NCLS_PAD, NCLS_PAD), 0)
    col = lax.broadcasted_iota(jnp.int32, (NCLS_PAD, NCLS_PAD), 1)
    neg = jnp.logical_and(col < N_CLS, col != row)
    e = jnp.where(neg, jnp.exp(s), 0.0)
    rs = jnp.sum(e, axis=1)
    mpn = jnp.log(rs / jnp.float32(N_CLS - 1))
    rvalid = lax.broadcasted_iota(jnp.int32, (NCLS_PAD, 1), 0) < N_CLS
    total = jnp.sum(jnp.where(rvalid[:, 0], mpn, 0.0))
    loss = (TEMP / BASE_TEMP) * total / jnp.float32(N_CLS)
    o_ref[...] = jnp.full((8, 128), loss, jnp.float32)


@jax.jit
def kernel(features, labels, prototypes):
    labels = labels.astype(jnp.int32)
    protos_pad = jnp.pad(prototypes, ((0, NCLS_PAD - N_CLS), (0, 0)))

    ema = pl.kernel(
        _ema_kernel,
        out_type=jax.ShapeDtypeStruct((NCLS_PAD, D), jnp.float32),
        mesh=plsc.VectorSubcoreMesh(core_axis_name="c", subcore_axis_name="s"),
        compiler_params=pltpu.CompilerParams(needs_layout_passes=False),
        scratch_types=[
            pltpu.VMEM((K, D), jnp.float32),
            pltpu.VMEM((SLICE,), jnp.int32),
            pltpu.VMEM((NCLS_PAD,), jnp.int32),
            pltpu.VMEM((NT, NCLS_PAD), jnp.int32),
            pltpu.VMEM((BASE_LEN,), jnp.int32),
            pltpu.VMEM((NCLS_PAD,), jnp.int32),
            pltpu.VMEM((8, 128), jnp.int32),
            pltpu.VMEM((8, 128), jnp.int32),
            pltpu.VMEM((CH,), jnp.int32),
            pltpu.VMEM((CH,), jnp.int32),
            pltpu.VMEM((CH, D), jnp.float32),
            pltpu.VMEM((CH, D), jnp.float32),
            pltpu.VMEM_SHARED((NT, NCLS_PAD), jnp.int32),
            pltpu.VMEM_SHARED((QLEN,), jnp.int32),
            pltpu.SemaphoreType.DMA,
            pltpu.SemaphoreType.DMA,
            pltpu.SemaphoreType.DMA,
            pltpu.SemaphoreType.DMA,
        ],
    )
    protos_new = ema(features, labels, protos_pad)

    loss2d = pl.pallas_call(
        _loss_kernel,
        out_shape=jax.ShapeDtypeStruct((8, 128), jnp.float32),
    )(protos_new)
    return loss2d[0, 0]

# --- scband reference (transcript-rebuilt; emitter-appended) ---
"""Pipeline reference for scband-dis-loss-17171279250055 (READ-ONLY COPY).

The authoritative reference and input builder live on the scoring server;
editing this copy changes nothing except your own understanding.
"""

import jax, jax.numpy as jnp
import numpy as np

N_CLS = 1000
D = 128
B = 16384
PROTO_M = 0.999
TEMP = 0.1
BASE_TEMP = 0.1


def _normalize(x, axis=-1, eps=1e-12):
    n = jnp.linalg.norm(x, axis=axis, keepdims=True)
    return x / jnp.maximum(n, eps)


def setup_inputs(seed: int = 0) -> dict:
    key = jax.random.key(seed)
    k1, k2, k3 = jax.random.split(key, 3)
    features = _normalize(jax.random.normal(k1, (B, D), dtype=jnp.float32), axis=1)
    labels = jax.random.randint(k2, (B,), 0, N_CLS, dtype=jnp.int32)
    prototypes = _normalize(jax.random.normal(k3, (N_CLS, D), dtype=jnp.float32), axis=1)
    return {"features": features, "labels": labels, "prototypes": prototypes}


def reference(features, labels, prototypes):
    # Sequential EMA prototype update (order matters: later samples of the
    # same class see already-updated prototypes), exactly as the torch loop.
    def body(protos, fl):
        f, l = fl
        p = protos[l] * PROTO_M + f * (1.0 - PROTO_M)
        p = p / jnp.maximum(jnp.linalg.norm(p), 1e-12)  # F.normalize(dim=0)
        return protos.at[l].set(p), None

    protos, _ = jax.lax.scan(body, prototypes, (features, labels))

    lbl = jnp.arange(N_CLS).reshape(-1, 1)
    mask = 1.0 - (lbl == lbl.T).astype(jnp.float32)
    logits = (protos @ protos.T) / TEMP
    diag = jnp.arange(N_CLS)
    logits_mask = jnp.ones((N_CLS, N_CLS), jnp.float32).at[diag, diag].set(0.0)
    mask = mask * logits_mask
    denom = mask.sum(1)
    mean_prob_neg = jnp.log((mask * jnp.exp(logits)).sum(1) / denom)
    # torch drops NaN rows (classes with no negatives); emulate with a mask
    valid = ~jnp.isnan(mean_prob_neg)
    mpn = jnp.where(valid, mean_prob_neg, 0.0)
    loss = (TEMP / BASE_TEMP) * (mpn.sum() / jnp.maximum(valid.sum().astype(jnp.float32), 1.0))
    return loss

if __name__ == "__main__":
    import jax
    _d = setup_inputs()
    print(jax.jit(kernel)(*tuple(_d.values())))

</pallas_src>

<mosaic_0001>
#map = affine_map<(d0, d1) -> (0, 0)>
#map1 = affine_map<(d0, d1) -> (0)>
module attributes {stable_mosaic.version = 14 : i64} {
  func.func @_ema_kernel(%arg0: i32, %arg1: i32, %arg2: memref<16384x128xf32, #tpu.memory_space<hbm>>, %arg3: memref<16384xi32, #tpu.memory_space<hbm>>, %arg4: memref<1024x128xf32, #tpu.memory_space<hbm>>, %arg5: memref<1024x128xf32, #tpu.memory_space<hbm>>, %arg6: memref<32x128xf32, #tpu.memory_space<vmem>>, %arg7: memref<1024xi32, #tpu.memory_space<vmem>>, %arg8: memref<1024xi32, #tpu.memory_space<vmem>>, %arg9: memref<16x1024xi32, #tpu.memory_space<vmem>>, %arg10: memref<1088xi32, #tpu.memory_space<vmem>>, %arg11: memref<1024xi32, #tpu.memory_space<vmem>>, %arg12: memref<8x128xi32, #tpu.memory_space<vmem>>, %arg13: memref<8x128xi32, #tpu.memory_space<vmem>>, %arg14: memref<256xi32, #tpu.memory_space<vmem>>, %arg15: memref<256xi32, #tpu.memory_space<vmem>>, %arg16: memref<256x128xf32, #tpu.memory_space<vmem>>, %arg17: memref<256x128xf32, #tpu.memory_space<vmem>>, %arg18: memref<16x1024xi32, #tpu.memory_space<vmem_shared>>, %arg19: memref<16896xi32, #tpu.memory_space<vmem_shared>>, %arg20: memref<!tpu.dma_semaphore, #tpu.memory_space<semaphore_mem>>, %arg21: memref<!tpu.dma_semaphore, #tpu.memory_space<semaphore_mem>>, %arg22: memref<!tpu.dma_semaphore, #tpu.memory_space<semaphore_mem>>, %arg23: memref<!tpu.dma_semaphore, #tpu.memory_space<semaphore_mem>>) attributes {dimension_semantics = [#tpu.dimension_semantics<core_parallel>, #tpu.dimension_semantics<subcore_parallel>], iteration_bounds = array<i64: 2, 16>, scalar_prefetch = 0 : i64, scratch_operands = 18 : i64, tpu.core_type = #tpu.core_type<sc_vector_subcore>, window_params = [{transform_indices = #map}, {transform_indices = #map1}, {transform_indices = #map}, {transform_indices = #map}]} {
    %mul3A = arith.constant 2 : i32
    %mul3A_0 = arith.muli %arg1, %mul3A : i32
    %add3A = arith.addi %mul3A_0, %arg0 : i32
    %mul3A_1 = arith.constant 32 : i32
    %mul3A_2 = arith.muli %add3A, %mul3A_1 : i32
    %iota3A = tpu.iota {dimensions = array<i32: 0>} : vector<16xi32>
    %broadcast_in_dim3A = arith.constant 0 : i32
    %broadcast_in_dim3A_3 = vector.broadcast %broadcast_in_dim3A : i32 to vector<16xi32>
    %broadcast_in_dim3A_4 = arith.constant 1 : i32
    %broadcast_in_dim3A_5 = vector.broadcast %broadcast_in_dim3A_4 : i32 to vector<16xi32>
    %mul3A_6 = arith.constant 1024 : i32
    %mul3A_7 = arith.muli %arg1, %mul3A_6 : i32
    "tpu.region"() ({
      %run_scoped3A = tpu.sem_alloc : memref<!tpu.dma_semaphore, #tpu.memory_space<semaphore_mem>>
      %dma_start3A_295 = tpu.memref_slice %arg3[%mul3A_7] : memref<16384xi32, #tpu.memory_space<hbm>> -> memref<1024xi32, #tpu.memory_space<hbm>>
      %dma_start3A_296 = tpu.memref_slice %arg3[%mul3A_7] : memref<16384xi32, #tpu.memory_space<hbm>> -> memref<1024xi32, #tpu.memory_space<hbm>>
      tpu.enqueue_dma source(%dma_start3A_296 : memref<1024xi32, #tpu.memory_space<hbm>>) target(%arg7 : memref<1024xi32, #tpu.memory_space<vmem>>) target_semaphore(%run_scoped3A : memref<!tpu.dma_semaphore, #tpu.memory_space<semaphore_mem>>)
      %dma_wait3A_297 = tpu.memref_slice %arg3[%mul3A_7] : memref<16384xi32, #tpu.memory_space<hbm>> -> memref<1024xi32, #tpu.memory_space<hbm>>
      %dma_wait3A_298 = tpu.memref_slice %arg3[%mul3A_7] : memref<16384xi32, #tpu.memory_space<hbm>> -> memref<1024xi32, #tpu.memory_space<hbm>>
      tpu.wait_dma2 semaphore(%run_scoped3A : memref<!tpu.dma_semaphore, #tpu.memory_space<semaphore_mem>>) src(%dma_wait3A_298 : memref<1024xi32, #tpu.memory_space<hbm>>) dst(%arg7 : memref<1024xi32, #tpu.memory_space<vmem>>)
      tpu.yield
    }) : () -> ()
    %scan3A = arith.constant 0 : i32
    %scan3A_8 = arith.constant 0 : i32
    %scan3A_9 = arith.constant 64 : i32
    %scan3A_10 = arith.addi %scan3A_8, %scan3A_9 : i32
    %scan3A_11 = arith.constant 1 : i32
    scf.for %scan3A_295 = %scan3A_8 to %scan3A_10 step %scan3A_11  : i32 {
      %mul3A_296 = arith.constant 16 : i32
      %mul3A_297 = arith.muli %scan3A_295, %mul3A_296 : i32
      %swap3A_298 = arith.index_cast %mul3A_297 : i32 to index
      %swap3A_299 = tpu.vector_load %arg8[%swap3A_298] {strides = array<i32>} : memref<1024xi32, #tpu.memory_space<vmem>>, vector<16xi32>,
      tpu.vector_store %arg8[%swap3A_298], %broadcast_in_dim3A_3 {strides = array<i32>} : memref<1024xi32, #tpu.memory_space<vmem>>, vector<16xi32>,
    }
    %scan3A_12 = arith.constant 64 : i32
    %scan3A_13 = arith.constant 0 : i32
    %scan3A_14 = arith.constant 0 : i32
    %scan3A_15 = arith.constant 64 : i32
    %scan3A_16 = arith.addi %scan3A_14, %scan3A_15 : i32
    %scan3A_17 = arith.constant 1 : i32
    scf.for %scan3A_295 = %scan3A_14 to %scan3A_16 step %scan3A_17  : i32 {
      %mul3A_296 = arith.constant 16 : i32
      %mul3A_297 = arith.muli %scan3A_295, %mul3A_296 : i32
      %get3A_298 = arith.index_cast %mul3A_297 : i32 to index
      %get3A_299 = tpu.vector_load %arg7[%get3A_298] {strides = array<i32>} : memref<1024xi32, #tpu.memory_space<vmem>>, vector<16xi32>,
      tpu.vector_store_idx %arg8[%get3A_299], %broadcast_in_dim3A_5 {add = true} : memref<1024xi32, #tpu.memory_space<vmem>>[vector<16xi32>], vector<16xi32>,
    }
    %scan3A_18 = arith.constant 64 : i32
    "tpu.region"() ({
      %run_scoped3A = tpu.sem_alloc : memref<!tpu.dma_semaphore, #tpu.memory_space<semaphore_mem>>
      %dma_start3A_295 = arith.constant 0 : i32
      %dma_start3A_296 = tpu.memref_slice %arg18[%arg1, %dma_start3A_295] : memref<16x1024xi32, #tpu.memory_space<vmem_shared>> -> memref<1x1024xi32, #tpu.memory_space<vmem_shared>>
      %dma_start3A_297 = tpu.memref_squeeze %dma_start3A_296 : memref<1x1024xi32, #tpu.memory_space<vmem_shared>> -> memref<1024xi32, #tpu.memory_space<vmem_shared>>
      %dma_start3A_298 = arith.constant 0 : i32
      %dma_start3A_299 = tpu.memref_slice %arg18[%arg1, %dma_start3A_298] : memref<16x1024xi32, #tpu.memory_space<vmem_shared>> -> memref<1x1024xi32, #tpu.memory_space<vmem_shared>>
      %dma_start3A_300 = tpu.memref_squeeze %dma_start3A_299 : memref<1x1024xi32, #tpu.memory_space<vmem_shared>> -> memref<1024xi32, #tpu.memory_space<vmem_shared>>
      tpu.enqueue_dma source(%arg8 : memref<1024xi32, #tpu.memory_space<vmem>>) target(%dma_start3A_300 : memref<1024xi32, #tpu.memory_space<vmem_shared>>) target_semaphore(%run_scoped3A : memref<!tpu.dma_semaphore, #tpu.memory_space<semaphore_mem>>)
      %dma_wait3A_301 = arith.constant 0 : i32
      %dma_wait3A_302 = tpu.memref_slice %arg18[%arg1, %dma_wait3A_301] : memref<16x1024xi32, #tpu.memory_space<vmem_shared>> -> memref<1x1024xi32, #tpu.memory_space<vmem_shared>>
      %dma_wait3A_303 = tpu.memref_squeeze %dma_wait3A_302 : memref<1x1024xi32, #tpu.memory_space<vmem_shared>> -> memref<1024xi32, #tpu.memory_space<vmem_shared>>
      %dma_wait3A_304 = arith.constant 0 : i32
      %dma_wait3A_305 = tpu.memref_slice %arg18[%arg1, %dma_wait3A_304] : memref<16x1024xi32, #tpu.memory_space<vmem_shared>> -> memref<1x1024xi32, #tpu.memory_space<vmem_shared>>
      %dma_wait3A_306 = tpu.memref_squeeze %dma_wait3A_305 : memref<1x1024xi32, #tpu.memory_space<vmem_shared>> -> memref<1024xi32, #tpu.memory_space<vmem_shared>>
      tpu.wait_dma2 semaphore(%run_scoped3A : memref<!tpu.dma_semaphore, #tpu.memory_space<semaphore_mem>>) src(%arg8 : memref<1024xi32, #tpu.memory_space<vmem>>) dst(%dma_wait3A_306 : memref<1024xi32, #tpu.memory_space<vmem_shared>>)
      tpu.yield
    }) : () -> ()
    %barrier3A = arith.constant 0 : index
    tpu.barrier barrier_id(%barrier3A)
    "tpu.region"() ({
      %run_scoped3A = tpu.sem_alloc : memref<!tpu.dma_semaphore, #tpu.memory_space<semaphore_mem>>
      tpu.enqueue_dma source(%arg18 : memref<16x1024xi32, #tpu.memory_space<vmem_shared>>) target(%arg9 : memref<16x1024xi32, #tpu.memory_space<vmem>>) target_semaphore(%run_scoped3A : memref<!tpu.dma_semaphore, #tpu.memory_space<semaphore_mem>>)
      tpu.wait_dma2 semaphore(%run_scoped3A : memref<!tpu.dma_semaphore, #tpu.memory_space<semaphore_mem>>) src(%arg18 : memref<16x1024xi32, #tpu.memory_space<vmem_shared>>) dst(%arg9 : memref<16x1024xi32, #tpu.memory_space<vmem>>)
      tpu.yield
    }) : () -> ()
    %scan3A_19 = arith.constant 0 : i32
    %scan3A_20 = arith.constant 0 : i32
    %scan3A_21 = arith.constant 64 : i32
    %scan3A_22 = arith.addi %scan3A_20, %scan3A_21 : i32
    %scan3A_23 = arith.constant 1 : i32
    scf.for %scan3A_295 = %scan3A_20 to %scan3A_22 step %scan3A_23  : i32 {
      %mul3A_296 = arith.constant 16 : i32
      %mul3A_297 = arith.muli %scan3A_295, %mul3A_296 : i32
      %get3A_298 = arith.constant 0 : i32
      %get3A_299 = arith.index_cast %get3A_298 : i32 to index
      %get3A_300 = arith.index_cast %mul3A_297 : i32 to index
      %get3A_301 = tpu.vector_load %arg9[%get3A_299, %get3A_300] {strides = array<i32>} : memref<16x1024xi32, #tpu.memory_space<vmem>>, vector<16xi32>,
      %add3A_302 = arith.addi %broadcast_in_dim3A_3, %get3A_301 : vector<16xi32>
      %lt3A = arith.constant 0 : i32
      %lt3A_303 = arith.cmpi slt, %lt3A, %arg1 : i32
      %convert_element_type3A_304 = arith.extui %lt3A_303 : i1 to i32
      %mul3A_305 = vector.broadcast %convert_element_type3A_304 : i32 to vector<16xi32>
      %mul3A_306 = arith.muli %get3A_301, %mul3A_305 : vector<16xi32>
      %add3A_307 = arith.addi %broadcast_in_dim3A_3, %mul3A_306 : vector<16xi32>
      %mul3A_308 = arith.constant 16 : i32
      %mul3A_309 = arith.muli %scan3A_295, %mul3A_308 : i32
      %get3A_310 = arith.constant 1 : i32
      %get3A_311 = arith.index_cast %get3A_310 : i32 to index
      %get3A_312 = arith.index_cast %mul3A_309 : i32 to index
      %get3A_313 = tpu.vector_load %arg9[%get3A_311, %get3A_312] {strides = array<i32>} : memref<16x1024xi32, #tpu.memory_space<vmem>>, vector<16xi32>,
      %add3A_314 = arith.addi %add3A_302, %get3A_313 : vector<16xi32>
      %lt3A_315 = arith.constant 1 : i32
      %lt3A_316 = arith.cmpi slt, %lt3A_315, %arg1 : i32
      %convert_element_type3A_317 = arith.extui %lt3A_316 : i1 to i32
      %mul3A_318 = vector.broadcast %convert_element_type3A_317 : i32 to vector<16xi32>
      %mul3A_319 = arith.muli %get3A_313, %mul3A_318 : vector<16xi32>
      %add3A_320 = arith.addi %add3A_307, %mul3A_319 : vector<16xi32>
      %mul3A_321 = arith.constant 16 : i32
      %mul3A_322 = arith.muli %scan3A_295, %mul3A_321 : i32
      %get3A_323 = arith.constant 2 : i32
      %get3A_324 = arith.index_cast %get3A_323 : i32 to index
      %get3A_325 = arith.index_cast %mul3A_322 : i32 to index
      %get3A_326 = tpu.vector_load %arg9[%get3A_324, %get3A_325] {strides = array<i32>} : memref<16x1024xi32, #tpu.memory_space<vmem>>, vector<16xi32>,
      %add3A_327 = arith.addi %add3A_314, %get3A_326 : vector<16xi32>
      %lt3A_328 = arith.constant 2 : i32
      %lt3A_329 = arith.cmpi slt, %lt3A_328, %arg1 : i32
      %convert_element_type3A_330 = arith.extui %lt3A_329 : i1 to i32
      %mul3A_331 = vector.broadcast %convert_element_type3A_330 : i32 to vector<16xi32>
      %mul3A_332 = arith.muli %get3A_326, %mul3A_331 : vector<16xi32>
      %add3A_333 = arith.addi %add3A_320, %mul3A_332 : vector<16xi32>
      %mul3A_334 = arith.constant 16 : i32
      %mul3A_335 = arith.muli %scan3A_295, %mul3A_334 : i32
      %get3A_336 = arith.constant 3 : i32
      %get3A_337 = arith.index_cast %get3A_336 : i32 to index
      %get3A_338 = arith.index_cast %mul3A_335 : i32 to index
      %get3A_339 = tpu.vector_load %arg9[%get3A_337, %get3A_338] {strides = array<i32>} : memref<16x1024xi32, #tpu.memory_space<vmem>>, vector<16xi32>,
      %add3A_340 = arith.addi %add3A_327, %get3A_339 : vector<16xi32>
      %lt3A_341 = arith.constant 3 : i32
      %lt3A_342 = arith.cmpi slt, %lt3A_341, %arg1 : i32
      %convert_element_type3A_343 = arith.extui %lt3A_342 : i1 to i32
      %mul3A_344 = vector.broadcast %convert_element_type3A_343 : i32 to vector<16xi32>
      %mul3A_345 = arith.muli %get3A_339, %mul3A_344 : vector<16xi32>
      %add3A_346 = arith.addi %add3A_333, %mul3A_345 : vector<16xi32>
      %mul3A_347 = arith.constant 16 : i32
      %mul3A_348 = arith.muli %scan3A_295, %mul3A_347 : i32
      %get3A_349 = arith.constant 4 : i32
      %get3A_350 = arith.index_cast %get3A_349 : i32 to index
      %get3A_351 = arith.index_cast %mul3A_348 : i32 to index
      %get3A_352 = tpu.vector_load %arg9[%get3A_350, %get3A_351] {strides = array<i32>} : memref<16x1024xi32, #tpu.memory_space<vmem>>, vector<16xi32>,
      %add3A_353 = arith.addi %add3A_340, %get3A_352 : vector<16xi32>
      %lt3A_354 = arith.constant 4 : i32
      %lt3A_355 = arith.cmpi slt, %lt3A_354, %arg1 : i32
      %convert_element_type3A_356 = arith.extui %lt3A_355 : i1 to i32
      %mul3A_357 = vector.broadcast %convert_element_type3A_356 : i32 to vector<16xi32>
      %mul3A_358 = arith.muli %get3A_352, %mul3A_357 : vector<16xi32>
      %add3A_359 = arith.addi %add3A_346, %mul3A_358 : vector<16xi32>
      %mul3A_360 = arith.constant 16 : i32
      %mul3A_361 = arith.muli %scan3A_295, %mul3A_360 : i32
      %get3A_362 = arith.constant 5 : i32
      %get3A_363 = arith.index_cast %get3A_362 : i32 to index
      %get3A_364 = arith.index_cast %mul3A_361 : i32 to index
      %get3A_365 = tpu.vector_load %arg9[%get3A_363, %get3A_364] {strides = array<i32>} : memref<16x1024xi32, #tpu.memory_space<vmem>>, vector<16xi32>,
      %add3A_366 = arith.addi %add3A_353, %get3A_365 : vector<16xi32>
      %lt3A_367 = arith.constant 5 : i32
      %lt3A_368 = arith.cmpi slt, %lt3A_367, %arg1 : i32
      %convert_element_type3A_369 = arith.extui %lt3A_368 : i1 to i32
      %mul3A_370 = vector.broadcast %convert_element_type3A_369 : i32 to vector<16xi32>
      %mul3A_371 = arith.muli %get3A_365, %mul3A_370 : vector<16xi32>
      %add3A_372 = arith.addi %add3A_359, %mul3A_371 : vector<16xi32>
      %mul3A_373 = arith.constant 16 : i32
      %mul3A_374 = arith.muli %scan3A_295, %mul3A_373 : i32
      %get3A_375 = arith.constant 6 : i32
      %get3A_376 = arith.index_cast %get3A_375 : i32 to index
      %get3A_377 = arith.index_cast %mul3A_374 : i32 to index
      %get3A_378 = tpu.vector_load %arg9[%get3A_376, %get3A_377] {strides = array<i32>} : memref<16x1024xi32, #tpu.memory_space<vmem>>, vector<16xi32>,
      %add3A_379 = arith.addi %add3A_366, %get3A_378 : vector<16xi32>
      %lt3A_380 = arith.constant 6 : i32
      %lt3A_381 = arith.cmpi slt, %lt3A_380, %arg1 : i32
      %convert_element_type3A_382 = arith.extui %lt3A_381 : i1 to i32
      %mul3A_383 = vector.broadcast %convert_element_type3A_382 : i32 to vector<16xi32>
      %mul3A_384 = arith.muli %get3A_378, %mul3A_383 : vector<16xi32>
      %add3A_385 = arith.addi %add3A_372, %mul3A_384 : vector<16xi32>
      %mul3A_386 = arith.constant 16 : i32
      %mul3A_387 = arith.muli %scan3A_295, %mul3A_386 : i32
      %get3A_388 = arith.constant 7 : i32
      %get3A_389 = arith.index_cast %get3A_388 : i32 to index
      %get3A_390 = arith.index_cast %mul3A_387 : i32 to index
      %get3A_391 = tpu.vector_load %arg9[%get3A_389, %get3A_390] {strides = array<i32>} : memref<16x1024xi32, #tpu.memory_space<vmem>>, vector<16xi32>,
      %add3A_392 = arith.addi %add3A_379, %get3A_391 : vector<16xi32>
      %lt3A_393 = arith.constant 7 : i32
      %lt3A_394 = arith.cmpi slt, %lt3A_393, %arg1 : i32
      %convert_element_type3A_395 = arith.extui %lt3A_394 : i1 to i32
      %mul3A_396 = vector.broadcast %convert_element_type3A_395 : i32 to vector<16xi32>
      %mul3A_397 = arith.muli %get3A_391, %mul3A_396 : vector<16xi32>
      %add3A_398 = arith.addi %add3A_385, %mul3A_397 : vector<16xi32>
      %mul3A_399 = arith.constant 16 : i32
      %mul3A_400 = arith.muli %scan3A_295, %mul3A_399 : i32
      %get3A_401 = arith.constant 8 : i32
      %get3A_402 = arith.index_cast %get3A_401 : i32 to index
      %get3A_403 = arith.index_cast %mul3A_400 : i32 to index
      %get3A_404 = tpu.vector_load %arg9[%get3A_402, %get3A_403] {strides = array<i32>} : memref<16x1024xi32, #tpu.memory_space<vmem>>, vector<16xi32>,
      %add3A_405 = arith.addi %add3A_392, %get3A_404 : vector<16xi32>
      %lt3A_406 = arith.constant 8 : i32
      %lt3A_407 = arith.cmpi slt, %lt3A_406, %arg1 : i32
      %convert_element_type3A_408 = arith.extui %lt3A_407 : i1 to i32
      %mul3A_409 = vector.broadcast %convert_element_type3A_408 : i32 to vector<16xi32>
      %mul3A_410 = arith.muli %get3A_404, %mul3A_409 : vector<16xi32>
      %add3A_411 = arith.addi %add3A_398, %mul3A_410 : vector<16xi32>
      %mul3A_412 = arith.constant 16 : i32
      %mul3A_413 = arith.muli %scan3A_295, %mul3A_412 : i32
      %get3A_414 = arith.constant 9 : i32
      %get3A_415 = arith.index_cast %get3A_414 : i32 to index
      %get3A_416 = arith.index_cast %mul3A_413 : i32 to index
      %get3A_417 = tpu.vector_load %arg9[%get3A_415, %get3A_416] {strides = array<i32>} : memref<16x1024xi32, #tpu.memory_space<vmem>>, vector<16xi32>,
      %add3A_418 = arith.addi %add3A_405, %get3A_417 : vector<16xi32>
      %lt3A_419 = arith.constant 9 : i32
      %lt3A_420 = arith.cmpi slt, %lt3A_419, %arg1 : i32
      %convert_element_type3A_421 = arith.extui %lt3A_420 : i1 to i32
      %mul3A_422 = vector.broadcast %convert_element_type3A_421 : i32 to vector<16xi32>
      %mul3A_423 = arith.muli %get3A_417, %mul3A_422 : vector<16xi32>
      %add3A_424 = arith.addi %add3A_411, %mul3A_423 : vector<16xi32>
      %mul3A_425 = arith.constant 16 : i32
      %mul3A_426 = arith.muli %scan3A_295, %mul3A_425 : i32
      %get3A_427 = arith.constant 10 : i32
      %get3A_428 = arith.index_cast %get3A_427 : i32 to index
      %get3A_429 = arith.index_cast %mul3A_426 : i32 to index
      %get3A_430 = tpu.vector_load %arg9[%get3A_428, %get3A_429] {strides = array<i32>} : memref<16x1024xi32, #tpu.memory_space<vmem>>, vector<16xi32>,
      %add3A_431 = arith.addi %add3A_418, %get3A_430 : vector<16xi32>
      %lt3A_432 = arith.constant 10 : i32
      %lt3A_433 = arith.cmpi slt, %lt3A_432, %arg1 : i32
      %convert_element_type3A_434 = arith.extui %lt3A_433 : i1 to i32
      %mul3A_435 = vector.broadcast %convert_element_type3A_434 : i32 to vector<16xi32>
      %mul3A_436 = arith.muli %get3A_430, %mul3A_435 : vector<16xi32>
      %add3A_437 = arith.addi %add3A_424, %mul3A_436 : vector<16xi32>
      %mul3A_438 = arith.constant 16 : i32
      %mul3A_439 = arith.muli %scan3A_295, %mul3A_438 : i32
      %get3A_440 = arith.constant 11 : i32
      %get3A_441 = arith.index_cast %get3A_440 : i32 to index
      %get3A_442 = arith.index_cast %mul3A_439 : i32 to index
      %get3A_443 = tpu.vector_load %arg9[%get3A_441, %get3A_442] {strides = array<i32>} : memref<16x1024xi32, #tpu.memory_space<vmem>>, vector<16xi32>,
      %add3A_444 = arith.addi %add3A_431, %get3A_443 : vector<16xi32>
      %lt3A_445 = arith.constant 11 : i32
      %lt3A_446 = arith.cmpi slt, %lt3A_445, %arg1 : i32
      %convert_element_type3A_447 = arith.extui %lt3A_446 : i1 to i32
      %mul3A_448 = vector.broadcast %convert_element_type3A_447 : i32 to vector<16xi32>
      %mul3A_449 = arith.muli %get3A_443, %mul3A_448 : vector<16xi32>
      %add3A_450 = arith.addi %add3A_437, %mul3A_449 : vector<16xi32>
      %mul3A_451 = arith.constant 16 : i32
      %mul3A_452 = arith.muli %scan3A_295, %mul3A_451 : i32
      %get3A_453 = arith.constant 12 : i32
      %get3A_454 = arith.index_cast %get3A_453 : i32 to index
      %get3A_455 = arith.index_cast %mul3A_452 : i32 to index
      %get3A_456 = tpu.vector_load %arg9[%get3A_454, %get3A_455] {strides = array<i32>} : memref<16x1024xi32, #tpu.memory_space<vmem>>, vector<16xi32>,
      %add3A_457 = arith.addi %add3A_444, %get3A_456 : vector<16xi32>
      %lt3A_458 = arith.constant 12 : i32
      %lt3A_459 = arith.cmpi slt, %lt3A_458, %arg1 : i32
      %convert_element_type3A_460 = arith.extui %lt3A_459 : i1 to i32
      %mul3A_461 = vector.broadcast %convert_element_type3A_460 : i32 to vector<16xi32>
      %mul3A_462 = arith.muli %get3A_456, %mul3A_461 : vector<16xi32>
      %add3A_463 = arith.addi %add3A_450, %mul3A_462 : vector<16xi32>
      %mul3A_464 = arith.constant 16 : i32
      %mul3A_465 = arith.muli %scan3A_295, %mul3A_464 : i32
      %get3A_466 = arith.constant 13 : i32
      %get3A_467 = arith.index_cast %get3A_466 : i32 to index
      %get3A_468 = arith.index_cast %mul3A_465 : i32 to index
      %get3A_469 = tpu.vector_load %arg9[%get3A_467, %get3A_468] {strides = array<i32>} : memref<16x1024xi32, #tpu.memory_space<vmem>>, vector<16xi32>,
      %add3A_470 = arith.addi %add3A_457, %get3A_469 : vector<16xi32>
      %lt3A_471 = arith.constant 13 : i32
      %lt3A_472 = arith.cmpi slt, %lt3A_471, %arg1 : i32
      %convert_element_type3A_473 = arith.extui %lt3A_472 : i1 to i32
      %mul3A_474 = vector.broadcast %convert_element_type3A_473 : i32 to vector<16xi32>
      %mul3A_475 = arith.muli %get3A_469, %mul3A_474 : vector<16xi32>
      %add3A_476 = arith.addi %add3A_463, %mul3A_475 : vector<16xi32>
      %mul3A_477 = arith.constant 16 : i32
      %mul3A_478 = arith.muli %scan3A_295, %mul3A_477 : i32
      %get3A_479 = arith.constant 14 : i32
      %get3A_480 = arith.index_cast %get3A_479 : i32 to index
      %get3A_481 = arith.index_cast %mul3A_478 : i32 to index
      %get3A_482 = tpu.vector_load %arg9[%get3A_480, %get3A_481] {strides = array<i32>} : memref<16x1024xi32, #tpu.memory_space<vmem>>, vector<16xi32>,
      %add3A_483 = arith.addi %add3A_470, %get3A_482 : vector<16xi32>
      %lt3A_484 = arith.constant 14 : i32
      %lt3A_485 = arith.cmpi slt, %lt3A_484, %arg1 : i32
      %convert_element_type3A_486 = arith.extui %lt3A_485 : i1 to i32
      %mul3A_487 = vector.broadcast %convert_element_type3A_486 : i32 to vector<16xi32>
      %mul3A_488 = arith.muli %get3A_482, %mul3A_487 : vector<16xi32>
      %add3A_489 = arith.addi %add3A_476, %mul3A_488 : vector<16xi32>
      %mul3A_490 = arith.constant 16 : i32
      %mul3A_491 = arith.muli %scan3A_295, %mul3A_490 : i32
      %get3A_492 = arith.constant 15 : i32
      %get3A_493 = arith.index_cast %get3A_492 : i32 to index
      %get3A_494 = arith.index_cast %mul3A_491 : i32 to index
      %get3A_495 = tpu.vector_load %arg9[%get3A_493, %get3A_494] {strides = array<i32>} : memref<16x1024xi32, #tpu.memory_space<vmem>>, vector<16xi32>,
      %add3A_496 = arith.addi %add3A_483, %get3A_495 : vector<16xi32>
      %lt3A_497 = arith.constant 15 : i32
      %lt3A_498 = arith.cmpi slt, %lt3A_497, %arg1 : i32
      %convert_element_type3A_499 = arith.extui %lt3A_498 : i1 to i32
      %mul3A_500 = vector.broadcast %convert_element_type3A_499 : i32 to vector<16xi32>
      %mul3A_501 = arith.muli %get3A_495, %mul3A_500 : vector<16xi32>
      %add3A_502 = arith.addi %add3A_489, %mul3A_501 : vector<16xi32>
      %mul3A_503 = arith.constant 16 : i32
      %mul3A_504 = arith.muli %scan3A_295, %mul3A_503 : i32
      %swap3A_505 = arith.index_cast %mul3A_504 : i32 to index
      %swap3A_506 = tpu.vector_load %arg8[%swap3A_505] {strides = array<i32>} : memref<1024xi32, #tpu.memory_space<vmem>>, vector<16xi32>,
      tpu.vector_store %arg8[%swap3A_505], %add3A_496 {strides = array<i32>} : memref<1024xi32, #tpu.memory_space<vmem>>, vector<16xi32>,
      %mul3A_507 = arith.constant 16 : i32
      %mul3A_508 = arith.muli %scan3A_295, %mul3A_507 : i32
      %swap3A_509 = arith.index_cast %mul3A_508 : i32 to index
      %swap3A_510 = tpu.vector_load %arg11[%swap3A_509] {strides = array<i32>} : memref<1024xi32, #tpu.memory_space<vmem>>, vector<16xi32>,
      tpu.vector_store %arg11[%swap3A_509], %add3A_502 {strides = array<i32>} : memref<1024xi32, #tpu.memory_space<vmem>>, vector<16xi32>,
    }
    %scan3A_24 = arith.constant 64 : i32
    %scan3A_25 = arith.constant 0 : i32
    %scan3A_26 = arith.constant 0 : i32
    %scan3A_27 = arith.constant 64 : i32
    %scan3A_28 = arith.addi %scan3A_26, %scan3A_27 : i32
    %scan3A_29 = arith.constant 1 : i32
    %scan3A_30 = scf.for %scan3A_295 = %scan3A_26 to %scan3A_28 step %scan3A_29 iter_args(%scan3A_296 = %scan3A_25) -> (i32)  : i32 {
      %mul3A_297 = arith.constant 16 : i32
      %mul3A_298 = arith.muli %scan3A_295, %mul3A_297 : i32
      %get3A_299 = arith.index_cast %mul3A_298 : i32 to index
      %get3A_300 = tpu.vector_load %arg8[%get3A_299] {strides = array<i32>} : memref<1024xi32, #tpu.memory_space<vmem>>, vector<16xi32>,
      %broadcast_in_dim3A_301 = arith.constant true
      %broadcast_in_dim3A_302 = vector.broadcast %broadcast_in_dim3A_301 : i1 to vector<16xi1>
      %masked_cumsum3A = tpu.scan <sum>, %get3A_300 masked %broadcast_in_dim3A_302 : vector<16xi32>, vector<16xi1> -> vector<16xi32>
      %sub3A_303 = arith.subi %masked_cumsum3A, %get3A_300 : vector<16xi32>
      %broadcast_in_dim3A_304 = vector.broadcast %scan3A_296 : i32 to vector<16xi32>
      %add3A_305 = arith.addi %sub3A_303, %broadcast_in_dim3A_304 : vector<16xi32>
      %mul3A_306 = arith.constant 16 : i32
      %mul3A_307 = arith.muli %scan3A_295, %mul3A_306 : i32
      %swap3A_308 = arith.index_cast %mul3A_307 : i32 to index
      %swap3A_309 = tpu.vector_load %arg10[%swap3A_308] {strides = array<i32>} : memref<1088xi32, #tpu.memory_space<vmem>>, vector<16xi32>,
      tpu.vector_store %arg10[%swap3A_308], %add3A_305 {strides = array<i32>} : memref<1088xi32, #tpu.memory_space<vmem>>, vector<16xi32>,
      %mul3A_310 = arith.constant 16 : i32
      %mul3A_311 = arith.muli %scan3A_295, %mul3A_310 : i32
      %get3A_312 = arith.index_cast %mul3A_311 : i32 to index
      %get3A_313 = tpu.vector_load %arg11[%get3A_312] {strides = array<i32>} : memref<1024xi32, #tpu.memory_space<vmem>>, vector<16xi32>,
      %add3A_314 = arith.addi %get3A_313, %add3A_305 : vector<16xi32>
      %mul3A_315 = arith.constant 16 : i32
      %mul3A_316 = arith.muli %scan3A_295, %mul3A_315 : i32
      %swap3A_317 = arith.index_cast %mul3A_316 : i32 to index
      %swap3A_318 = tpu.vector_load %arg11[%swap3A_317] {strides = array<i32>} : memref<1024xi32, #tpu.memory_space<vmem>>, vector<16xi32>,
      tpu.vector_store %arg11[%swap3A_317], %add3A_314 {strides = array<i32>} : memref<1024xi32, #tpu.memory_space<vmem>>, vector<16xi32>,
      %slice3A_319 = vector.extract_strided_slice %masked_cumsum3A {offsets = [15], sizes = [1], strides = [1]} : vector<16xi32> to vector<1xi32>
      %squeeze3A_320 = vector.extract %slice3A_319[0] : i32 from vector<1xi32>
      %add3A_321 = arith.addi %scan3A_296, %squeeze3A_320 : i32
      scf.yield %add3A_321 : i32
    }
    %scan3A_31 = arith.constant 64 : i32
    %broadcast_in_dim3A_32 = vector.broadcast %scan3A_30 : i32 to vector<16xi32>
    %swap3A = arith.constant 1024 : index
    %swap3A_33 = tpu.vector_load %arg10[%swap3A] {strides = array<i32>} : memref<1088xi32, #tpu.memory_space<vmem>>, vector<16xi32>,
    tpu.vector_store %arg10[%swap3A], %broadcast_in_dim3A_32 {strides = array<i32>} : memref<1088xi32, #tpu.memory_space<vmem>>, vector<16xi32>,
    %broadcast_in_dim3A_34 = vector.broadcast %scan3A_30 : i32 to vector<16xi32>
    %swap3A_35 = arith.constant 1040 : index
    %swap3A_36 = tpu.vector_load %arg10[%swap3A_35] {strides = array<i32>} : memref<1088xi32, #tpu.memory_space<vmem>>, vector<16xi32>,
    tpu.vector_store %arg10[%swap3A_35], %broadcast_in_dim3A_34 {strides = array<i32>} : memref<1088xi32, #tpu.memory_space<vmem>>, vector<16xi32>,
    %broadcast_in_dim3A_37 = vector.broadcast %scan3A_30 : i32 to vector<16xi32>
    %swap3A_38 = arith.constant 1056 : index
    %swap3A_39 = tpu.vector_load %arg10[%swap3A_38] {strides = array<i32>} : memref<1088xi32, #tpu.memory_space<vmem>>, vector<16xi32>,
    tpu.vector_store %arg10[%swap3A_38], %broadcast_in_dim3A_37 {strides = array<i32>} : memref<1088xi32, #tpu.memory_space<vmem>>, vector<16xi32>,
    %broadcast_in_dim3A_40 = vector.broadcast %scan3A_30 : i32 to vector<16xi32>
    %swap3A_41 = arith.constant 1072 : index
    %swap3A_42 = tpu.vector_load %arg10[%swap3A_41] {strides = array<i32>} : memref<1088xi32, #tpu.memory_space<vmem>>, vector<16xi32>,
    tpu.vector_store %arg10[%swap3A_41], %broadcast_in_dim3A_40 {strides = array<i32>} : memref<1088xi32, #tpu.memory_space<vmem>>, vector<16xi32>,
    %scan3A_43 = arith.constant 0 : i32
    %scan3A_44 = arith.constant 0 : i32
    %scan3A_45 = arith.constant 64 : i32
    %scan3A_46 = arith.addi %scan3A_44, %scan3A_45 : i32
    %scan3A_47 = arith.constant 1 : i32
    scf.for %scan3A_295 = %scan3A_44 to %scan3A_46 step %scan3A_47  : i32 {
      %mul3A_296 = arith.constant 16 : i32
      %mul3A_297 = arith.muli %scan3A_295, %mul3A_296 : i32
      %get3A_298 = arith.index_cast %mul3A_297 : i32 to index
      %get3A_299 = tpu.vector_load %arg7[%get3A_298] {strides = array<i32>} : memref<1024xi32, #tpu.memory_space<vmem>>, vector<16xi32>,
      %broadcast_in_dim3A_300 = arith.constant true
      %broadcast_in_dim3A_301 = vector.broadcast %broadcast_in_dim3A_300 : i1 to vector<16xi1>
      %unique3A, %unique3A_302 = tpu.scan_count mask(%broadcast_in_dim3A_301 : vector<16xi1>) value(%get3A_299 : vector<16xi32>) : vector<16xi1>, vector<16xi32>
      %gather3A = tpu.vector_load_idx %arg11[%get3A_299] : memref<1024xi32, #tpu.memory_space<vmem>>[vector<16xi32>], vector<16xi32>,
      %add3A_303 = arith.addi %gather3A, %unique3A_302 : vector<16xi32>
      %sub3A_304 = arith.constant 1 : i32
      %sub3A_305 = vector.broadcast %sub3A_304 : i32 to vector<16xi32>
      %sub3A_306 = arith.subi %add3A_303, %sub3A_305 : vector<16xi32>
      %div3A_307 = arith.constant 8 : i32
      %div3A_308 = arith.divsi %scan3A_295, %div3A_307 : i32
      %rem3A = arith.constant 8 : i32
      %rem3A_309 = arith.remsi %scan3A_295, %rem3A : i32
      %mul3A_310 = arith.constant 16 : i32
      %mul3A_311 = arith.muli %mul3A_310, %rem3A_309 : i32
      %swap3A_312 = arith.index_cast %div3A_308 : i32 to index
      %swap3A_313 = arith.index_cast %mul3A_311 : i32 to index
      %swap3A_314 = tpu.vector_load %arg12[%swap3A_312, %swap3A_313] {strides = array<i32>} : memref<8x128xi32, #tpu.memory_space<vmem>>, vector<16xi32>,
      tpu.vector_store %arg12[%swap3A_312, %swap3A_313], %sub3A_306 {strides = array<i32>} : memref<8x128xi32, #tpu.memory_space<vmem>>, vector<16xi32>,
      %mul3A_315 = arith.constant 1024 : i32
      %mul3A_316 = arith.muli %arg1, %mul3A_315 : i32
      %mul3A_317 = arith.constant 16 : i32
      %mul3A_318 = arith.muli %scan3A_295, %mul3A_317 : i32
      %add3A_319 = arith.addi %mul3A_316, %mul3A_318 : i32
      %add3A_320 = vector.broadcast %add3A_319 : i32 to vector<16xi32>
      %add3A_321 = arith.addi %add3A_320, %iota3A : vector<16xi32>
      %swap3A_322 = arith.index_cast %div3A_308 : i32 to index
      %swap3A_323 = arith.index_cast %mul3A_311 : i32 to index
      %swap3A_324 = tpu.vector_load %arg13[%swap3A_322, %swap3A_323] {strides = array<i32>} : memref<8x128xi32, #tpu.memory_space<vmem>>, vector<16xi32>,
      tpu.vector_store %arg13[%swap3A_322, %swap3A_323], %add3A_321 {strides = array<i32>} : memref<8x128xi32, #tpu.memory_space<vmem>>, vector<16xi32>,
      tpu.vector_store_idx %arg11[%get3A_299], %broadcast_in_dim3A_5 {add = true} : memref<1024xi32, #tpu.memory_space<vmem>>[vector<16xi32>], vector<16xi32>,
    }
    %scan3A_48 = arith.constant 64 : i32
    %dma_start3A = arith.constant 0 : i32
    %dma_start3A_49 = arith.constant 0 : i32
    %dma_start3A_50 = arith.constant 0 : i32
    %dma_start3A_51 = tpu.memref_slice %arg13[%dma_start3A, %dma_start3A_50] : memref<8x128xi32, #tpu.memory_space<vmem>> -> memref<1x128xi32, #tpu.memory_space<vmem>>
    %dma_start3A_52 = tpu.memref_squeeze %dma_start3A_51 : memref<1x128xi32, #tpu.memory_space<vmem>> -> memref<128xi32, #tpu.memory_space<vmem>>
    %dma_start3A_53 = arith.constant 0 : i32
    %dma_start3A_54 = tpu.memref_slice %arg12[%dma_start3A_49, %dma_start3A_53] : memref<8x128xi32, #tpu.memory_space<vmem>> -> memref<1x128xi32, #tpu.memory_space<vmem>>
    %dma_start3A_55 = tpu.memref_squeeze %dma_start3A_54 : memref<1x128xi32, #tpu.memory_space<vmem>> -> memref<128xi32, #tpu.memory_space<vmem>>
    %dma_start3A_56 = arith.constant 0 : i32
    %dma_start3A_57 = tpu.memref_slice %arg19[%dma_start3A_56] : memref<16896xi32, #tpu.memory_space<vmem_shared>> -> memref<16896xi32, #tpu.memory_space<vmem_shared>>
    tpu.enqueue_indirect_dma source(%dma_start3A_52 : memref<128xi32, #tpu.memory_space<vmem>>) target(%dma_start3A_57 : memref<16896xi32, #tpu.memory_space<vmem_shared>>) offsets(%dma_start3A_55 : memref<128xi32, #tpu.memory_space<vmem>>) semaphore(%arg20 : memref<!tpu.dma_semaphore, #tpu.memory_space<semaphore_mem>>)
    %dma_start3A_58 = arith.constant 1 : i32
    %dma_start3A_59 = arith.constant 1 : i32
    %dma_start3A_60 = arith.constant 0 : i32
    %dma_start3A_61 = tpu.memref_slice %arg13[%dma_start3A_58, %dma_start3A_60] : memref<8x128xi32, #tpu.memory_space<vmem>> -> memref<1x128xi32, #tpu.memory_space<vmem>>
    %dma_start3A_62 = tpu.memref_squeeze %dma_start3A_61 : memref<1x128xi32, #tpu.memory_space<vmem>> -> memref<128xi32, #tpu.memory_space<vmem>>
    %dma_start3A_63 = arith.constant 0 : i32
    %dma_start3A_64 = tpu.memref_slice %arg12[%dma_start3A_59, %dma_start3A_63] : memref<8x128xi32, #tpu.memory_space<vmem>> -> memref<1x128xi32, #tpu.memory_space<vmem>>
    %dma_start3A_65 = tpu.memref_squeeze %dma_start3A_64 : memref<1x128xi32, #tpu.memory_space<vmem>> -> memref<128xi32, #tpu.memory_space<vmem>>
    %dma_start3A_66 = arith.constant 0 : i32
    %dma_start3A_67 = tpu.memref_slice %arg19[%dma_start3A_66] : memref<16896xi32, #tpu.memory_space<vmem_shared>> -> memref<16896xi32, #tpu.memory_space<vmem_shared>>
    tpu.enqueue_indirect_dma source(%dma_start3A_62 : memref<128xi32, #tpu.memory_space<vmem>>) target(%dma_start3A_67 : memref<16896xi32, #tpu.memory_space<vmem_shared>>) offsets(%dma_start3A_65 : memref<128xi32, #tpu.memory_space<vmem>>) semaphore(%arg20 : memref<!tpu.dma_semaphore, #tpu.memory_space<semaphore_mem>>)
    %dma_start3A_68 = arith.constant 2 : i32
    %dma_start3A_69 = arith.constant 2 : i32
    %dma_start3A_70 = arith.constant 0 : i32
    %dma_start3A_71 = tpu.memref_slice %arg13[%dma_start3A_68, %dma_start3A_70] : memref<8x128xi32, #tpu.memory_space<vmem>> -> memref<1x128xi32, #tpu.memory_space<vmem>>
    %dma_start3A_72 = tpu.memref_squeeze %dma_start3A_71 : memref<1x128xi32, #tpu.memory_space<vmem>> -> memref<128xi32, #tpu.memory_space<vmem>>
    %dma_start3A_73 = arith.constant 0 : i32
    %dma_start3A_74 = tpu.memref_slice %arg12[%dma_start3A_69, %dma_start3A_73] : memref<8x128xi32, #tpu.memory_space<vmem>> -> memref<1x128xi32, #tpu.memory_space<vmem>>
    %dma_start3A_75 = tpu.memref_squeeze %dma_start3A_74 : memref<1x128xi32, #tpu.memory_space<vmem>> -> memref<128xi32, #tpu.memory_space<vmem>>
    %dma_start3A_76 = arith.constant 0 : i32
    %dma_start3A_77 = tpu.memref_slice %arg19[%dma_start3A_76] : memref<16896xi32, #tpu.memory_space<vmem_shared>> -> memref<16896xi32, #tpu.memory_space<vmem_shared>>
    tpu.enqueue_indirect_dma source(%dma_start3A_72 : memref<128xi32, #tpu.memory_space<vmem>>) target(%dma_start3A_77 : memref<16896xi32, #tpu.memory_space<vmem_shared>>) offsets(%dma_start3A_75 : memref<128xi32, #tpu.memory_space<vmem>>) semaphore(%arg20 : memref<!tpu.dma_semaphore, #tpu.memory_space<semaphore_mem>>)
    %dma_start3A_78 = arith.constant 3 : i32
    %dma_start3A_79 = arith.constant 3 : i32
    %dma_start3A_80 = arith.constant 0 : i32
    %dma_start3A_81 = tpu.memref_slice %arg13[%dma_start3A_78, %dma_start3A_80] : memref<8x128xi32, #tpu.memory_space<vmem>> -> memref<1x128xi32, #tpu.memory_space<vmem>>
    %dma_start3A_82 = tpu.memref_squeeze %dma_start3A_81 : memref<1x128xi32, #tpu.memory_space<vmem>> -> memref<128xi32, #tpu.memory_space<vmem>>
    %dma_start3A_83 = arith.constant 0 : i32
    %dma_start3A_84 = tpu.memref_slice %arg12[%dma_start3A_79, %dma_start3A_83] : memref<8x128xi32, #tpu.memory_space<vmem>> -> memref<1x128xi32, #tpu.memory_space<vmem>>
    %dma_start3A_85 = tpu.memref_squeeze %dma_start3A_84 : memref<1x128xi32, #tpu.memory_space<vmem>> -> memref<128xi32, #tpu.memory_space<vmem>>
    %dma_start3A_86 = arith.constant 0 : i32
    %dma_start3A_87 = tpu.memref_slice %arg19[%dma_start3A_86] : memref<16896xi32, #tpu.memory_space<vmem_shared>> -> memref<16896xi32, #tpu.memory_space<vmem_shared>>
    tpu.enqueue_indirect_dma source(%dma_start3A_82 : memref<128xi32, #tpu.memory_space<vmem>>) target(%dma_start3A_87 : memref<16896xi32, #tpu.memory_space<vmem_shared>>) offsets(%dma_start3A_85 : memref<128xi32, #tpu.memory_space<vmem>>) semaphore(%arg20 : memref<!tpu.dma_semaphore, #tpu.memory_space<semaphore_mem>>)
    %dma_start3A_88 = arith.constant 4 : i32
    %dma_start3A_89 = arith.constant 4 : i32
    %dma_start3A_90 = arith.constant 0 : i32
    %dma_start3A_91 = tpu.memref_slice %arg13[%dma_start3A_88, %dma_start3A_90] : memref<8x128xi32, #tpu.memory_space<vmem>> -> memref<1x128xi32, #tpu.memory_space<vmem>>
    %dma_start3A_92 = tpu.memref_squeeze %dma_start3A_91 : memref<1x128xi32, #tpu.memory_space<vmem>> -> memref<128xi32, #tpu.memory_space<vmem>>
    %dma_start3A_93 = arith.constant 0 : i32
    %dma_start3A_94 = tpu.memref_slice %arg12[%dma_start3A_89, %dma_start3A_93] : memref<8x128xi32, #tpu.memory_space<vmem>> -> memref<1x128xi32, #tpu.memory_space<vmem>>
    %dma_start3A_95 = tpu.memref_squeeze %dma_start3A_94 : memref<1x128xi32, #tpu.memory_space<vmem>> -> memref<128xi32, #tpu.memory_space<vmem>>
    %dma_start3A_96 = arith.constant 0 : i32
    %dma_start3A_97 = tpu.memref_slice %arg19[%dma_start3A_96] : memref<16896xi32, #tpu.memory_space<vmem_shared>> -> memref<16896xi32, #tpu.memory_space<vmem_shared>>
    tpu.enqueue_indirect_dma source(%dma_start3A_92 : memref<128xi32, #tpu.memory_space<vmem>>) target(%dma_start3A_97 : memref<16896xi32, #tpu.memory_space<vmem_shared>>) offsets(%dma_start3A_95 : memref<128xi32, #tpu.memory_space<vmem>>) semaphore(%arg20 : memref<!tpu.dma_semaphore, #tpu.memory_space<semaphore_mem>>)
    %dma_start3A_98 = arith.constant 5 : i32
    %dma_start3A_99 = arith.constant 5 : i32
    %dma_start3A_100 = arith.constant 0 : i32
    %dma_start3A_101 = tpu.memref_slice %arg13[%dma_start3A_98, %dma_start3A_100] : memref<8x128xi32, #tpu.memory_space<vmem>> -> memref<1x128xi32, #tpu.memory_space<vmem>>
    %dma_start3A_102 = tpu.memref_squeeze %dma_start3A_101 : memref<1x128xi32, #tpu.memory_space<vmem>> -> memref<128xi32, #tpu.memory_space<vmem>>
    %dma_start3A_103 = arith.constant 0 : i32
    %dma_start3A_104 = tpu.memref_slice %arg12[%dma_start3A_99, %dma_start3A_103] : memref<8x128xi32, #tpu.memory_space<vmem>> -> memref<1x128xi32, #tpu.memory_space<vmem>>
    %dma_start3A_105 = tpu.memref_squeeze %dma_start3A_104 : memref<1x128xi32, #tpu.memory_space<vmem>> -> memref<128xi32, #tpu.memory_space<vmem>>
    %dma_start3A_106 = arith.constant 0 : i32
    %dma_start3A_107 = tpu.memref_slice %arg19[%dma_start3A_106] : memref<16896xi32, #tpu.memory_space<vmem_shared>> -> memref<16896xi32, #tpu.memory_space<vmem_shared>>
    tpu.enqueue_indirect_dma source(%dma_start3A_102 : memref<128xi32, #tpu.memory_space<vmem>>) target(%dma_start3A_107 : memref<16896xi32, #tpu.memory_space<vmem_shared>>) offsets(%dma_start3A_105 : memref<128xi32, #tpu.memory_space<vmem>>) semaphore(%arg20 : memref<!tpu.dma_semaphore, #tpu.memory_space<semaphore_mem>>)
    %dma_start3A_108 = arith.constant 6 : i32
    %dma_start3A_109 = arith.constant 6 : i32
    %dma_start3A_110 = arith.constant 0 : i32
    %dma_start3A_111 = tpu.memref_slice %arg13[%dma_start3A_108, %dma_start3A_110] : memref<8x128xi32, #tpu.memory_space<vmem>> -> memref<1x128xi32, #tpu.memory_space<vmem>>
    %dma_start3A_112 = tpu.memref_squeeze %dma_start3A_111 : memref<1x128xi32, #tpu.memory_space<vmem>> -> memref<128xi32, #tpu.memory_space<vmem>>
    %dma_start3A_113 = arith.constant 0 : i32
    %dma_start3A_114 = tpu.memref_slice %arg12[%dma_start3A_109, %dma_start3A_113] : memref<8x128xi32, #tpu.memory_space<vmem>> -> memref<1x128xi32, #tpu.memory_space<vmem>>
    %dma_start3A_115 = tpu.memref_squeeze %dma_start3A_114 : memref<1x128xi32, #tpu.memory_space<vmem>> -> memref<128xi32, #tpu.memory_space<vmem>>
    %dma_start3A_116 = arith.constant 0 : i32
    %dma_start3A_117 = tpu.memref_slice %arg19[%dma_start3A_116] : memref<16896xi32, #tpu.memory_space<vmem_shared>> -> memref<16896xi32, #tpu.memory_space<vmem_shared>>
    tpu.enqueue_indirect_dma source(%dma_start3A_112 : memref<128xi32, #tpu.memory_space<vmem>>) target(%dma_start3A_117 : memref<16896xi32, #tpu.memory_space<vmem_shared>>) offsets(%dma_start3A_115 : memref<128xi32, #tpu.memory_space<vmem>>) semaphore(%arg20 : memref<!tpu.dma_semaphore, #tpu.memory_space<semaphore_mem>>)
    %dma_start3A_118 = arith.constant 7 : i32
    %dma_start3A_119 = arith.constant 7 : i32
    %dma_start3A_120 = arith.constant 0 : i32
    %dma_start3A_121 = tpu.memref_slice %arg13[%dma_start3A_118, %dma_start3A_120] : memref<8x128xi32, #tpu.memory_space<vmem>> -> memref<1x128xi32, #tpu.memory_space<vmem>>
    %dma_start3A_122 = tpu.memref_squeeze %dma_start3A_121 : memref<1x128xi32, #tpu.memory_space<vmem>> -> memref<128xi32, #tpu.memory_space<vmem>>
    %dma_start3A_123 = arith.constant 0 : i32
    %dma_start3A_124 = tpu.memref_slice %arg12[%dma_start3A_119, %dma_start3A_123] : memref<8x128xi32, #tpu.memory_space<vmem>> -> memref<1x128xi32, #tpu.memory_space<vmem>>
    %dma_start3A_125 = tpu.memref_squeeze %dma_start3A_124 : memref<1x128xi32, #tpu.memory_space<vmem>> -> memref<128xi32, #tpu.memory_space<vmem>>
    %dma_start3A_126 = arith.constant 0 : i32
    %dma_start3A_127 = tpu.memref_slice %arg19[%dma_start3A_126] : memref<16896xi32, #tpu.memory_space<vmem_shared>> -> memref<16896xi32, #tpu.memory_space<vmem_shared>>
    tpu.enqueue_indirect_dma source(%dma_start3A_122 : memref<128xi32, #tpu.memory_space<vmem>>) target(%dma_start3A_127 : memref<16896xi32, #tpu.memory_space<vmem_shared>>) offsets(%dma_start3A_125 : memref<128xi32, #tpu.memory_space<vmem>>) semaphore(%arg20 : memref<!tpu.dma_semaphore, #tpu.memory_space<semaphore_mem>>)
    %dma_wait3A = arith.constant 0 : i32
    %dma_wait3A_128 = arith.constant 0 : i32
    %dma_wait3A_129 = arith.constant 0 : i32
    %dma_wait3A_130 = tpu.memref_slice %arg13[%dma_wait3A, %dma_wait3A_129] : memref<8x128xi32, #tpu.memory_space<vmem>> -> memref<1x128xi32, #tpu.memory_space<vmem>>
    %dma_wait3A_131 = tpu.memref_squeeze %dma_wait3A_130 : memref<1x128xi32, #tpu.memory_space<vmem>> -> memref<128xi32, #tpu.memory_space<vmem>>
    %dma_wait3A_132 = arith.constant 0 : i32
    %dma_wait3A_133 = tpu.memref_slice %arg12[%dma_wait3A_128, %dma_wait3A_132] : memref<8x128xi32, #tpu.memory_space<vmem>> -> memref<1x128xi32, #tpu.memory_space<vmem>>
    %dma_wait3A_134 = tpu.memref_squeeze %dma_wait3A_133 : memref<1x128xi32, #tpu.memory_space<vmem>> -> memref<128xi32, #tpu.memory_space<vmem>>
    %dma_wait3A_135 = arith.constant 0 : i32
    %dma_wait3A_136 = tpu.memref_slice %arg19[%dma_wait3A_135] : memref<16896xi32, #tpu.memory_space<vmem_shared>> -> memref<16896xi32, #tpu.memory_space<vmem_shared>>
    tpu.wait_indirect_dma semaphore(%arg20 : memref<!tpu.dma_semaphore, #tpu.memory_space<semaphore_mem>>) src(%dma_wait3A_131 : memref<128xi32, #tpu.memory_space<vmem>>) dst(%dma_wait3A_136 : memref<16896xi32, #tpu.memory_space<vmem_shared>>)
    %dma_wait3A_137 = arith.constant 1 : i32
    %dma_wait3A_138 = arith.constant 1 : i32
    %dma_wait3A_139 = arith.constant 0 : i32
    %dma_wait3A_140 = tpu.memref_slice %arg13[%dma_wait3A_137, %dma_wait3A_139] : memref<8x128xi32, #tpu.memory_space<vmem>> -> memref<1x128xi32, #tpu.memory_space<vmem>>
    %dma_wait3A_141 = tpu.memref_squeeze %dma_wait3A_140 : memref<1x128xi32, #tpu.memory_space<vmem>> -> memref<128xi32, #tpu.memory_space<vmem>>
    %dma_wait3A_142 = arith.constant 0 : i32
    %dma_wait3A_143 = tpu.memref_slice %arg12[%dma_wait3A_138, %dma_wait3A_142] : memref<8x128xi32, #tpu.memory_space<vmem>> -> memref<1x128xi32, #tpu.memory_space<vmem>>
    %dma_wait3A_144 = tpu.memref_squeeze %dma_wait3A_143 : memref<1x128xi32, #tpu.memory_space<vmem>> -> memref<128xi32, #tpu.memory_space<vmem>>
    %dma_wait3A_145 = arith.constant 0 : i32
    %dma_wait3A_146 = tpu.memref_slice %arg19[%dma_wait3A_145] : memref<16896xi32, #tpu.memory_space<vmem_shared>> -> memref<16896xi32, #tpu.memory_space<vmem_shared>>
    tpu.wait_indirect_dma semaphore(%arg20 : memref<!tpu.dma_semaphore, #tpu.memory_space<semaphore_mem>>) src(%dma_wait3A_141 : memref<128xi32, #tpu.memory_space<vmem>>) dst(%dma_wait3A_146 : memref<16896xi32, #tpu.memory_space<vmem_shared>>)
    %dma_wait3A_147 = arith.constant 2 : i32
    %dma_wait3A_148 = arith.constant 2 : i32
    %dma_wait3A_149 = arith.constant 0 : i32
    %dma_wait3A_150 = tpu.memref_slice %arg13[%dma_wait3A_147, %dma_wait3A_149] : memref<8x128xi32, #tpu.memory_space<vmem>> -> memref<1x128xi32, #tpu.memory_space<vmem>>
    %dma_wait3A_151 = tpu.memref_squeeze %dma_wait3A_150 : memref<1x128xi32, #tpu.memory_space<vmem>> -> memref<128xi32, #tpu.memory_space<vmem>>
    %dma_wait3A_152 = arith.constant 0 : i32
    %dma_wait3A_153 = tpu.memref_slice %arg12[%dma_wait3A_148, %dma_wait3A_152] : memref<8x128xi32, #tpu.memory_space<vmem>> -> memref<1x128xi32, #tpu.memory_space<vmem>>
    %dma_wait3A_154 = tpu.memref_squeeze %dma_wait3A_153 : memref<1x128xi32, #tpu.memory_space<vmem>> -> memref<128xi32, #tpu.memory_space<vmem>>
    %dma_wait3A_155 = arith.constant 0 : i32
    %dma_wait3A_156 = tpu.memref_slice %arg19[%dma_wait3A_155] : memref<16896xi32, #tpu.memory_space<vmem_shared>> -> memref<16896xi32, #tpu.memory_space<vmem_shared>>
    tpu.wait_indirect_dma semaphore(%arg20 : memref<!tpu.dma_semaphore, #tpu.memory_space<semaphore_mem>>) src(%dma_wait3A_151 : memref<128xi32, #tpu.memory_space<vmem>>) dst(%dma_wait3A_156 : memref<16896xi32, #tpu.memory_space<vmem_shared>>)
    %dma_wait3A_157 = arith.constant 3 : i32
    %dma_wait3A_158 = arith.constant 3 : i32
    %dma_wait3A_159 = arith.constant 0 : i32
    %dma_wait3A_160 = tpu.memref_slice %arg13[%dma_wait3A_157, %dma_wait3A_159] : memref<8x128xi32, #tpu.memory_space<vmem>> -> memref<1x128xi32, #tpu.memory_space<vmem>>
    %dma_wait3A_161 = tpu.memref_squeeze %dma_wait3A_160 : memref<1x128xi32, #tpu.memory_space<vmem>> -> memref<128xi32, #tpu.memory_space<vmem>>
    %dma_wait3A_162 = arith.constant 0 : i32
    %dma_wait3A_163 = tpu.memref_slice %arg12[%dma_wait3A_158, %dma_wait3A_162] : memref<8x128xi32, #tpu.memory_space<vmem>> -> memref<1x128xi32, #tpu.memory_space<vmem>>
    %dma_wait3A_164 = tpu.memref_squeeze %dma_wait3A_163 : memref<1x128xi32, #tpu.memory_space<vmem>> -> memref<128xi32, #tpu.memory_space<vmem>>
    %dma_wait3A_165 = arith.constant 0 : i32
    %dma_wait3A_166 = tpu.memref_slice %arg19[%dma_wait3A_165] : memref<16896xi32, #tpu.memory_space<vmem_shared>> -> memref<16896xi32, #tpu.memory_space<vmem_shared>>
    tpu.wait_indirect_dma semaphore(%arg20 : memref<!tpu.dma_semaphore, #tpu.memory_space<semaphore_mem>>) src(%dma_wait3A_161 : memref<128xi32, #tpu.memory_space<vmem>>) dst(%dma_wait3A_166 : memref<16896xi32, #tpu.memory_space<vmem_shared>>)
    %dma_wait3A_167 = arith.constant 4 : i32
    %dma_wait3A_168 = arith.constant 4 : i32
    %dma_wait3A_169 = arith.constant 0 : i32
    %dma_wait3A_170 = tpu.memref_slice %arg13[%dma_wait3A_167, %dma_wait3A_169] : memref<8x128xi32, #tpu.memory_space<vmem>> -> memref<1x128xi32, #tpu.memory_space<vmem>>
    %dma_wait3A_171 = tpu.memref_squeeze %dma_wait3A_170 : memref<1x128xi32, #tpu.memory_space<vmem>> -> memref<128xi32, #tpu.memory_space<vmem>>
    %dma_wait3A_172 = arith.constant 0 : i32
    %dma_wait3A_173 = tpu.memref_slice %arg12[%dma_wait3A_168, %dma_wait3A_172] : memref<8x128xi32, #tpu.memory_space<vmem>> -> memref<1x128xi32, #tpu.memory_space<vmem>>
    %dma_wait3A_174 = tpu.memref_squeeze %dma_wait3A_173 : memref<1x128xi32, #tpu.memory_space<vmem>> -> memref<128xi32, #tpu.memory_space<vmem>>
    %dma_wait3A_175 = arith.constant 0 : i32
    %dma_wait3A_176 = tpu.memref_slice %arg19[%dma_wait3A_175] : memref<16896xi32, #tpu.memory_space<vmem_shared>> -> memref<16896xi32, #tpu.memory_space<vmem_shared>>
    tpu.wait_indirect_dma semaphore(%arg20 : memref<!tpu.dma_semaphore, #tpu.memory_space<semaphore_mem>>) src(%dma_wait3A_171 : memref<128xi32, #tpu.memory_space<vmem>>) dst(%dma_wait3A_176 : memref<16896xi32, #tpu.memory_space<vmem_shared>>)
    %dma_wait3A_177 = arith.constant 5 : i32
    %dma_wait3A_178 = arith.constant 5 : i32
    %dma_wait3A_179 = arith.constant 0 : i32
    %dma_wait3A_180 = tpu.memref_slice %arg13[%dma_wait3A_177, %dma_wait3A_179] : memref<8x128xi32, #tpu.memory_space<vmem>> -> memref<1x128xi32, #tpu.memory_space<vmem>>
    %dma_wait3A_181 = tpu.memref_squeeze %dma_wait3A_180 : memref<1x128xi32, #tpu.memory_space<vmem>> -> memref<128xi32, #tpu.memory_space<vmem>>
    %dma_wait3A_182 = arith.constant 0 : i32
    %dma_wait3A_183 = tpu.memref_slice %arg12[%dma_wait3A_178, %dma_wait3A_182] : memref<8x128xi32, #tpu.memory_space<vmem>> -> memref<1x128xi32, #tpu.memory_space<vmem>>
    %dma_wait3A_184 = tpu.memref_squeeze %dma_wait3A_183 : memref<1x128xi32, #tpu.memory_space<vmem>> -> memref<128xi32, #tpu.memory_space<vmem>>
    %dma_wait3A_185 = arith.constant 0 : i32
    %dma_wait3A_186 = tpu.memref_slice %arg19[%dma_wait3A_185] : memref<16896xi32, #tpu.memory_space<vmem_shared>> -> memref<16896xi32, #tpu.memory_space<vmem_shared>>
    tpu.wait_indirect_dma semaphore(%arg20 : memref<!tpu.dma_semaphore, #tpu.memory_space<semaphore_mem>>) src(%dma_wait3A_181 : memref<128xi32, #tpu.memory_space<vmem>>) dst(%dma_wait3A_186 : memref<16896xi32, #tpu.memory_space<vmem_shared>>)
    %dma_wait3A_187 = arith.constant 6 : i32
    %dma_wait3A_188 = arith.constant 6 : i32
    %dma_wait3A_189 = arith.constant 0 : i32
    %dma_wait3A_190 = tpu.memref_slice %arg13[%dma_wait3A_187, %dma_wait3A_189] : memref<8x128xi32, #tpu.memory_space<vmem>> -> memref<1x128xi32, #tpu.memory_space<vmem>>
    %dma_wait3A_191 = tpu.memref_squeeze %dma_wait3A_190 : memref<1x128xi32, #tpu.memory_space<vmem>> -> memref<128xi32, #tpu.memory_space<vmem>>
    %dma_wait3A_192 = arith.constant 0 : i32
    %dma_wait3A_193 = tpu.memref_slice %arg12[%dma_wait3A_188, %dma_wait3A_192] : memref<8x128xi32, #tpu.memory_space<vmem>> -> memref<1x128xi32, #tpu.memory_space<vmem>>
    %dma_wait3A_194 = tpu.memref_squeeze %dma_wait3A_193 : memref<1x128xi32, #tpu.memory_space<vmem>> -> memref<128xi32, #tpu.memory_space<vmem>>
    %dma_wait3A_195 = arith.constant 0 : i32
    %dma_wait3A_196 = tpu.memref_slice %arg19[%dma_wait3A_195] : memref<16896xi32, #tpu.memory_space<vmem_shared>> -> memref<16896xi32, #tpu.memory_space<vmem_shared>>
    tpu.wait_indirect_dma semaphore(%arg20 : memref<!tpu.dma_semaphore, #tpu.memory_space<semaphore_mem>>) src(%dma_wait3A_191 : memref<128xi32, #tpu.memory_space<vmem>>) dst(%dma_wait3A_196 : memref<16896xi32, #tpu.memory_space<vmem_shared>>)
    %dma_wait3A_197 = arith.constant 7 : i32
    %dma_wait3A_198 = arith.constant 7 : i32
    %dma_wait3A_199 = arith.constant 0 : i32
    %dma_wait3A_200 = tpu.memref_slice %arg13[%dma_wait3A_197, %dma_wait3A_199] : memref<8x128xi32, #tpu.memory_space<vmem>> -> memref<1x128xi32, #tpu.memory_space<vmem>>
    %dma_wait3A_201 = tpu.memref_squeeze %dma_wait3A_200 : memref<1x128xi32, #tpu.memory_space<vmem>> -> memref<128xi32, #tpu.memory_space<vmem>>
    %dma_wait3A_202 = arith.constant 0 : i32
    %dma_wait3A_203 = tpu.memref_slice %arg12[%dma_wait3A_198, %dma_wait3A_202] : memref<8x128xi32, #tpu.memory_space<vmem>> -> memref<1x128xi32, #tpu.memory_space<vmem>>
    %dma_wait3A_204 = tpu.memref_squeeze %dma_wait3A_203 : memref<1x128xi32, #tpu.memory_space<vmem>> -> memref<128xi32, #tpu.memory_space<vmem>>
    %dma_wait3A_205 = arith.constant 0 : i32
    %dma_wait3A_206 = tpu.memref_slice %arg19[%dma_wait3A_205] : memref<16896xi32, #tpu.memory_space<vmem_shared>> -> memref<16896xi32, #tpu.memory_space<vmem_shared>>
    tpu.wait_indirect_dma semaphore(%arg20 : memref<!tpu.dma_semaphore, #tpu.memory_space<semaphore_mem>>) src(%dma_wait3A_201 : memref<128xi32, #tpu.memory_space<vmem>>) dst(%dma_wait3A_206 : memref<16896xi32, #tpu.memory_space<vmem_shared>>)
    %eq3A = arith.constant 0 : i32
    %eq3A_207 = arith.cmpi eq, %arg1, %eq3A : i32
    %convert_element_type3A = arith.extui %eq3A_207 : i1 to i32
    %cond3A = arith.constant 0 : i32
    %cond3A_208 = arith.cmpi ne, %convert_element_type3A, %cond3A : i32
    scf.if %cond3A_208 {
      %scan3A_295 = arith.constant 0 : i32
      %scan3A_296 = arith.constant 0 : i32
      %scan3A_297 = arith.constant 16 : i32
      %scan3A_298 = arith.addi %scan3A_296, %scan3A_297 : i32
      %scan3A_299 = arith.constant 1 : i32
      scf.for %scan3A_301 = %scan3A_296 to %scan3A_298 step %scan3A_299  : i32 {
        %mul3A_302 = arith.constant 16 : i32
        %mul3A_303 = arith.muli %scan3A_301, %mul3A_302 : i32
        %swap3A_304 = arith.index_cast %mul3A_303 : i32 to index
        %swap3A_305 = tpu.vector_load %arg14[%swap3A_304] {strides = array<i32>} : memref<256xi32, #tpu.memory_space<vmem>>, vector<16xi32>,
        tpu.vector_store %arg14[%swap3A_304], %broadcast_in_dim3A_3 {strides = array<i32>} : memref<256xi32, #tpu.memory_space<vmem>>, vector<16xi32>,
      }
      %scan3A_300 = arith.constant 16 : i32
      "tpu.region"() ({
        %run_scoped3A = tpu.sem_alloc : memref<!tpu.dma_semaphore, #tpu.memory_space<semaphore_mem>>
        %dma_start3A_301 = arith.constant 16384 : i32
        %dma_start3A_302 = tpu.memref_slice %arg19[%dma_start3A_301] : memref<16896xi32, #tpu.memory_space<vmem_shared>> -> memref<256xi32, #tpu.memory_space<vmem_shared>>
        %dma_start3A_303 = arith.constant 16384 : i32
        %dma_start3A_304 = tpu.memref_slice %arg19[%dma_start3A_303] : memref<16896xi32, #tpu.memory_space<vmem_shared>> -> memref<256xi32, #tpu.memory_space<vmem_shared>>
        tpu.enqueue_dma source(%arg14 : memref<256xi32, #tpu.memory_space<vmem>>) target(%dma_start3A_304 : memref<256xi32, #tpu.memory_space<vmem_shared>>) target_semaphore(%run_scoped3A : memref<!tpu.dma_semaphore, #tpu.memory_space<semaphore_mem>>)
        %dma_wait3A_305 = arith.constant 16384 : i32
        %dma_wait3A_306 = tpu.memref_slice %arg19[%dma_wait3A_305] : memref<16896xi32, #tpu.memory_space<vmem_shared>> -> memref<256xi32, #tpu.memory_space<vmem_shared>>
        %dma_wait3A_307 = arith.constant 16384 : i32
        %dma_wait3A_308 = tpu.memref_slice %arg19[%dma_wait3A_307] : memref<16896xi32, #tpu.memory_space<vmem_shared>> -> memref<256xi32, #tpu.memory_space<vmem_shared>>
        tpu.wait_dma2 semaphore(%run_scoped3A : memref<!tpu.dma_semaphore, #tpu.memory_space<semaphore_mem>>) src(%arg14 : memref<256xi32, #tpu.memory_space<vmem>>) dst(%dma_wait3A_308 : memref<256xi32, #tpu.memory_space<vmem_shared>>)
        tpu.yield
      }) : () -> ()
      "tpu.region"() ({
        %run_scoped3A = tpu.sem_alloc : memref<!tpu.dma_semaphore, #tpu.memory_space<semaphore_mem>>
        %dma_start3A_301 = arith.constant 16640 : i32
        %dma_start3A_302 = tpu.memref_slice %arg19[%dma_start3A_301] : memref<16896xi32, #tpu.memory_space<vmem_shared>> -> memref<256xi32, #tpu.memory_space<vmem_shared>>
        %dma_start3A_303 = arith.constant 16640 : i32
        %dma_start3A_304 = tpu.memref_slice %arg19[%dma_start3A_303] : memref<16896xi32, #tpu.memory_space<vmem_shared>> -> memref<256xi32, #tpu.memory_space<vmem_shared>>
        tpu.enqueue_dma source(%arg14 : memref<256xi32, #tpu.memory_space<vmem>>) target(%dma_start3A_304 : memref<256xi32, #tpu.memory_space<vmem_shared>>) target_semaphore(%run_scoped3A : memref<!tpu.dma_semaphore, #tpu.memory_space<semaphore_mem>>)
        %dma_wait3A_305 = arith.constant 16640 : i32
        %dma_wait3A_306 = tpu.memref_slice %arg19[%dma_wait3A_305] : memref<16896xi32, #tpu.memory_space<vmem_shared>> -> memref<256xi32, #tpu.memory_space<vmem_shared>>
        %dma_wait3A_307 = arith.constant 16640 : i32
        %dma_wait3A_308 = tpu.memref_slice %arg19[%dma_wait3A_307] : memref<16896xi32, #tpu.memory_space<vmem_shared>> -> memref<256xi32, #tpu.memory_space<vmem_shared>>
        tpu.wait_dma2 semaphore(%run_scoped3A : memref<!tpu.dma_semaphore, #tpu.memory_space<semaphore_mem>>) src(%arg14 : memref<256xi32, #tpu.memory_space<vmem>>) dst(%dma_wait3A_308 : memref<256xi32, #tpu.memory_space<vmem_shared>>)
        tpu.yield
      }) : () -> ()
    } else {
    }
    %barrier3A_209 = arith.constant 0 : index
    tpu.barrier barrier_id(%barrier3A_209)
    "tpu.region"() ({
      %run_scoped3A = tpu.sem_alloc : memref<!tpu.dma_semaphore, #tpu.memory_space<semaphore_mem>>
      %dma_start3A_295 = arith.constant 0 : i32
      %dma_start3A_296 = tpu.memref_slice %arg4[%mul3A_2, %dma_start3A_295] : memref<1024x128xf32, #tpu.memory_space<hbm>> -> memref<32x128xf32, #tpu.memory_space<hbm>>
      %dma_start3A_297 = arith.constant 0 : i32
      %dma_start3A_298 = tpu.memref_slice %arg4[%mul3A_2, %dma_start3A_297] : memref<1024x128xf32, #tpu.memory_space<hbm>> -> memref<32x128xf32, #tpu.memory_space<hbm>>
      tpu.enqueue_dma source(%dma_start3A_298 : memref<32x128xf32, #tpu.memory_space<hbm>>) target(%arg6 : memref<32x128xf32, #tpu.memory_space<vmem>>) target_semaphore(%run_scoped3A : memref<!tpu.dma_semaphore, #tpu.memory_space<semaphore_mem>>)
      %dma_wait3A_299 = arith.constant 0 : i32
      %dma_wait3A_300 = tpu.memref_slice %arg4[%mul3A_2, %dma_wait3A_299] : memref<1024x128xf32, #tpu.memory_space<hbm>> -> memref<32x128xf32, #tpu.memory_space<hbm>>
      %dma_wait3A_301 = arith.constant 0 : i32
      %dma_wait3A_302 = tpu.memref_slice %arg4[%mul3A_2, %dma_wait3A_301] : memref<1024x128xf32, #tpu.memory_space<hbm>> -> memref<32x128xf32, #tpu.memory_space<hbm>>
      tpu.wait_dma2 semaphore(%run_scoped3A : memref<!tpu.dma_semaphore, #tpu.memory_space<semaphore_mem>>) src(%dma_wait3A_302 : memref<32x128xf32, #tpu.memory_space<hbm>>) dst(%arg6 : memref<32x128xf32, #tpu.memory_space<vmem>>)
      tpu.yield
    }) : () -> ()
    %xor3A = arith.constant 8 : i32
    %xor3A_210 = vector.broadcast %xor3A : i32 to vector<16xi32>
    %xor3A_211 = arith.xori %iota3A, %xor3A_210 : vector<16xi32>
    %xor3A_212 = arith.constant 4 : i32
    %xor3A_213 = vector.broadcast %xor3A_212 : i32 to vector<16xi32>
    %xor3A_214 = arith.xori %iota3A, %xor3A_213 : vector<16xi32>
    %xor3A_215 = arith.constant 2 : i32
    %xor3A_216 = vector.broadcast %xor3A_215 : i32 to vector<16xi32>
    %xor3A_217 = arith.xori %iota3A, %xor3A_216 : vector<16xi32>
    %xor3A_218 = arith.constant 1 : i32
    %xor3A_219 = vector.broadcast %xor3A_218 : i32 to vector<16xi32>
    %xor3A_220 = arith.xori %iota3A, %xor3A_219 : vector<16xi32>
    %add3A_221 = arith.constant 0 : i32
    %add3A_222 = arith.addi %mul3A_2, %add3A_221 : i32
    %get3A = arith.index_cast %add3A_222 : i32 to index
    %get3A_223 = tpu.vector_load %arg10[%get3A] {strides = array<i32>} : memref<1088xi32, #tpu.memory_space<vmem>>, vector<16xi32>,
    %slice3A = vector.extract_strided_slice %get3A_223 {offsets = [0], sizes = [1], strides = [1]} : vector<16xi32> to vector<1xi32>
    %squeeze3A = vector.extract %slice3A[0] : i32 from vector<1xi32>
    %add3A_224 = arith.constant 32 : i32
    %add3A_225 = arith.addi %mul3A_2, %add3A_224 : i32
    %get3A_226 = arith.index_cast %add3A_225 : i32 to index
    %get3A_227 = tpu.vector_load %arg10[%get3A_226] {strides = array<i32>} : memref<1088xi32, #tpu.memory_space<vmem>>, vector<16xi32>,
    %slice3A_228 = vector.extract_strided_slice %get3A_227 {offsets = [0], sizes = [1], strides = [1]} : vector<16xi32> to vector<1xi32>
    %squeeze3A_229 = vector.extract %slice3A_228[0] : i32 from vector<1xi32>
    %and3A = arith.constant -16 : i32
    %and3A_230 = arith.andi %squeeze3A, %and3A : i32
    %multiple_of3A = tpu.assume_multiple %and3A_230, 16 : i32
    %sub3A = arith.subi %squeeze3A_229, %multiple_of3A : i32
    %add3A_231 = arith.constant 255 : i32
    %add3A_232 = arith.addi %sub3A, %add3A_231 : i32
    %div3A = arith.constant 256 : i32
    %div3A_233 = arith.divsi %add3A_232, %div3A : i32
    %gt3A = arith.constant 0 : i32
    %gt3A_234 = arith.cmpi sgt, %div3A_233, %gt3A : i32
    %convert_element_type3A_235 = arith.extui %gt3A_234 : i1 to i32
    %cond3A_236 = arith.constant 0 : i32
    %cond3A_237 = arith.cmpi ne, %convert_element_type3A_235, %cond3A_236 : i32
    scf.if %cond3A_237 {
      %add3A_295 = arith.constant 0 : i32
      %add3A_296 = arith.addi %multiple_of3A, %add3A_295 : i32
      %multiple_of3A_297 = tpu.assume_multiple %add3A_296, 16 : i32
      %dma_start3A_298 = tpu.memref_slice %arg19[%multiple_of3A_297] : memref<16896xi32, #tpu.memory_space<vmem_shared>> -> memref<256xi32, #tpu.memory_space<vmem_shared>>
      %dma_start3A_299 = tpu.memref_slice %arg19[%multiple_of3A_297] : memref<16896xi32, #tpu.memory_space<vmem_shared>> -> memref<256xi32, #tpu.memory_space<vmem_shared>>
      tpu.enqueue_dma source(%dma_start3A_299 : memref<256xi32, #tpu.memory_space<vmem_shared>>) target(%arg14 : memref<256xi32, #tpu.memory_space<vmem>>) target_semaphore(%arg22 : memref<!tpu.dma_semaphore, #tpu.memory_space<semaphore_mem>>)
      %add3A_300 = arith.constant 0 : i32
      %add3A_301 = arith.addi %multiple_of3A, %add3A_300 : i32
      %multiple_of3A_302 = tpu.assume_multiple %add3A_301, 16 : i32
      %dma_wait3A_303 = tpu.memref_slice %arg19[%multiple_of3A_302] : memref<16896xi32, #tpu.memory_space<vmem_shared>> -> memref<256xi32, #tpu.memory_space<vmem_shared>>
      %dma_wait3A_304 = tpu.memref_slice %arg19[%multiple_of3A_302] : memref<16896xi32, #tpu.memory_space<vmem_shared>> -> memref<256xi32, #tpu.memory_space<vmem_shared>>
      tpu.wait_dma2 semaphore(%arg22 : memref<!tpu.dma_semaphore, #tpu.memory_space<semaphore_mem>>) src(%dma_wait3A_304 : memref<256xi32, #tpu.memory_space<vmem_shared>>) dst(%arg14 : memref<256xi32, #tpu.memory_space<vmem>>)
      %dma_start3A_305 = arith.constant 0 : i32
      %dma_start3A_306 = arith.constant 0 : i32
      %dma_start3A_307 = tpu.memref_slice %arg2[%dma_start3A_305, %dma_start3A_306] : memref<16384x128xf32, #tpu.memory_space<hbm>> -> memref<16384x128xf32, #tpu.memory_space<hbm>>
      tpu.enqueue_indirect_dma source(%dma_start3A_307 : memref<16384x128xf32, #tpu.memory_space<hbm>>) target(%arg16 : memref<256x128xf32, #tpu.memory_space<vmem>>) offsets(%arg14 : memref<256xi32, #tpu.memory_space<vmem>>) semaphore(%arg20 : memref<!tpu.dma_semaphore, #tpu.memory_space<semaphore_mem>>)
    } else {
    }
    %gt3A_238 = arith.constant 1 : i32
    %gt3A_239 = arith.cmpi sgt, %div3A_233, %gt3A_238 : i32
    %convert_element_type3A_240 = arith.extui %gt3A_239 : i1 to i32
    %cond3A_241 = arith.constant 0 : i32
    %cond3A_242 = arith.cmpi ne, %convert_element_type3A_240, %cond3A_241 : i32
    scf.if %cond3A_242 {
      %add3A_295 = arith.constant 256 : i32
      %add3A_296 = arith.addi %multiple_of3A, %add3A_295 : i32
      %multiple_of3A_297 = tpu.assume_multiple %add3A_296, 16 : i32
      %dma_start3A_298 = tpu.memref_slice %arg19[%multiple_of3A_297] : memref<16896xi32, #tpu.memory_space<vmem_shared>> -> memref<256xi32, #tpu.memory_space<vmem_shared>>
      %dma_start3A_299 = tpu.memref_slice %arg19[%multiple_of3A_297] : memref<16896xi32, #tpu.memory_space<vmem_shared>> -> memref<256xi32, #tpu.memory_space<vmem_shared>>
      tpu.enqueue_dma source(%dma_start3A_299 : memref<256xi32, #tpu.memory_space<vmem_shared>>) target(%arg15 : memref<256xi32, #tpu.memory_space<vmem>>) target_semaphore(%arg23 : memref<!tpu.dma_semaphore, #tpu.memory_space<semaphore_mem>>)
    } else {
    }
    %while3A = arith.constant 0 : i32
    %while3A_243 = scf.while (%while3A_295 = %while3A) : (i32) -> i32 {
      %lt3A = arith.constant 32 : i32
      %lt3A_296 = arith.cmpi slt, %while3A_295, %lt3A : i32
      %add3A_297 = arith.constant 1 : i32
      %add3A_298 = arith.addi %while3A_295, %add3A_297 : i32
      %add3A_299 = arith.addi %mul3A_2, %add3A_298 : i32
      %get3A_300 = arith.index_cast %add3A_299 : i32 to index
      %get3A_301 = tpu.vector_load %arg10[%get3A_300] {strides = array<i32>} : memref<1088xi32, #tpu.memory_space<vmem>>, vector<16xi32>,
      %slice3A_302 = vector.extract_strided_slice %get3A_301 {offsets = [0], sizes = [1], strides = [1]} : vector<16xi32> to vector<1xi32>
      %squeeze3A_303 = vector.extract %slice3A_302[0] : i32 from vector<1xi32>
      %le3A = arith.cmpi sle, %squeeze3A_303, %squeeze3A : i32
      %and3A_304 = arith.andi %lt3A_296, %le3A : i1
      scf.condition(%and3A_304) %while3A_295 : i32
    } do {
    ^bb0(%while3A_295: i32):
      %add3A_296 = arith.constant 1 : i32
      %add3A_297 = arith.addi %while3A_295, %add3A_296 : i32
      scf.yield %add3A_297 : i32
    }
    %min3A = arith.constant 31 : i32
    %min3A_244 = arith.minsi %while3A_243, %min3A : i32
    %add3A_245 = arith.constant 1 : i32
    %add3A_246 = arith.addi %min3A_244, %add3A_245 : i32
    %add3A_247 = arith.addi %mul3A_2, %add3A_246 : i32
    %get3A_248 = arith.index_cast %add3A_247 : i32 to index
    %get3A_249 = tpu.vector_load %arg10[%get3A_248] {strides = array<i32>} : memref<1088xi32, #tpu.memory_space<vmem>>, vector<16xi32>,
    %slice3A_250 = vector.extract_strided_slice %get3A_249 {offsets = [0], sizes = [1], strides = [1]} : vector<16xi32> to vector<1xi32>
    %squeeze3A_251 = vector.extract %slice3A_250[0] : i32 from vector<1xi32>
    %get3A_252 = arith.index_cast %min3A_244 : i32 to index
    %get3A_253 = arith.constant 0 : index
    %get3A_254 = tpu.vector_load %arg6[%get3A_252, %get3A_253] {strides = array<i32>} : memref<32x128xf32, #tpu.memory_space<vmem>>, vector<16xf32>,
    %get3A_255 = arith.index_cast %min3A_244 : i32 to index
    %get3A_256 = arith.constant 16 : index
    %get3A_257 = tpu.vector_load %arg6[%get3A_255, %get3A_256] {strides = array<i32>} : memref<32x128xf32, #tpu.memory_space<vmem>>, vector<16xf32>,
    %get3A_258 = arith.index_cast %min3A_244 : i32 to index
    %get3A_259 = arith.constant 32 : index
    %get3A_260 = tpu.vector_load %arg6[%get3A_258, %get3A_259] {strides = array<i32>} : memref<32x128xf32, #tpu.memory_space<vmem>>, vector<16xf32>,
    %get3A_261 = arith.index_cast %min3A_244 : i32 to index
    %get3A_262 = arith.constant 48 : index
    %get3A_263 = tpu.vector_load %arg6[%get3A_261, %get3A_262] {strides = array<i32>} : memref<32x128xf32, #tpu.memory_space<vmem>>, vector<16xf32>,
    %get3A_264 = arith.index_cast %min3A_244 : i32 to index
    %get3A_265 = arith.constant 64 : index
    %get3A_266 = tpu.vector_load %arg6[%get3A_264, %get3A_265] {strides = array<i32>} : memref<32x128xf32, #tpu.memory_space<vmem>>, vector<16xf32>,
    %get3A_267 = arith.index_cast %min3A_244 : i32 to index
    %get3A_268 = arith.constant 80 : index
    %get3A_269 = tpu.vector_load %arg6[%get3A_267, %get3A_268] {strides = array<i32>} : memref<32x128xf32, #tpu.memory_space<vmem>>, vector<16xf32>,
    %get3A_270 = arith.index_cast %min3A_244 : i32 to index
    %get3A_271 = arith.constant 96 : index
    %get3A_272 = tpu.vector_load %arg6[%get3A_270, %get3A_271] {strides = array<i32>} : memref<32x128xf32, #tpu.memory_space<vmem>>, vector<16xf32>,
    %get3A_273 = arith.index_cast %min3A_244 : i32 to index
    %get3A_274 = arith.constant 112 : index
    %get3A_275 = tpu.vector_load %arg6[%get3A_273, %get3A_274] {strides = array<i32>} : memref<32x128xf32, #tpu.memory_space<vmem>>, vector<16xf32>,
    %add3A_276 = arith.constant 1 : i32
    %add3A_277 = arith.addi %div3A_233, %add3A_276 : i32
    %div3A_278 = arith.constant 2 : i32
    %div3A_279 = arith.divsi %add3A_277, %div3A_278 : i32
    %while3A_280 = arith.constant 0 : i32
    %while3A_281 = arith.subi %div3A_279, %while3A_280 : i32
    %while3A_282 = arith.addi %while3A_280, %while3A_281 : i32
    %while3A_283 = arith.constant 1 : i32
    %while3A_284 = arith.divsi %while3A_281, %while3A_283 : i32
    %while3A_285 = arith.muli %while3A_284, %while3A_283 : i32
    %while3A_286 = arith.addi %while3A_280, %while3A_285 : i32
    %while3A_287 = arith.constant 1 : i32
    %while3A_288:10 = scf.for %while3A_295 = %while3A_280 to %while3A_286 step %while3A_287 iter_args(%while3A_296 = %min3A_244, %while3A_297 = %squeeze3A_251, %while3A_298 = %get3A_254, %while3A_299 = %get3A_257, %while3A_300 = %get3A_260, %while3A_301 = %get3A_263, %while3A_302 = %get3A_266, %while3A_303 = %get3A_269, %while3A_304 = %get3A_272, %while3A_305 = %get3A_275) -> (i32, i32, vector<16xf32>, vector<16xf32>, vector<16xf32>, vector<16xf32>, vector<16xf32>, vector<16xf32>, vector<16xf32>, vector<16xf32>)  : i32 {
      %mul3A_306 = arith.constant 2 : i32
      %mul3A_307 = arith.muli %mul3A_306, %while3A_295 : i32
      %lt3A = arith.cmpi slt, %mul3A_307, %div3A_233 : i32
      %convert_element_type3A_308 = arith.extui %lt3A : i1 to i32
      %cond3A_309 = arith.constant 0 : i32
      %cond3A_310 = arith.cmpi ne, %convert_element_type3A_308, %cond3A_309 : i32
      scf.if %cond3A_310 {
        %dma_wait3A_380 = arith.constant 0 : i32
        %dma_wait3A_381 = arith.constant 0 : i32
        %dma_wait3A_382 = tpu.memref_slice %arg2[%dma_wait3A_380, %dma_wait3A_381] : memref<16384x128xf32, #tpu.memory_space<hbm>> -> memref<16384x128xf32, #tpu.memory_space<hbm>>
        tpu.wait_indirect_dma semaphore(%arg20 : memref<!tpu.dma_semaphore, #tpu.memory_space<semaphore_mem>>) src(%dma_wait3A_382 : memref<16384x128xf32, #tpu.memory_space<hbm>>) dst(%arg16 : memref<256x128xf32, #tpu.memory_space<vmem>>)
      } else {
      }
      %add3A_311 = arith.constant 1 : i32
      %add3A_312 = arith.addi %mul3A_307, %add3A_311 : i32
      %lt3A_313 = arith.cmpi slt, %add3A_312, %div3A_233 : i32
      %convert_element_type3A_314 = arith.extui %lt3A_313 : i1 to i32
      %cond3A_315 = arith.constant 0 : i32
      %cond3A_316 = arith.cmpi ne, %convert_element_type3A_314, %cond3A_315 : i32
      scf.if %cond3A_316 {
        %add3A_380 = arith.constant 1 : i32
        %add3A_381 = arith.addi %mul3A_307, %add3A_380 : i32
        %mul3A_382 = arith.constant 256 : i32
        %mul3A_383 = arith.muli %add3A_381, %mul3A_382 : i32
        %add3A_384 = arith.addi %multiple_of3A, %mul3A_383 : i32
        %multiple_of3A_385 = tpu.assume_multiple %add3A_384, 16 : i32
        %dma_wait3A_386 = tpu.memref_slice %arg19[%multiple_of3A_385] : memref<16896xi32, #tpu.memory_space<vmem_shared>> -> memref<256xi32, #tpu.memory_space<vmem_shared>>
        %dma_wait3A_387 = tpu.memref_slice %arg19[%multiple_of3A_385] : memref<16896xi32, #tpu.memory_space<vmem_shared>> -> memref<256xi32, #tpu.memory_space<vmem_shared>>
        tpu.wait_dma2 semaphore(%arg23 : memref<!tpu.dma_semaphore, #tpu.memory_space<semaphore_mem>>) src(%dma_wait3A_387 : memref<256xi32, #tpu.memory_space<vmem_shared>>) dst(%arg15 : memref<256xi32, #tpu.memory_space<vmem>>)
        %dma_start3A_388 = arith.constant 0 : i32
        %dma_start3A_389 = arith.constant 0 : i32
        %dma_start3A_390 = tpu.memref_slice %arg2[%dma_start3A_388, %dma_start3A_389] : memref<16384x128xf32, #tpu.memory_space<hbm>> -> memref<16384x128xf32, #tpu.memory_space<hbm>>
        tpu.enqueue_indirect_dma source(%dma_start3A_390 : memref<16384x128xf32, #tpu.memory_space<hbm>>) target(%arg17 : memref<256x128xf32, #tpu.memory_space<vmem>>) offsets(%arg15 : memref<256xi32, #tpu.memory_space<vmem>>) semaphore(%arg21 : memref<!tpu.dma_semaphore, #tpu.memory_space<semaphore_mem>>)
      } else {
      }
      %add3A_317 = arith.constant 2 : i32
      %add3A_318 = arith.addi %mul3A_307, %add3A_317 : i32
      %lt3A_319 = arith.cmpi slt, %add3A_318, %div3A_233 : i32
      %convert_element_type3A_320 = arith.extui %lt3A_319 : i1 to i32
      %cond3A_321 = arith.constant 0 : i32
      %cond3A_322 = arith.cmpi ne, %convert_element_type3A_320, %cond3A_321 : i32
      scf.if %cond3A_322 {
        %add3A_380 = arith.constant 2 : i32
        %add3A_381 = arith.addi %mul3A_307, %add3A_380 : i32
        %mul3A_382 = arith.constant 256 : i32
        %mul3A_383 = arith.muli %add3A_381, %mul3A_382 : i32
        %add3A_384 = arith.addi %multiple_of3A, %mul3A_383 : i32
        %multiple_of3A_385 = tpu.assume_multiple %add3A_384, 16 : i32
        %dma_start3A_386 = tpu.memref_slice %arg19[%multiple_of3A_385] : memref<16896xi32, #tpu.memory_space<vmem_shared>> -> memref<256xi32, #tpu.memory_space<vmem_shared>>
        %dma_start3A_387 = tpu.memref_slice %arg19[%multiple_of3A_385] : memref<16896xi32, #tpu.memory_space<vmem_shared>> -> memref<256xi32, #tpu.memory_space<vmem_shared>>
        tpu.enqueue_dma source(%dma_start3A_387 : memref<256xi32, #tpu.memory_space<vmem_shared>>) target(%arg14 : memref<256xi32, #tpu.memory_space<vmem>>) target_semaphore(%arg22 : memref<!tpu.dma_semaphore, #tpu.memory_space<semaphore_mem>>)
      } else {
      }
      %mul3A_323 = arith.constant 256 : i32
      %mul3A_324 = arith.muli %mul3A_307, %mul3A_323 : i32
      %add3A_325 = arith.addi %multiple_of3A, %mul3A_324 : i32
      %sub3A_326 = arith.subi %squeeze3A, %add3A_325 : i32
      %max3A = arith.constant 0 : i32
      %max3A_327 = arith.maxsi %sub3A_326, %max3A : i32
      %sub3A_328 = arith.subi %squeeze3A_229, %add3A_325 : i32
      %min3A_329 = arith.constant 256 : i32
      %min3A_330 = arith.minsi %sub3A_328, %min3A_329 : i32
      %while3A_331 = arith.subi %min3A_330, %max3A_327 : i32
      %while3A_332 = arith.addi %max3A_327, %while3A_331 : i32
      %while3A_333 = arith.constant 1 : i32
      %while3A_334 = arith.divsi %while3A_331, %while3A_333 : i32
      %while3A_335 = arith.muli %while3A_334, %while3A_333 : i32
      %while3A_336 = arith.addi %max3A_327, %while3A_335 : i32
      %while3A_337 = arith.constant 1 : i32
      %while3A_338:10 = scf.for %while3A_380 = %max3A_327 to %while3A_336 step %while3A_337 iter_args(%while3A_381 = %while3A_296, %while3A_382 = %while3A_297, %while3A_383 = %while3A_298, %while3A_384 = %while3A_299, %while3A_385 = %while3A_300, %while3A_386 = %while3A_301, %while3A_387 = %while3A_302, %while3A_388 = %while3A_303, %while3A_389 = %while3A_304, %while3A_390 = %while3A_305) -> (i32, i32, vector<16xf32>, vector<16xf32>, vector<16xf32>, vector<16xf32>, vector<16xf32>, vector<16xf32>, vector<16xf32>, vector<16xf32>)  : i32 {
        %add3A_391 = arith.addi %add3A_325, %while3A_380 : i32
        %ge3A = arith.cmpi sge, %add3A_391, %while3A_382 : i32
        %convert_element_type3A_392 = arith.extui %ge3A : i1 to i32
        %cond3A_393 = arith.constant 0 : i32
        %cond3A_394 = arith.cmpi ne, %convert_element_type3A_392, %cond3A_393 : i32
        %cond3A_395:10 = scf.if %cond3A_394 -> (i32, i32, vector<16xf32>, vector<16xf32>, vector<16xf32>, vector<16xf32>, vector<16xf32>, vector<16xf32>, vector<16xf32>, vector<16xf32>) {
          %swap3A_528 = arith.index_cast %while3A_381 : i32 to index
          %swap3A_529 = arith.constant 0 : index
          %swap3A_530 = tpu.vector_load %arg6[%swap3A_528, %swap3A_529] {strides = array<i32>} : memref<32x128xf32, #tpu.memory_space<vmem>>, vector<16xf32>,
          tpu.vector_store %arg6[%swap3A_528, %swap3A_529], %while3A_383 {strides = array<i32>} : memref<32x128xf32, #tpu.memory_space<vmem>>, vector<16xf32>,
          %swap3A_531 = arith.index_cast %while3A_381 : i32 to index
          %swap3A_532 = arith.constant 16 : index
          %swap3A_533 = tpu.vector_load %arg6[%swap3A_531, %swap3A_532] {strides = array<i32>} : memref<32x128xf32, #tpu.memory_space<vmem>>, vector<16xf32>,
          tpu.vector_store %arg6[%swap3A_531, %swap3A_532], %while3A_384 {strides = array<i32>} : memref<32x128xf32, #tpu.memory_space<vmem>>, vector<16xf32>,
          %swap3A_534 = arith.index_cast %while3A_381 : i32 to index
          %swap3A_535 = arith.constant 32 : index
          %swap3A_536 = tpu.vector_load %arg6[%swap3A_534, %swap3A_535] {strides = array<i32>} : memref<32x128xf32, #tpu.memory_space<vmem>>, vector<16xf32>,
          tpu.vector_store %arg6[%swap3A_534, %swap3A_535], %while3A_385 {strides = array<i32>} : memref<32x128xf32, #tpu.memory_space<vmem>>, vector<16xf32>,
          %swap3A_537 = arith.index_cast %while3A_381 : i32 to index
          %swap3A_538 = arith.constant 48 : index
          %swap3A_539 = tpu.vector_load %arg6[%swap3A_537, %swap3A_538] {strides = array<i32>} : memref<32x128xf32, #tpu.memory_space<vmem>>, vector<16xf32>,
          tpu.vector_store %arg6[%swap3A_537, %swap3A_538], %while3A_386 {strides = array<i32>} : memref<32x128xf32, #tpu.memory_space<vmem>>, vector<16xf32>,
          %swap3A_540 = arith.index_cast %while3A_381 : i32 to index
          %swap3A_541 = arith.constant 64 : index
          %swap3A_542 = tpu.vector_load %arg6[%swap3A_540, %swap3A_541] {strides = array<i32>} : memref<32x128xf32, #tpu.memory_space<vmem>>, vector<16xf32>,
          tpu.vector_store %arg6[%swap3A_540, %swap3A_541], %while3A_387 {strides = array<i32>} : memref<32x128xf32, #tpu.memory_space<vmem>>, vector<16xf32>,
          %swap3A_543 = arith.index_cast %while3A_381 : i32 to index
          %swap3A_544 = arith.constant 80 : index
          %swap3A_545 = tpu.vector_load %arg6[%swap3A_543, %swap3A_544] {strides = array<i32>} : memref<32x128xf32, #tpu.memory_space<vmem>>, vector<16xf32>,
          tpu.vector_store %arg6[%swap3A_543, %swap3A_544], %while3A_388 {strides = array<i32>} : memref<32x128xf32, #tpu.memory_space<vmem>>, vector<16xf32>,
          %swap3A_546 = arith.index_cast %while3A_381 : i32 to index
          %swap3A_547 = arith.constant 96 : index
          %swap3A_548 = tpu.vector_load %arg6[%swap3A_546, %swap3A_547] {strides = array<i32>} : memref<32x128xf32, #tpu.memory_space<vmem>>, vector<16xf32>,
          tpu.vector_store %arg6[%swap3A_546, %swap3A_547], %while3A_389 {strides = array<i32>} : memref<32x128xf32, #tpu.memory_space<vmem>>, vector<16xf32>,
          %swap3A_549 = arith.index_cast %while3A_381 : i32 to index
          %swap3A_550 = arith.constant 112 : index
          %swap3A_551 = tpu.vector_load %arg6[%swap3A_549, %swap3A_550] {strides = array<i32>} : memref<32x128xf32, #tpu.memory_space<vmem>>, vector<16xf32>,
          tpu.vector_store %arg6[%swap3A_549, %swap3A_550], %while3A_390 {strides = array<i32>} : memref<32x128xf32, #tpu.memory_space<vmem>>, vector<16xf32>,
          %while3A_552 = scf.while (%while3A_584 = %while3A_381) : (i32) -> i32 {
            %add3A_585 = arith.constant 1 : i32
            %add3A_586 = arith.addi %while3A_584, %add3A_585 : i32
            %add3A_587 = arith.addi %mul3A_2, %add3A_586 : i32
            %get3A_588 = arith.index_cast %add3A_587 : i32 to index
            %get3A_589 = tpu.vector_load %arg10[%get3A_588] {strides = array<i32>} : memref<1088xi32, #tpu.memory_space<vmem>>, vector<16xi32>,
            %slice3A_590 = vector.extract_strided_slice %get3A_589 {offsets = [0], sizes = [1], strides = [1]} : vector<16xi32> to vector<1xi32>
            %squeeze3A_591 = vector.extract %slice3A_590[0] : i32 from vector<1xi32>
            %le3A = arith.cmpi sle, %squeeze3A_591, %add3A_391 : i32
            scf.condition(%le3A) %while3A_584 : i32
          } do {
          ^bb0(%while3A_584: i32):
            %add3A_585 = arith.constant 1 : i32
            %add3A_586 = arith.addi %while3A_584, %add3A_585 : i32
            scf.yield %add3A_586 : i32
          }
          %add3A_553 = arith.constant 1 : i32
          %add3A_554 = arith.addi %while3A_552, %add3A_553 : i32
          %add3A_555 = arith.addi %mul3A_2, %add3A_554 : i32
          %get3A_556 = arith.index_cast %add3A_555 : i32 to index
          %get3A_557 = tpu.vector_load %arg10[%get3A_556] {strides = array<i32>} : memref<1088xi32, #tpu.memory_space<vmem>>, vector<16xi32>,
          %slice3A_558 = vector.extract_strided_slice %get3A_557 {offsets = [0], sizes = [1], strides = [1]} : vector<16xi32> to vector<1xi32>
          %squeeze3A_559 = vector.extract %slice3A_558[0] : i32 from vector<1xi32>
          %get3A_560 = arith.index_cast %while3A_552 : i32 to index
          %get3A_561 = arith.constant 0 : index
          %get3A_562 = tpu.vector_load %arg6[%get3A_560, %get3A_561] {strides = array<i32>} : memref<32x128xf32, #tpu.memory_space<vmem>>, vector<16xf32>,
          %get3A_563 = arith.index_cast %while3A_552 : i32 to index
          %get3A_564 = arith.constant 16 : index
          %get3A_565 = tpu.vector_load %arg6[%get3A_563, %get3A_564] {strides = array<i32>} : memref<32x128xf32, #tpu.memory_space<vmem>>, vector<16xf32>,
          %get3A_566 = arith.index_cast %while3A_552 : i32 to index
          %get3A_567 = arith.constant 32 : index
          %get3A_568 = tpu.vector_load %arg6[%get3A_566, %get3A_567] {strides = array<i32>} : memref<32x128xf32, #tpu.memory_space<vmem>>, vector<16xf32>,
          %get3A_569 = arith.index_cast %while3A_552 : i32 to index
          %get3A_570 = arith.constant 48 : index
          %get3A_571 = tpu.vector_load %arg6[%get3A_569, %get3A_570] {strides = array<i32>} : memref<32x128xf32, #tpu.memory_space<vmem>>, vector<16xf32>,
          %get3A_572 = arith.index_cast %while3A_552 : i32 to index
          %get3A_573 = arith.constant 64 : index
          %get3A_574 = tpu.vector_load %arg6[%get3A_572, %get3A_573] {strides = array<i32>} : memref<32x128xf32, #tpu.memory_space<vmem>>, vector<16xf32>,
          %get3A_575 = arith.index_cast %while3A_552 : i32 to index
          %get3A_576 = arith.constant 80 : index
          %get3A_577 = tpu.vector_load %arg6[%get3A_575, %get3A_576] {strides = array<i32>} : memref<32x128xf32, #tpu.memory_space<vmem>>, vector<16xf32>,
          %get3A_578 = arith.index_cast %while3A_552 : i32 to index
          %get3A_579 = arith.constant 96 : index
          %get3A_580 = tpu.vector_load %arg6[%get3A_578, %get3A_579] {strides = array<i32>} : memref<32x128xf32, #tpu.memory_space<vmem>>, vector<16xf32>,
          %get3A_581 = arith.index_cast %while3A_552 : i32 to index
          %get3A_582 = arith.constant 112 : index
          %get3A_583 = tpu.vector_load %arg6[%get3A_581, %get3A_582] {strides = array<i32>} : memref<32x128xf32, #tpu.memory_space<vmem>>, vector<16xf32>,
          scf.yield %while3A_552, %squeeze3A_559, %get3A_562, %get3A_565, %get3A_568, %get3A_571, %get3A_574, %get3A_577, %get3A_580, %get3A_583 : i32, i32, vector<16xf32>, vector<16xf32>, vector<16xf32>, vector<16xf32>, vector<16xf32>, vector<16xf32>, vector<16xf32>, vector<16xf32>
        } else {
          scf.yield %while3A_381, %while3A_382, %while3A_383, %while3A_384, %while3A_385, %while3A_386, %while3A_387, %while3A_388, %while3A_389, %while3A_390 : i32, i32, vector<16xf32>, vector<16xf32>, vector<16xf32>, vector<16xf32>, vector<16xf32>, vector<16xf32>, vector<16xf32>, vector<16xf32>
        }
        %mul3A_396 = arith.constant 9.990000e-01 : f32
        %mul3A_397 = vector.broadcast %mul3A_396 : f32 to vector<16xf32>
        %mul3A_398 = arith.mulf %mul3A_397, %cond3A_395#2 : vector<16xf32>
        %get3A_399 = arith.index_cast %while3A_380 : i32 to index
        %get3A_400 = arith.constant 0 : index
        %get3A_401 = tpu.vector_load %arg16[%get3A_399, %get3A_400] {strides = array<i32>} : memref<256x128xf32, #tpu.memory_space<vmem>>, vector<16xf32>,
        %mul3A_402 = arith.constant 1.000000e-03 : f32
        %mul3A_403 = vector.broadcast %mul3A_402 : f32 to vector<16xf32>
        %mul3A_404 = arith.mulf %mul3A_403, %get3A_401 : vector<16xf32>
        %add3A_405 = arith.addf %mul3A_398, %mul3A_404 : vector<16xf32>
        %mul3A_406 = arith.constant 9.990000e-01 : f32
        %mul3A_407 = vector.broadcast %mul3A_406 : f32 to vector<16xf32>
        %mul3A_408 = arith.mulf %mul3A_407, %cond3A_395#3 : vector<16xf32>
        %get3A_409 = arith.index_cast %while3A_380 : i32 to index
        %get3A_410 = arith.constant 16 : index
        %get3A_411 = tpu.vector_load %arg16[%get3A_409, %get3A_410] {strides = array<i32>} : memref<256x128xf32, #tpu.memory_space<vmem>>, vector<16xf32>,
        %mul3A_412 = arith.constant 1.000000e-03 : f32
        %mul3A_413 = vector.broadcast %mul3A_412 : f32 to vector<16xf32>
        %mul3A_414 = arith.mulf %mul3A_413, %get3A_411 : vector<16xf32>
        %add3A_415 = arith.addf %mul3A_408, %mul3A_414 : vector<16xf32>
        %mul3A_416 = arith.constant 9.990000e-01 : f32
        %mul3A_417 = vector.broadcast %mul3A_416 : f32 to vector<16xf32>
        %mul3A_418 = arith.mulf %mul3A_417, %cond3A_395#4 : vector<16xf32>
        %get3A_419 = arith.index_cast %while3A_380 : i32 to index
        %get3A_420 = arith.constant 32 : index
        %get3A_421 = tpu.vector_load %arg16[%get3A_419, %get3A_420] {strides = array<i32>} : memref<256x128xf32, #tpu.memory_space<vmem>>, vector<16xf32>,
        %mul3A_422 = arith.constant 1.000000e-03 : f32
        %mul3A_423 = vector.broadcast %mul3A_422 : f32 to vector<16xf32>
        %mul3A_424 = arith.mulf %mul3A_423, %get3A_421 : vector<16xf32>
        %add3A_425 = arith.addf %mul3A_418, %mul3A_424 : vector<16xf32>
        %mul3A_426 = arith.constant 9.990000e-01 : f32
        %mul3A_427 = vector.broadcast %mul3A_426 : f32 to vector<16xf32>
        %mul3A_428 = arith.mulf %mul3A_427, %cond3A_395#5 : vector<16xf32>
        %get3A_429 = arith.index_cast %while3A_380 : i32 to index
        %get3A_430 = arith.constant 48 : index
        %get3A_431 = tpu.vector_load %arg16[%get3A_429, %get3A_430] {strides = array<i32>} : memref<256x128xf32, #tpu.memory_space<vmem>>, vector<16xf32>,
        %mul3A_432 = arith.constant 1.000000e-03 : f32
        %mul3A_433 = vector.broadcast %mul3A_432 : f32 to vector<16xf32>
        %mul3A_434 = arith.mulf %mul3A_433, %get3A_431 : vector<16xf32>
        %add3A_435 = arith.addf %mul3A_428, %mul3A_434 : vector<16xf32>
        %mul3A_436 = arith.constant 9.990000e-01 : f32
        %mul3A_437 = vector.broadcast %mul3A_436 : f32 to vector<16xf32>
        %mul3A_438 = arith.mulf %mul3A_437, %cond3A_395#6 : vector<16xf32>
        %get3A_439 = arith.index_cast %while3A_380 : i32 to index
        %get3A_440 = arith.constant 64 : index
        %get3A_441 = tpu.vector_load %arg16[%get3A_439, %get3A_440] {strides = array<i32>} : memref<256x128xf32, #tpu.memory_space<vmem>>, vector<16xf32>,
        %mul3A_442 = arith.constant 1.000000e-03 : f32
        %mul3A_443 = vector.broadcast %mul3A_442 : f32 to vector<16xf32>
        %mul3A_444 = arith.mulf %mul3A_443, %get3A_441 : vector<16xf32>
        %add3A_445 = arith.addf %mul3A_438, %mul3A_444 : vector<16xf32>
        %mul3A_446 = arith.constant 9.990000e-01 : f32
        %mul3A_447 = vector.broadcast %mul3A_446 : f32 to vector<16xf32>
        %mul3A_448 = arith.mulf %mul3A_447, %cond3A_395#7 : vector<16xf32>
        %get3A_449 = arith.index_cast %while3A_380 : i32 to index
        %get3A_450 = arith.constant 80 : index
        %get3A_451 = tpu.vector_load %arg16[%get3A_449, %get3A_450] {strides = array<i32>} : memref<256x128xf32, #tpu.memory_space<vmem>>, vector<16xf32>,
        %mul3A_452 = arith.constant 1.000000e-03 : f32
        %mul3A_453 = vector.broadcast %mul3A_452 : f32 to vector<16xf32>
        %mul3A_454 = arith.mulf %mul3A_453, %get3A_451 : vector<16xf32>
        %add3A_455 = arith.addf %mul3A_448, %mul3A_454 : vector<16xf32>
        %mul3A_456 = arith.constant 9.990000e-01 : f32
        %mul3A_457 = vector.broadcast %mul3A_456 : f32 to vector<16xf32>
        %mul3A_458 = arith.mulf %mul3A_457, %cond3A_395#8 : vector<16xf32>
        %get3A_459 = arith.index_cast %while3A_380 : i32 to index
        %get3A_460 = arith.constant 96 : index
        %get3A_461 = tpu.vector_load %arg16[%get3A_459, %get3A_460] {strides = array<i32>} : memref<256x128xf32, #tpu.memory_space<vmem>>, vector<16xf32>,
        %mul3A_462 = arith.constant 1.000000e-03 : f32
        %mul3A_463 = vector.broadcast %mul3A_462 : f32 to vector<16xf32>
        %mul3A_464 = arith.mulf %mul3A_463, %get3A_461 : vector<16xf32>
        %add3A_465 = arith.addf %mul3A_458, %mul3A_464 : vector<16xf32>
        %mul3A_466 = arith.constant 9.990000e-01 : f32
        %mul3A_467 = vector.broadcast %mul3A_466 : f32 to vector<16xf32>
        %mul3A_468 = arith.mulf %mul3A_467, %cond3A_395#9 : vector<16xf32>
        %get3A_469 = arith.index_cast %while3A_380 : i32 to index
        %get3A_470 = arith.constant 112 : index
        %get3A_471 = tpu.vector_load %arg16[%get3A_469, %get3A_470] {strides = array<i32>} : memref<256x128xf32, #tpu.memory_space<vmem>>, vector<16xf32>,
        %mul3A_472 = arith.constant 1.000000e-03 : f32
        %mul3A_473 = vector.broadcast %mul3A_472 : f32 to vector<16xf32>
        %mul3A_474 = arith.mulf %mul3A_473, %get3A_471 : vector<16xf32>
        %add3A_475 = arith.addf %mul3A_468, %mul3A_474 : vector<16xf32>
        %mul3A_476 = arith.mulf %add3A_405, %add3A_405 : vector<16xf32>
        %mul3A_477 = arith.mulf %add3A_415, %add3A_415 : vector<16xf32>
        %add3A_478 = arith.addf %mul3A_476, %mul3A_477 : vector<16xf32>
        %mul3A_479 = arith.mulf %add3A_425, %add3A_425 : vector<16xf32>
        %mul3A_480 = arith.mulf %add3A_435, %add3A_435 : vector<16xf32>
        %add3A_481 = arith.addf %mul3A_479, %mul3A_480 : vector<16xf32>
        %mul3A_482 = arith.mulf %add3A_445, %add3A_445 : vector<16xf32>
        %mul3A_483 = arith.mulf %add3A_455, %add3A_455 : vector<16xf32>
        %add3A_484 = arith.addf %mul3A_482, %mul3A_483 : vector<16xf32>
        %mul3A_485 = arith.mulf %add3A_465, %add3A_465 : vector<16xf32>
        %mul3A_486 = arith.mulf %add3A_475, %add3A_475 : vector<16xf32>
        %add3A_487 = arith.addf %mul3A_485, %mul3A_486 : vector<16xf32>
        %add3A_488 = arith.addf %add3A_478, %add3A_481 : vector<16xf32>
        %add3A_489 = arith.addf %add3A_484, %add3A_487 : vector<16xf32>
        %add3A_490 = arith.addf %add3A_488, %add3A_489 : vector<16xf32>
        %broadcast_in_dim3A_491 = arith.constant true
        %broadcast_in_dim3A_492 = vector.broadcast %broadcast_in_dim3A_491 : i1 to vector<16xi1>
        %masked_cumsum3A = tpu.scan <sum>, %add3A_490 masked %broadcast_in_dim3A_492 : vector<16xf32>, vector<16xi1> -> vector<16xf32>
        %slice3A_493 = vector.extract_strided_slice %masked_cumsum3A {offsets = [15], sizes = [1], strides = [1]} : vector<16xf32> to vector<1xf32>
        %squeeze3A_494 = vector.extract %slice3A_493[0] : f32 from vector<1xf32>
        %broadcast_in_dim3A_495 = vector.broadcast %squeeze3A_494 : f32 to vector<16xf32>
        %max3A_496 = arith.constant 1.000000e-24 : f32
        %max3A_497 = vector.broadcast %max3A_496 : f32 to vector<16xf32>
        %max3A_498 = arith.maximumf %broadcast_in_dim3A_495, %max3A_497 : vector<16xf32>
        %bitcast3A = vector.bitcast %max3A_498 : vector<16xf32> to vector<16xi32>
        %shift_right_arithmetic3A = arith.constant 1 : i32
        %shift_right_arithmetic3A_499 = vector.broadcast %shift_right_arithmetic3A : i32 to vector<16xi32>
        %shift_right_arithmetic3A_500 = arith.shrsi %bitcast3A, %shift_right_arithmetic3A_499 : vector<16xi32>
        %sub3A_501 = arith.constant 1597463007 : i32
        %sub3A_502 = vector.broadcast %sub3A_501 : i32 to vector<16xi32>
        %sub3A_503 = arith.subi %sub3A_502, %shift_right_arithmetic3A_500 : vector<16xi32>
        %bitcast3A_504 = vector.bitcast %sub3A_503 : vector<16xi32> to vector<16xf32>
        %mul3A_505 = arith.constant 5.000000e-01 : f32
        %mul3A_506 = vector.broadcast %mul3A_505 : f32 to vector<16xf32>
        %mul3A_507 = arith.mulf %mul3A_506, %max3A_498 : vector<16xf32>
        %mul3A_508 = arith.mulf %mul3A_507, %bitcast3A_504 : vector<16xf32>
        %mul3A_509 = arith.mulf %mul3A_508, %bitcast3A_504 : vector<16xf32>
        %sub3A_510 = arith.constant 1.500000e+00 : f32
        %sub3A_511 = vector.broadcast %sub3A_510 : f32 to vector<16xf32>
        %sub3A_512 = arith.subf %sub3A_511, %mul3A_509 : vector<16xf32>
        %mul3A_513 = arith.mulf %bitcast3A_504, %sub3A_512 : vector<16xf32>
        %mul3A_514 = arith.mulf %mul3A_507, %mul3A_513 : vector<16xf32>
        %mul3A_515 = arith.mulf %mul3A_514, %mul3A_513 : vector<16xf32>
        %sub3A_516 = arith.constant 1.500000e+00 : f32
        %sub3A_517 = vector.broadcast %sub3A_516 : f32 to vector<16xf32>
        %sub3A_518 = arith.subf %sub3A_517, %mul3A_515 : vector<16xf32>
        %mul3A_519 = arith.mulf %mul3A_513, %sub3A_518 : vector<16xf32>
        %mul3A_520 = arith.mulf %add3A_405, %mul3A_519 : vector<16xf32>
        %mul3A_521 = arith.mulf %add3A_415, %mul3A_519 : vector<16xf32>
        %mul3A_522 = arith.mulf %add3A_425, %mul3A_519 : vector<16xf32>
        %mul3A_523 = arith.mulf %add3A_435, %mul3A_519 : vector<16xf32>
        %mul3A_524 = arith.mulf %add3A_445, %mul3A_519 : vector<16xf32>
        %mul3A_525 = arith.mulf %add3A_455, %mul3A_519 : vector<16xf32>
        %mul3A_526 = arith.mulf %add3A_465, %mul3A_519 : vector<16xf32>
        %mul3A_527 = arith.mulf %add3A_475, %mul3A_519 : vector<16xf32>
        scf.yield %cond3A_395#0, %cond3A_395#1, %mul3A_520, %mul3A_521, %mul3A_522, %mul3A_523, %mul3A_524, %mul3A_525, %mul3A_526, %mul3A_527 : i32, i32, vector<16xf32>, vector<16xf32>, vector<16xf32>, vector<16xf32>, vector<16xf32>, vector<16xf32>, vector<16xf32>, vector<16xf32>
      }
      %while3A_339 = arith.constant 1 : i32
      %while3A_340:10 = scf.for %while3A_380 = %while3A_336 to %while3A_332 step %while3A_339 iter_args(%while3A_381 = %while3A_338#0, %while3A_382 = %while3A_338#1, %while3A_383 = %while3A_338#2, %while3A_384 = %while3A_338#3, %while3A_385 = %while3A_338#4, %while3A_386 = %while3A_338#5, %while3A_387 = %while3A_338#6, %while3A_388 = %while3A_338#7, %while3A_389 = %while3A_338#8, %while3A_390 = %while3A_338#9) -> (i32, i32, vector<16xf32>, vector<16xf32>, vector<16xf32>, vector<16xf32>, vector<16xf32>, vector<16xf32>, vector<16xf32>, vector<16xf32>)  : i32 {
        %add3A_391 = arith.addi %add3A_325, %while3A_380 : i32
        %ge3A = arith.cmpi sge, %add3A_391, %while3A_382 : i32
        %convert_element_type3A_392 = arith.extui %ge3A : i1 to i32
        %cond3A_393 = arith.constant 0 : i32
        %cond3A_394 = arith.cmpi ne, %convert_element_type3A_392, %cond3A_393 : i32
        %cond3A_395:10 = scf.if %cond3A_394 -> (i32, i32, vector<16xf32>, vector<16xf32>, vector<16xf32>, vector<16xf32>, vector<16xf32>, vector<16xf32>, vector<16xf32>, vector<16xf32>) {
          %swap3A_528 = arith.index_cast %while3A_381 : i32 to index
          %swap3A_529 = arith.constant 0 : index
          %swap3A_530 = tpu.vector_load %arg6[%swap3A_528, %swap3A_529] {strides = array<i32>} : memref<32x128xf32, #tpu.memory_space<vmem>>, vector<16xf32>,
          tpu.vector_store %arg6[%swap3A_528, %swap3A_529], %while3A_383 {strides = array<i32>} : memref<32x128xf32, #tpu.memory_space<vmem>>, vector<16xf32>,
          %swap3A_531 = arith.index_cast %while3A_381 : i32 to index
          %swap3A_532 = arith.constant 16 : index
          %swap3A_533 = tpu.vector_load %arg6[%swap3A_531, %swap3A_532] {strides = array<i32>} : memref<32x128xf32, #tpu.memory_space<vmem>>, vector<16xf32>,
          tpu.vector_store %arg6[%swap3A_531, %swap3A_532], %while3A_384 {strides = array<i32>} : memref<32x128xf32, #tpu.memory_space<vmem>>, vector<16xf32>,
          %swap3A_534 = arith.index_cast %while3A_381 : i32 to index
          %swap3A_535 = arith.constant 32 : index
          %swap3A_536 = tpu.vector_load %arg6[%swap3A_534, %swap3A_535] {strides = array<i32>} : memref<32x128xf32, #tpu.memory_space<vmem>>, vector<16xf32>,
          tpu.vector_store %arg6[%swap3A_534, %swap3A_535], %while3A_385 {strides = array<i32>} : memref<32x128xf32, #tpu.memory_space<vmem>>, vector<16xf32>,
          %swap3A_537 = arith.index_cast %while3A_381 : i32 to index
          %swap3A_538 = arith.constant 48 : index
          %swap3A_539 = tpu.vector_load %arg6[%swap3A_537, %swap3A_538] {strides = array<i32>} : memref<32x128xf32, #tpu.memory_space<vmem>>, vector<16xf32>,
          tpu.vector_store %arg6[%swap3A_537, %swap3A_538], %while3A_386 {strides = array<i32>} : memref<32x128xf32, #tpu.memory_space<vmem>>, vector<16xf32>,
          %swap3A_540 = arith.index_cast %while3A_381 : i32 to index
          %swap3A_541 = arith.constant 64 : index
          %swap3A_542 = tpu.vector_load %arg6[%swap3A_540, %swap3A_541] {strides = array<i32>} : memref<32x128xf32, #tpu.memory_space<vmem>>, vector<16xf32>,
          tpu.vector_store %arg6[%swap3A_540, %swap3A_541], %while3A_387 {strides = array<i32>} : memref<32x128xf32, #tpu.memory_space<vmem>>, vector<16xf32>,
          %swap3A_543 = arith.index_cast %while3A_381 : i32 to index
          %swap3A_544 = arith.constant 80 : index
          %swap3A_545 = tpu.vector_load %arg6[%swap3A_543, %swap3A_544] {strides = array<i32>} : memref<32x128xf32, #tpu.memory_space<vmem>>, vector<16xf32>,
          tpu.vector_store %arg6[%swap3A_543, %swap3A_544], %while3A_388 {strides = array<i32>} : memref<32x128xf32, #tpu.memory_space<vmem>>, vector<16xf32>,
          %swap3A_546 = arith.index_cast %while3A_381 : i32 to index
          %swap3A_547 = arith.constant 96 : index
          %swap3A_548 = tpu.vector_load %arg6[%swap3A_546, %swap3A_547] {strides = array<i32>} : memref<32x128xf32, #tpu.memory_space<vmem>>, vector<16xf32>,
          tpu.vector_store %arg6[%swap3A_546, %swap3A_547], %while3A_389 {strides = array<i32>} : memref<32x128xf32, #tpu.memory_space<vmem>>, vector<16xf32>,
          %swap3A_549 = arith.index_cast %while3A_381 : i32 to index
          %swap3A_550 = arith.constant 112 : index
          %swap3A_551 = tpu.vector_load %arg6[%swap3A_549, %swap3A_550] {strides = array<i32>} : memref<32x128xf32, #tpu.memory_space<vmem>>, vector<16xf32>,
          tpu.vector_store %arg6[%swap3A_549, %swap3A_550], %while3A_390 {strides = array<i32>} : memref<32x128xf32, #tpu.memory_space<vmem>>, vector<16xf32>,
          %while3A_552 = scf.while (%while3A_584 = %while3A_381) : (i32) -> i32 {
            %add3A_585 = arith.constant 1 : i32
            %add3A_586 = arith.addi %while3A_584, %add3A_585 : i32
            %add3A_587 = arith.addi %mul3A_2, %add3A_586 : i32
            %get3A_588 = arith.index_cast %add3A_587 : i32 to index
            %get3A_589 = tpu.vector_load %arg10[%get3A_588] {strides = array<i32>} : memref<1088xi32, #tpu.memory_space<vmem>>, vector<16xi32>,
            %slice3A_590 = vector.extract_strided_slice %get3A_589 {offsets = [0], sizes = [1], strides = [1]} : vector<16xi32> to vector<1xi32>
            %squeeze3A_591 = vector.extract %slice3A_590[0] : i32 from vector<1xi32>
            %le3A = arith.cmpi sle, %squeeze3A_591, %add3A_391 : i32
            scf.condition(%le3A) %while3A_584 : i32
          } do {
          ^bb0(%while3A_584: i32):
            %add3A_585 = arith.constant 1 : i32
            %add3A_586 = arith.addi %while3A_584, %add3A_585 : i32
            scf.yield %add3A_586 : i32
          }
          %add3A_553 = arith.constant 1 : i32
          %add3A_554 = arith.addi %while3A_552, %add3A_553 : i32
          %add3A_555 = arith.addi %mul3A_2, %add3A_554 : i32
          %get3A_556 = arith.index_cast %add3A_555 : i32 to index
          %get3A_557 = tpu.vector_load %arg10[%get3A_556] {strides = array<i32>} : memref<1088xi32, #tpu.memory_space<vmem>>, vector<16xi32>,
          %slice3A_558 = vector.extract_strided_slice %get3A_557 {offsets = [0], sizes = [1], strides = [1]} : vector<16xi32> to vector<1xi32>
          %squeeze3A_559 = vector.extract %slice3A_558[0] : i32 from vector<1xi32>
          %get3A_560 = arith.index_cast %while3A_552 : i32 to index
          %get3A_561 = arith.constant 0 : index
          %get3A_562 = tpu.vector_load %arg6[%get3A_560, %get3A_561] {strides = array<i32>} : memref<32x128xf32, #tpu.memory_space<vmem>>, vector<16xf32>,
          %get3A_563 = arith.index_cast %while3A_552 : i32 to index
          %get3A_564 = arith.constant 16 : index
          %get3A_565 = tpu.vector_load %arg6[%get3A_563, %get3A_564] {strides = array<i32>} : memref<32x128xf32, #tpu.memory_space<vmem>>, vector<16xf32>,
          %get3A_566 = arith.index_cast %while3A_552 : i32 to index
          %get3A_567 = arith.constant 32 : index
          %get3A_568 = tpu.vector_load %arg6[%get3A_566, %get3A_567] {strides = array<i32>} : memref<32x128xf32, #tpu.memory_space<vmem>>, vector<16xf32>,
          %get3A_569 = arith.index_cast %while3A_552 : i32 to index
          %get3A_570 = arith.constant 48 : index
          %get3A_571 = tpu.vector_load %arg6[%get3A_569, %get3A_570] {strides = array<i32>} : memref<32x128xf32, #tpu.memory_space<vmem>>, vector<16xf32>,
          %get3A_572 = arith.index_cast %while3A_552 : i32 to index
          %get3A_573 = arith.constant 64 : index
          %get3A_574 = tpu.vector_load %arg6[%get3A_572, %get3A_573] {strides = array<i32>} : memref<32x128xf32, #tpu.memory_space<vmem>>, vector<16xf32>,
          %get3A_575 = arith.index_cast %while3A_552 : i32 to index
          %get3A_576 = arith.constant 80 : index
          %get3A_577 = tpu.vector_load %arg6[%get3A_575, %get3A_576] {strides = array<i32>} : memref<32x128xf32, #tpu.memory_space<vmem>>, vector<16xf32>,
          %get3A_578 = arith.index_cast %while3A_552 : i32 to index
          %get3A_579 = arith.constant 96 : index
          %get3A_580 = tpu.vector_load %arg6[%get3A_578, %get3A_579] {strides = array<i32>} : memref<32x128xf32, #tpu.memory_space<vmem>>, vector<16xf32>,
          %get3A_581 = arith.index_cast %while3A_552 : i32 to index
          %get3A_582 = arith.constant 112 : index
          %get3A_583 = tpu.vector_load %arg6[%get3A_581, %get3A_582] {strides = array<i32>} : memref<32x128xf32, #tpu.memory_space<vmem>>, vector<16xf32>,
          scf.yield %while3A_552, %squeeze3A_559, %get3A_562, %get3A_565, %get3A_568, %get3A_571, %get3A_574, %get3A_577, %get3A_580, %get3A_583 : i32, i32, vector<16xf32>, vector<16xf32>, vector<16xf32>, vector<16xf32>, vector<16xf32>, vector<16xf32>, vector<16xf32>, vector<16xf32>
        } else {
          scf.yield %while3A_381, %while3A_382, %while3A_383, %while3A_384, %while3A_385, %while3A_386, %while3A_387, %while3A_388, %while3A_389, %while3A_390 : i32, i32, vector<16xf32>, vector<16xf32>, vector<16xf32>, vector<16xf32>, vector<16xf32>, vector<16xf32>, vector<16xf32>, vector<16xf32>
        }
        %mul3A_396 = arith.constant 9.990000e-01 : f32
        %mul3A_397 = vector.broadcast %mul3A_396 : f32 to vector<16xf32>
        %mul3A_398 = arith.mulf %mul3A_397, %cond3A_395#2 : vector<16xf32>
        %get3A_399 = arith.index_cast %while3A_380 : i32 to index
        %get3A_400 = arith.constant 0 : index
        %get3A_401 = tpu.vector_load %arg16[%get3A_399, %get3A_400] {strides = array<i32>} : memref<256x128xf32, #tpu.memory_space<vmem>>, vector<16xf32>,
        %mul3A_402 = arith.constant 1.000000e-03 : f32
        %mul3A_403 = vector.broadcast %mul3A_402 : f32 to vector<16xf32>
        %mul3A_404 = arith.mulf %mul3A_403, %get3A_401 : vector<16xf32>
        %add3A_405 = arith.addf %mul3A_398, %mul3A_404 : vector<16xf32>
        %mul3A_406 = arith.constant 9.990000e-01 : f32
        %mul3A_407 = vector.broadcast %mul3A_406 : f32 to vector<16xf32>
        %mul3A_408 = arith.mulf %mul3A_407, %cond3A_395#3 : vector<16xf32>
        %get3A_409 = arith.index_cast %while3A_380 : i32 to index
        %get3A_410 = arith.constant 16 : index
        %get3A_411 = tpu.vector_load %arg16[%get3A_409, %get3A_410] {strides = array<i32>} : memref<256x128xf32, #tpu.memory_space<vmem>>, vector<16xf32>,
        %mul3A_412 = arith.constant 1.000000e-03 : f32
        %mul3A_413 = vector.broadcast %mul3A_412 : f32 to vector<16xf32>
        %mul3A_414 = arith.mulf %mul3A_413, %get3A_411 : vector<16xf32>
        %add3A_415 = arith.addf %mul3A_408, %mul3A_414 : vector<16xf32>
        %mul3A_416 = arith.constant 9.990000e-01 : f32
        %mul3A_417 = vector.broadcast %mul3A_416 : f32 to vector<16xf32>
        %mul3A_418 = arith.mulf %mul3A_417, %cond3A_395#4 : vector<16xf32>
        %get3A_419 = arith.index_cast %while3A_380 : i32 to index
        %get3A_420 = arith.constant 32 : index
        %get3A_421 = tpu.vector_load %arg16[%get3A_419, %get3A_420] {strides = array<i32>} : memref<256x128xf32, #tpu.memory_space<vmem>>, vector<16xf32>,
        %mul3A_422 = arith.constant 1.000000e-03 : f32
        %mul3A_423 = vector.broadcast %mul3A_422 : f32 to vector<16xf32>
        %mul3A_424 = arith.mulf %mul3A_423, %get3A_421 : vector<16xf32>
        %add3A_425 = arith.addf %mul3A_418, %mul3A_424 : vector<16xf32>
        %mul3A_426 = arith.constant 9.990000e-01 : f32
        %mul3A_427 = vector.broadcast %mul3A_426 : f32 to vector<16xf32>
        %mul3A_428 = arith.mulf %mul3A_427, %cond3A_395#5 : vector<16xf32>
        %get3A_429 = arith.index_cast %while3A_380 : i32 to index
        %get3A_430 = arith.constant 48 : index
        %get3A_431 = tpu.vector_load %arg16[%get3A_429, %get3A_430] {strides = array<i32>} : memref<256x128xf32, #tpu.memory_space<vmem>>, vector<16xf32>,
        %mul3A_432 = arith.constant 1.000000e-03 : f32
        %mul3A_433 = vector.broadcast %mul3A_432 : f32 to vector<16xf32>
        %mul3A_434 = arith.mulf %mul3A_433, %get3A_431 : vector<16xf32>
        %add3A_435 = arith.addf %mul3A_428, %mul3A_434 : vector<16xf32>
        %mul3A_436 = arith.constant 9.990000e-01 : f32
        %mul3A_437 = vector.broadcast %mul3A_436 : f32 to vector<16xf32>
        %mul3A_438 = arith.mulf %mul3A_437, %cond3A_395#6 : vector<16xf32>
        %get3A_439 = arith.index_cast %while3A_380 : i32 to index
        %get3A_440 = arith.constant 64 : index
        %get3A_441 = tpu.vector_load %arg16[%get3A_439, %get3A_440] {strides = array<i32>} : memref<256x128xf32, #tpu.memory_space<vmem>>, vector<16xf32>,
        %mul3A_442 = arith.constant 1.000000e-03 : f32
        %mul3A_443 = vector.broadcast %mul3A_442 : f32 to vector<16xf32>
        %mul3A_444 = arith.mulf %mul3A_443, %get3A_441 : vector<16xf32>
        %add3A_445 = arith.addf %mul3A_438, %mul3A_444 : vector<16xf32>
        %mul3A_446 = arith.constant 9.990000e-01 : f32
        %mul3A_447 = vector.broadcast %mul3A_446 : f32 to vector<16xf32>
        %mul3A_448 = arith.mulf %mul3A_447, %cond3A_395#7 : vector<16xf32>
        %get3A_449 = arith.index_cast %while3A_380 : i32 to index
        %get3A_450 = arith.constant 80 : index
        %get3A_451 = tpu.vector_load %arg16[%get3A_449, %get3A_450] {strides = array<i32>} : memref<256x128xf32, #tpu.memory_space<vmem>>, vector<16xf32>,
        %mul3A_452 = arith.constant 1.000000e-03 : f32
        %mul3A_453 = vector.broadcast %mul3A_452 : f32 to vector<16xf32>
        %mul3A_454 = arith.mulf %mul3A_453, %get3A_451 : vector<16xf32>
        %add3A_455 = arith.addf %mul3A_448, %mul3A_454 : vector<16xf32>
        %mul3A_456 = arith.constant 9.990000e-01 : f32
        %mul3A_457 = vector.broadcast %mul3A_456 : f32 to vector<16xf32>
        %mul3A_458 = arith.mulf %mul3A_457, %cond3A_395#8 : vector<16xf32>
        %get3A_459 = arith.index_cast %while3A_380 : i32 to index
        %get3A_460 = arith.constant 96 : index
        %get3A_461 = tpu.vector_load %arg16[%get3A_459, %get3A_460] {strides = array<i32>} : memref<256x128xf32, #tpu.memory_space<vmem>>, vector<16xf32>,
        %mul3A_462 = arith.constant 1.000000e-03 : f32
        %mul3A_463 = vector.broadcast %mul3A_462 : f32 to vector<16xf32>
        %mul3A_464 = arith.mulf %mul3A_463, %get3A_461 : vector<16xf32>
        %add3A_465 = arith.addf %mul3A_458, %mul3A_464 : vector<16xf32>
        %mul3A_466 = arith.constant 9.990000e-01 : f32
        %mul3A_467 = vector.broadcast %mul3A_466 : f32 to vector<16xf32>
        %mul3A_468 = arith.mulf %mul3A_467, %cond3A_395#9 : vector<16xf32>
        %get3A_469 = arith.index_cast %while3A_380 : i32 to index
        %get3A_470 = arith.constant 112 : index
        %get3A_471 = tpu.vector_load %arg16[%get3A_469, %get3A_470] {strides = array<i32>} : memref<256x128xf32, #tpu.memory_space<vmem>>, vector<16xf32>,
        %mul3A_472 = arith.constant 1.000000e-03 : f32
        %mul3A_473 = vector.broadcast %mul3A_472 : f32 to vector<16xf32>
        %mul3A_474 = arith.mulf %mul3A_473, %get3A_471 : vector<16xf32>
        %add3A_475 = arith.addf %mul3A_468, %mul3A_474 : vector<16xf32>
        %mul3A_476 = arith.mulf %add3A_405, %add3A_405 : vector<16xf32>
        %mul3A_477 = arith.mulf %add3A_415, %add3A_415 : vector<16xf32>
        %add3A_478 = arith.addf %mul3A_476, %mul3A_477 : vector<16xf32>
        %mul3A_479 = arith.mulf %add3A_425, %add3A_425 : vector<16xf32>
        %mul3A_480 = arith.mulf %add3A_435, %add3A_435 : vector<16xf32>
        %add3A_481 = arith.addf %mul3A_479, %mul3A_480 : vector<16xf32>
        %mul3A_482 = arith.mulf %add3A_445, %add3A_445 : vector<16xf32>
        %mul3A_483 = arith.mulf %add3A_455, %add3A_455 : vector<16xf32>
        %add3A_484 = arith.addf %mul3A_482, %mul3A_483 : vector<16xf32>
        %mul3A_485 = arith.mulf %add3A_465, %add3A_465 : vector<16xf32>
        %mul3A_486 = arith.mulf %add3A_475, %add3A_475 : vector<16xf32>
        %add3A_487 = arith.addf %mul3A_485, %mul3A_486 : vector<16xf32>
        %add3A_488 = arith.addf %add3A_478, %add3A_481 : vector<16xf32>
        %add3A_489 = arith.addf %add3A_484, %add3A_487 : vector<16xf32>
        %add3A_490 = arith.addf %add3A_488, %add3A_489 : vector<16xf32>
        %broadcast_in_dim3A_491 = arith.constant true
        %broadcast_in_dim3A_492 = vector.broadcast %broadcast_in_dim3A_491 : i1 to vector<16xi1>
        %masked_cumsum3A = tpu.scan <sum>, %add3A_490 masked %broadcast_in_dim3A_492 : vector<16xf32>, vector<16xi1> -> vector<16xf32>
        %slice3A_493 = vector.extract_strided_slice %masked_cumsum3A {offsets = [15], sizes = [1], strides = [1]} : vector<16xf32> to vector<1xf32>
        %squeeze3A_494 = vector.extract %slice3A_493[0] : f32 from vector<1xf32>
        %broadcast_in_dim3A_495 = vector.broadcast %squeeze3A_494 : f32 to vector<16xf32>
        %max3A_496 = arith.constant 1.000000e-24 : f32
        %max3A_497 = vector.broadcast %max3A_496 : f32 to vector<16xf32>
        %max3A_498 = arith.maximumf %broadcast_in_dim3A_495, %max3A_497 : vector<16xf32>
        %bitcast3A = vector.bitcast %max3A_498 : vector<16xf32> to vector<16xi32>
        %shift_right_arithmetic3A = arith.constant 1 : i32
        %shift_right_arithmetic3A_499 = vector.broadcast %shift_right_arithmetic3A : i32 to vector<16xi32>
        %shift_right_arithmetic3A_500 = arith.shrsi %bitcast3A, %shift_right_arithmetic3A_499 : vector<16xi32>
        %sub3A_501 = arith.constant 1597463007 : i32
        %sub3A_502 = vector.broadcast %sub3A_501 : i32 to vector<16xi32>
        %sub3A_503 = arith.subi %sub3A_502, %shift_right_arithmetic3A_500 : vector<16xi32>
        %bitcast3A_504 = vector.bitcast %sub3A_503 : vector<16xi32> to vector<16xf32>
        %mul3A_505 = arith.constant 5.000000e-01 : f32
        %mul3A_506 = vector.broadcast %mul3A_505 : f32 to vector<16xf32>
        %mul3A_507 = arith.mulf %mul3A_506, %max3A_498 : vector<16xf32>
        %mul3A_508 = arith.mulf %mul3A_507, %bitcast3A_504 : vector<16xf32>
        %mul3A_509 = arith.mulf %mul3A_508, %bitcast3A_504 : vector<16xf32>
        %sub3A_510 = arith.constant 1.500000e+00 : f32
        %sub3A_511 = vector.broadcast %sub3A_510 : f32 to vector<16xf32>
        %sub3A_512 = arith.subf %sub3A_511, %mul3A_509 : vector<16xf32>
        %mul3A_513 = arith.mulf %bitcast3A_504, %sub3A_512 : vector<16xf32>
        %mul3A_514 = arith.mulf %mul3A_507, %mul3A_513 : vector<16xf32>
        %mul3A_515 = arith.mulf %mul3A_514, %mul3A_513 : vector<16xf32>
        %sub3A_516 = arith.constant 1.500000e+00 : f32
        %sub3A_517 = vector.broadcast %sub3A_516 : f32 to vector<16xf32>
        %sub3A_518 = arith.subf %sub3A_517, %mul3A_515 : vector<16xf32>
        %mul3A_519 = arith.mulf %mul3A_513, %sub3A_518 : vector<16xf32>
        %mul3A_520 = arith.mulf %add3A_405, %mul3A_519 : vector<16xf32>
        %mul3A_521 = arith.mulf %add3A_415, %mul3A_519 : vector<16xf32>
        %mul3A_522 = arith.mulf %add3A_425, %mul3A_519 : vector<16xf32>
        %mul3A_523 = arith.mulf %add3A_435, %mul3A_519 : vector<16xf32>
        %mul3A_524 = arith.mulf %add3A_445, %mul3A_519 : vector<16xf32>
        %mul3A_525 = arith.mulf %add3A_455, %mul3A_519 : vector<16xf32>
        %mul3A_526 = arith.mulf %add3A_465, %mul3A_519 : vector<16xf32>
        %mul3A_527 = arith.mulf %add3A_475, %mul3A_519 : vector<16xf32>
        scf.yield %cond3A_395#0, %cond3A_395#1, %mul3A_520, %mul3A_521, %mul3A_522, %mul3A_523, %mul3A_524, %mul3A_525, %mul3A_526, %mul3A_527 : i32, i32, vector<16xf32>, vector<16xf32>, vector<16xf32>, vector<16xf32>, vector<16xf32>, vector<16xf32>, vector<16xf32>, vector<16xf32>
      }
      %mul3A_341 = arith.constant 2 : i32
      %mul3A_342 = arith.muli %mul3A_341, %while3A_295 : i32
      %add3A_343 = arith.constant 1 : i32
      %add3A_344 = arith.addi %mul3A_342, %add3A_343 : i32
      %lt3A_345 = arith.cmpi slt, %add3A_344, %div3A_233 : i32
      %convert_element_type3A_346 = arith.extui %lt3A_345 : i1 to i32
      %cond3A_347 = arith.constant 0 : i32
      %cond3A_348 = arith.cmpi ne, %convert_element_type3A_346, %cond3A_347 : i32
      scf.if %cond3A_348 {
        %dma_wait3A_380 = arith.constant 0 : i32
        %dma_wait3A_381 = arith.constant 0 : i32
        %dma_wait3A_382 = tpu.memref_slice %arg2[%dma_wait3A_380, %dma_wait3A_381] : memref<16384x128xf32, #tpu.memory_space<hbm>> -> memref<16384x128xf32, #tpu.memory_space<hbm>>
        tpu.wait_indirect_dma semaphore(%arg21 : memref<!tpu.dma_semaphore, #tpu.memory_space<semaphore_mem>>) src(%dma_wait3A_382 : memref<16384x128xf32, #tpu.memory_space<hbm>>) dst(%arg17 : memref<256x128xf32, #tpu.memory_space<vmem>>)
      } else {
      }
      %add3A_349 = arith.constant 1 : i32
      %add3A_350 = arith.addi %add3A_344, %add3A_349 : i32
      %lt3A_351 = arith.cmpi slt, %add3A_350, %div3A_233 : i32
      %convert_element_type3A_352 = arith.extui %lt3A_351 : i1 to i32
      %cond3A_353 = arith.constant 0 : i32
      %cond3A_354 = arith.cmpi ne, %convert_element_type3A_352, %cond3A_353 : i32
      scf.if %cond3A_354 {
        %add3A_380 = arith.constant 1 : i32
        %add3A_381 = arith.addi %add3A_344, %add3A_380 : i32
        %mul3A_382 = arith.constant 256 : i32
        %mul3A_383 = arith.muli %add3A_381, %mul3A_382 : i32
        %add3A_384 = arith.addi %multiple_of3A, %mul3A_383 : i32
        %multiple_of3A_385 = tpu.assume_multiple %add3A_384, 16 : i32
        %dma_wait3A_386 = tpu.memref_slice %arg19[%multiple_of3A_385] : memref<16896xi32, #tpu.memory_space<vmem_shared>> -> memref<256xi32, #tpu.memory_space<vmem_shared>>
        %dma_wait3A_387 = tpu.memref_slice %arg19[%multiple_of3A_385] : memref<16896xi32, #tpu.memory_space<vmem_shared>> -> memref<256xi32, #tpu.memory_space<vmem_shared>>
        tpu.wait_dma2 semaphore(%arg22 : memref<!tpu.dma_semaphore, #tpu.memory_space<semaphore_mem>>) src(%dma_wait3A_387 : memref<256xi32, #tpu.memory_space<vmem_shared>>) dst(%arg14 : memref<256xi32, #tpu.memory_space<vmem>>)
        %dma_start3A_388 = arith.constant 0 : i32
        %dma_start3A_389 = arith.constant 0 : i32
        %dma_start3A_390 = tpu.memref_slice %arg2[%dma_start3A_388, %dma_start3A_389] : memref<16384x128xf32, #tpu.memory_space<hbm>> -> memref<16384x128xf32, #tpu.memory_space<hbm>>
        tpu.enqueue_indirect_dma source(%dma_start3A_390 : memref<16384x128xf32, #tpu.memory_space<hbm>>) target(%arg16 : memref<256x128xf32, #tpu.memory_space<vmem>>) offsets(%arg14 : memref<256xi32, #tpu.memory_space<vmem>>) semaphore(%arg20 : memref<!tpu.dma_semaphore, #tpu.memory_space<semaphore_mem>>)
      } else {
      }
      %add3A_355 = arith.constant 2 : i32
      %add3A_356 = arith.addi %add3A_344, %add3A_355 : i32
      %lt3A_357 = arith.cmpi slt, %add3A_356, %div3A_233 : i32
      %convert_element_type3A_358 = arith.extui %lt3A_357 : i1 to i32
      %cond3A_359 = arith.constant 0 : i32
      %cond3A_360 = arith.cmpi ne, %convert_element_type3A_358, %cond3A_359 : i32
      scf.if %cond3A_360 {
        %add3A_380 = arith.constant 2 : i32
        %add3A_381 = arith.addi %add3A_344, %add3A_380 : i32
        %mul3A_382 = arith.constant 256 : i32
        %mul3A_383 = arith.muli %add3A_381, %mul3A_382 : i32
        %add3A_384 = arith.addi %multiple_of3A, %mul3A_383 : i32
        %multiple_of3A_385 = tpu.assume_multiple %add3A_384, 16 : i32
        %dma_start3A_386 = tpu.memref_slice %arg19[%multiple_of3A_385] : memref<16896xi32, #tpu.memory_space<vmem_shared>> -> memref<256xi32, #tpu.memory_space<vmem_shared>>
        %dma_start3A_387 = tpu.memref_slice %arg19[%multiple_of3A_385] : memref<16896xi32, #tpu.memory_space<vmem_shared>> -> memref<256xi32, #tpu.memory_space<vmem_shared>>
        tpu.enqueue_dma source(%dma_start3A_387 : memref<256xi32, #tpu.memory_space<vmem_shared>>) target(%arg15 : memref<256xi32, #tpu.memory_space<vmem>>) target_semaphore(%arg23 : memref<!tpu.dma_semaphore, #tpu.memory_space<semaphore_mem>>)
      } else {
      }
      %mul3A_361 = arith.constant 256 : i32
      %mul3A_362 = arith.muli %add3A_344, %mul3A_361 : i32
      %add3A_363 = arith.addi %multiple_of3A, %mul3A_362 : i32
      %sub3A_364 = arith.subi %squeeze3A, %add3A_363 : i32
      %max3A_365 = arith.constant 0 : i32
      %max3A_366 = arith.maxsi %sub3A_364, %max3A_365 : i32
      %sub3A_367 = arith.subi %squeeze3A_229, %add3A_363 : i32
      %min3A_368 = arith.constant 256 : i32
      %min3A_369 = arith.minsi %sub3A_367, %min3A_368 : i32
      %while3A_370 = arith.subi %min3A_369, %max3A_366 : i32
      %while3A_371 = arith.addi %max3A_366, %while3A_370 : i32
      %while3A_372 = arith.constant 1 : i32
      %while3A_373 = arith.divsi %while3A_370, %while3A_372 : i32
      %while3A_374 = arith.muli %while3A_373, %while3A_372 : i32
      %while3A_375 = arith.addi %max3A_366, %while3A_374 : i32
      %while3A_376 = arith.constant 1 : i32
      %while3A_377:10 = scf.for %while3A_380 = %max3A_366 to %while3A_375 step %while3A_376 iter_args(%while3A_381 = %while3A_340#0, %while3A_382 = %while3A_340#1, %while3A_383 = %while3A_340#2, %while3A_384 = %while3A_340#3, %while3A_385 = %while3A_340#4, %while3A_386 = %while3A_340#5, %while3A_387 = %while3A_340#6, %while3A_388 = %while3A_340#7, %while3A_389 = %while3A_340#8, %while3A_390 = %while3A_340#9) -> (i32, i32, vector<16xf32>, vector<16xf32>, vector<16xf32>, vector<16xf32>, vector<16xf32>, vector<16xf32>, vector<16xf32>, vector<16xf32>)  : i32 {
        %add3A_391 = arith.addi %add3A_363, %while3A_380 : i32
        %ge3A = arith.cmpi sge, %add3A_391, %while3A_382 : i32
        %convert_element_type3A_392 = arith.extui %ge3A : i1 to i32
        %cond3A_393 = arith.constant 0 : i32
        %cond3A_394 = arith.cmpi ne, %convert_element_type3A_392, %cond3A_393 : i32
        %cond3A_395:10 = scf.if %cond3A_394 -> (i32, i32, vector<16xf32>, vector<16xf32>, vector<16xf32>, vector<16xf32>, vector<16xf32>, vector<16xf32>, vector<16xf32>, vector<16xf32>) {
          %swap3A_528 = arith.index_cast %while3A_381 : i32 to index
          %swap3A_529 = arith.constant 0 : index
          %swap3A_530 = tpu.vector_load %arg6[%swap3A_528, %swap3A_529] {strides = array<i32>} : memref<32x128xf32, #tpu.memory_space<vmem>>, vector<16xf32>,
          tpu.vector_store %arg6[%swap3A_528, %swap3A_529], %while3A_383 {strides = array<i32>} : memref<32x128xf32, #tpu.memory_space<vmem>>, vector<16xf32>,
          %swap3A_531 = arith.index_cast %while3A_381 : i32 to index
          %swap3A_532 = arith.constant 16 : index
          %swap3A_533 = tpu.vector_load %arg6[%swap3A_531, %swap3A_532] {strides = array<i32>} : memref<32x128xf32, #tpu.memory_space<vmem>>, vector<16xf32>,
          tpu.vector_store %arg6[%swap3A_531, %swap3A_532], %while3A_384 {strides = array<i32>} : memref<32x128xf32, #tpu.memory_space<vmem>>, vector<16xf32>,
          %swap3A_534 = arith.index_cast %while3A_381 : i32 to index
          %swap3A_535 = arith.constant 32 : index
          %swap3A_536 = tpu.vector_load %arg6[%swap3A_534, %swap3A_535] {strides = array<i32>} : memref<32x128xf32, #tpu.memory_space<vmem>>, vector<16xf32>,
          tpu.vector_store %arg6[%swap3A_534, %swap3A_535], %while3A_385 {strides = array<i32>} : memref<32x128xf32, #tpu.memory_space<vmem>>, vector<16xf32>,
          %swap3A_537 = arith.index_cast %while3A_381 : i32 to index
          %swap3A_538 = arith.constant 48 : index
          %swap3A_539 = tpu.vector_load %arg6[%swap3A_537, %swap3A_538] {strides = array<i32>} : memref<32x128xf32, #tpu.memory_space<vmem>>, vector<16xf32>,
          tpu.vector_store %arg6[%swap3A_537, %swap3A_538], %while3A_386 {strides = array<i32>} : memref<32x128xf32, #tpu.memory_space<vmem>>, vector<16xf32>,
          %swap3A_540 = arith.index_cast %while3A_381 : i32 to index
          %swap3A_541 = arith.constant 64 : index
          %swap3A_542 = tpu.vector_load %arg6[%swap3A_540, %swap3A_541] {strides = array<i32>} : memref<32x128xf32, #tpu.memory_space<vmem>>, vector<16xf32>,
          tpu.vector_store %arg6[%swap3A_540, %swap3A_541], %while3A_387 {strides = array<i32>} : memref<32x128xf32, #tpu.memory_space<vmem>>, vector<16xf32>,
          %swap3A_543 = arith.index_cast %while3A_381 : i32 to index
          %swap3A_544 = arith.constant 80 : index
          %swap3A_545 = tpu.vector_load %arg6[%swap3A_543, %swap3A_544] {strides = array<i32>} : memref<32x128xf32, #tpu.memory_space<vmem>>, vector<16xf32>,
          tpu.vector_store %arg6[%swap3A_543, %swap3A_544], %while3A_388 {strides = array<i32>} : memref<32x128xf32, #tpu.memory_space<vmem>>, vector<16xf32>,
          %swap3A_546 = arith.index_cast %while3A_381 : i32 to index
          %swap3A_547 = arith.constant 96 : index
          %swap3A_548 = tpu.vector_load %arg6[%swap3A_546, %swap3A_547] {strides = array<i32>} : memref<32x128xf32, #tpu.memory_space<vmem>>, vector<16xf32>,
          tpu.vector_store %arg6[%swap3A_546, %swap3A_547], %while3A_389 {strides = array<i32>} : memref<32x128xf32, #tpu.memory_space<vmem>>, vector<16xf32>,
          %swap3A_549 = arith.index_cast %while3A_381 : i32 to index
          %swap3A_550 = arith.constant 112 : index
          %swap3A_551 = tpu.vector_load %arg6[%swap3A_549, %swap3A_550] {strides = array<i32>} : memref<32x128xf32, #tpu.memory_space<vmem>>, vector<16xf32>,
          tpu.vector_store %arg6[%swap3A_549, %swap3A_550], %while3A_390 {strides = array<i32>} : memref<32x128xf32, #tpu.memory_space<vmem>>, vector<16xf32>,
          %while3A_552 = scf.while (%while3A_584 = %while3A_381) : (i32) -> i32 {
            %add3A_585 = arith.constant 1 : i32
            %add3A_586 = arith.addi %while3A_584, %add3A_585 : i32
            %add3A_587 = arith.addi %mul3A_2, %add3A_586 : i32
            %get3A_588 = arith.index_cast %add3A_587 : i32 to index
            %get3A_589 = tpu.vector_load %arg10[%get3A_588] {strides = array<i32>} : memref<1088xi32, #tpu.memory_space<vmem>>, vector<16xi32>,
            %slice3A_590 = vector.extract_strided_slice %get3A_589 {offsets = [0], sizes = [1], strides = [1]} : vector<16xi32> to vector<1xi32>
            %squeeze3A_591 = vector.extract %slice3A_590[0] : i32 from vector<1xi32>
            %le3A = arith.cmpi sle, %squeeze3A_591, %add3A_391 : i32
            scf.condition(%le3A) %while3A_584 : i32
          } do {
          ^bb0(%while3A_584: i32):
            %add3A_585 = arith.constant 1 : i32
            %add3A_586 = arith.addi %while3A_584, %add3A_585 : i32
            scf.yield %add3A_586 : i32
          }
          %add3A_553 = arith.constant 1 : i32
          %add3A_554 = arith.addi %while3A_552, %add3A_553 : i32
          %add3A_555 = arith.addi %mul3A_2, %add3A_554 : i32
          %get3A_556 = arith.index_cast %add3A_555 : i32 to index
          %get3A_557 = tpu.vector_load %arg10[%get3A_556] {strides = array<i32>} : memref<1088xi32, #tpu.memory_space<vmem>>, vector<16xi32>,
          %slice3A_558 = vector.extract_strided_slice %get3A_557 {offsets = [0], sizes = [1], strides = [1]} : vector<16xi32> to vector<1xi32>
          %squeeze3A_559 = vector.extract %slice3A_558[0] : i32 from vector<1xi32>
          %get3A_560 = arith.index_cast %while3A_552 : i32 to index
          %get3A_561 = arith.constant 0 : index
          %get3A_562 = tpu.vector_load %arg6[%get3A_560, %get3A_561] {strides = array<i32>} : memref<32x128xf32, #tpu.memory_space<vmem>>, vector<16xf32>,
          %get3A_563 = arith.index_cast %while3A_552 : i32 to index
          %get3A_564 = arith.constant 16 : index
          %get3A_565 = tpu.vector_load %arg6[%get3A_563, %get3A_564] {strides = array<i32>} : memref<32x128xf32, #tpu.memory_space<vmem>>, vector<16xf32>,
          %get3A_566 = arith.index_cast %while3A_552 : i32 to index
          %get3A_567 = arith.constant 32 : index
          %get3A_568 = tpu.vector_load %arg6[%get3A_566, %get3A_567] {strides = array<i32>} : memref<32x128xf32, #tpu.memory_space<vmem>>, vector<16xf32>,
          %get3A_569 = arith.index_cast %while3A_552 : i32 to index
          %get3A_570 = arith.constant 48 : index
          %get3A_571 = tpu.vector_load %arg6[%get3A_569, %get3A_570] {strides = array<i32>} : memref<32x128xf32, #tpu.memory_space<vmem>>, vector<16xf32>,
          %get3A_572 = arith.index_cast %while3A_552 : i32 to index
          %get3A_573 = arith.constant 64 : index
          %get3A_574 = tpu.vector_load %arg6[%get3A_572, %get3A_573] {strides = array<i32>} : memref<32x128xf32, #tpu.memory_space<vmem>>, vector<16xf32>,
          %get3A_575 = arith.index_cast %while3A_552 : i32 to index
          %get3A_576 = arith.constant 80 : index
          %get3A_577 = tpu.vector_load %arg6[%get3A_575, %get3A_576] {strides = array<i32>} : memref<32x128xf32, #tpu.memory_space<vmem>>, vector<16xf32>,
          %get3A_578 = arith.index_cast %while3A_552 : i32 to index
          %get3A_579 = arith.constant 96 : index
          %get3A_580 = tpu.vector_load %arg6[%get3A_578, %get3A_579] {strides = array<i32>} : memref<32x128xf32, #tpu.memory_space<vmem>>, vector<16xf32>,
          %get3A_581 = arith.index_cast %while3A_552 : i32 to index
          %get3A_582 = arith.constant 112 : index
          %get3A_583 = tpu.vector_load %arg6[%get3A_581, %get3A_582] {strides = array<i32>} : memref<32x128xf32, #tpu.memory_space<vmem>>, vector<16xf32>,
          scf.yield %while3A_552, %squeeze3A_559, %get3A_562, %get3A_565, %get3A_568, %get3A_571, %get3A_574, %get3A_577, %get3A_580, %get3A_583 : i32, i32, vector<16xf32>, vector<16xf32>, vector<16xf32>, vector<16xf32>, vector<16xf32>, vector<16xf32>, vector<16xf32>, vector<16xf32>
        } else {
          scf.yield %while3A_381, %while3A_382, %while3A_383, %while3A_384, %while3A_385, %while3A_386, %while3A_387, %while3A_388, %while3A_389, %while3A_390 : i32, i32, vector<16xf32>, vector<16xf32>, vector<16xf32>, vector<16xf32>, vector<16xf32>, vector<16xf32>, vector<16xf32>, vector<16xf32>
        }
        %mul3A_396 = arith.constant 9.990000e-01 : f32
        %mul3A_397 = vector.broadcast %mul3A_396 : f32 to vector<16xf32>
        %mul3A_398 = arith.mulf %mul3A_397, %cond3A_395#2 : vector<16xf32>
        %get3A_399 = arith.index_cast %while3A_380 : i32 to index
        %get3A_400 = arith.constant 0 : index
        %get3A_401 = tpu.vector_load %arg17[%get3A_399, %get3A_400] {strides = array<i32>} : memref<256x128xf32, #tpu.memory_space<vmem>>, vector<16xf32>,
        %mul3A_402 = arith.constant 1.000000e-03 : f32
        %mul3A_403 = vector.broadcast %mul3A_402 : f32 to vector<16xf32>
        %mul3A_404 = arith.mulf %mul3A_403, %get3A_401 : vector<16xf32>
        %add3A_405 = arith.addf %mul3A_398, %mul3A_404 : vector<16xf32>
        %mul3A_406 = arith.constant 9.990000e-01 : f32
        %mul3A_407 = vector.broadcast %mul3A_406 : f32 to vector<16xf32>
        %mul3A_408 = arith.mulf %mul3A_407, %cond3A_395#3 : vector<16xf32>
        %get3A_409 = arith.index_cast %while3A_380 : i32 to index
        %get3A_410 = arith.constant 16 : index
        %get3A_411 = tpu.vector_load %arg17[%get3A_409, %get3A_410] {strides = array<i32>} : memref<256x128xf32, #tpu.memory_space<vmem>>, vector<16xf32>,
        %mul3A_412 = arith.constant 1.000000e-03 : f32
        %mul3A_413 = vector.broadcast %mul3A_412 : f32 to vector<16xf32>
        %mul3A_414 = arith.mulf %mul3A_413, %get3A_411 : vector<16xf32>
        %add3A_415 = arith.addf %mul3A_408, %mul3A_414 : vector<16xf32>
        %mul3A_416 = arith.constant 9.990000e-01 : f32
        %mul3A_417 = vector.broadcast %mul3A_416 : f32 to vector<16xf32>
        %mul3A_418 = arith.mulf %mul3A_417, %cond3A_395#4 : vector<16xf32>
        %get3A_419 = arith.index_cast %while3A_380 : i32 to index
        %get3A_420 = arith.constant 32 : index
        %get3A_421 = tpu.vector_load %arg17[%get3A_419, %get3A_420] {strides = array<i32>} : memref<256x128xf32, #tpu.memory_space<vmem>>, vector<16xf32>,
        %mul3A_422 = arith.constant 1.000000e-03 : f32
        %mul3A_423 = vector.broadcast %mul3A_422 : f32 to vector<16xf32>
        %mul3A_424 = arith.mulf %mul3A_423, %get3A_421 : vector<16xf32>
        %add3A_425 = arith.addf %mul3A_418, %mul3A_424 : vector<16xf32>
        %mul3A_426 = arith.constant 9.990000e-01 : f32
        %mul3A_427 = vector.broadcast %mul3A_426 : f32 to vector<16xf32>
        %mul3A_428 = arith.mulf %mul3A_427, %cond3A_395#5 : vector<16xf32>
        %get3A_429 = arith.index_cast %while3A_380 : i32 to index
        %get3A_430 = arith.constant 48 : index
        %get3A_431 = tpu.vector_load %arg17[%get3A_429, %get3A_430] {strides = array<i32>} : memref<256x128xf32, #tpu.memory_space<vmem>>, vector<16xf32>,
        %mul3A_432 = arith.constant 1.000000e-03 : f32
        %mul3A_433 = vector.broadcast %mul3A_432 : f32 to vector<16xf32>
        %mul3A_434 = arith.mulf %mul3A_433, %get3A_431 : vector<16xf32>
        %add3A_435 = arith.addf %mul3A_428, %mul3A_434 : vector<16xf32>
        %mul3A_436 = arith.constant 9.990000e-01 : f32
        %mul3A_437 = vector.broadcast %mul3A_436 : f32 to vector<16xf32>
        %mul3A_438 = arith.mulf %mul3A_437, %cond3A_395#6 : vector<16xf32>
        %get3A_439 = arith.index_cast %while3A_380 : i32 to index
        %get3A_440 = arith.constant 64 : index
        %get3A_441 = tpu.vector_load %arg17[%get3A_439, %get3A_440] {strides = array<i32>} : memref<256x128xf32, #tpu.memory_space<vmem>>, vector<16xf32>,
        %mul3A_442 = arith.constant 1.000000e-03 : f32
        %mul3A_443 = vector.broadcast %mul3A_442 : f32 to vector<16xf32>
        %mul3A_444 = arith.mulf %mul3A_443, %get3A_441 : vector<16xf32>
        %add3A_445 = arith.addf %mul3A_438, %mul3A_444 : vector<16xf32>
        %mul3A_446 = arith.constant 9.990000e-01 : f32
        %mul3A_447 = vector.broadcast %mul3A_446 : f32 to vector<16xf32>
        %mul3A_448 = arith.mulf %mul3A_447, %cond3A_395#7 : vector<16xf32>
        %get3A_449 = arith.index_cast %while3A_380 : i32 to index
        %get3A_450 = arith.constant 80 : index
        %get3A_451 = tpu.vector_load %arg17[%get3A_449, %get3A_450] {strides = array<i32>} : memref<256x128xf32, #tpu.memory_space<vmem>>, vector<16xf32>,
        %mul3A_452 = arith.constant 1.000000e-03 : f32
        %mul3A_453 = vector.broadcast %mul3A_452 : f32 to vector<16xf32>
        %mul3A_454 = arith.mulf %mul3A_453, %get3A_451 : vector<16xf32>
        %add3A_455 = arith.addf %mul3A_448, %mul3A_454 : vector<16xf32>
        %mul3A_456 = arith.constant 9.990000e-01 : f32
        %mul3A_457 = vector.broadcast %mul3A_456 : f32 to vector<16xf32>
        %mul3A_458 = arith.mulf %mul3A_457, %cond3A_395#8 : vector<16xf32>
        %get3A_459 = arith.index_cast %while3A_380 : i32 to index
        %get3A_460 = arith.constant 96 : index
        %get3A_461 = tpu.vector_load %arg17[%get3A_459, %get3A_460] {strides = array<i32>} : memref<256x128xf32, #tpu.memory_space<vmem>>, vector<16xf32>,
        %mul3A_462 = arith.constant 1.000000e-03 : f32
        %mul3A_463 = vector.broadcast %mul3A_462 : f32 to vector<16xf32>
        %mul3A_464 = arith.mulf %mul3A_463, %get3A_461 : vector<16xf32>
        %add3A_465 = arith.addf %mul3A_458, %mul3A_464 : vector<16xf32>
        %mul3A_466 = arith.constant 9.990000e-01 : f32
        %mul3A_467 = vector.broadcast %mul3A_466 : f32 to vector<16xf32>
        %mul3A_468 = arith.mulf %mul3A_467, %cond3A_395#9 : vector<16xf32>
        %get3A_469 = arith.index_cast %while3A_380 : i32 to index
        %get3A_470 = arith.constant 112 : index
        %get3A_471 = tpu.vector_load %arg17[%get3A_469, %get3A_470] {strides = array<i32>} : memref<256x128xf32, #tpu.memory_space<vmem>>, vector<16xf32>,
        %mul3A_472 = arith.constant 1.000000e-03 : f32
        %mul3A_473 = vector.broadcast %mul3A_472 : f32 to vector<16xf32>
        %mul3A_474 = arith.mulf %mul3A_473, %get3A_471 : vector<16xf32>
        %add3A_475 = arith.addf %mul3A_468, %mul3A_474 : vector<16xf32>
        %mul3A_476 = arith.mulf %add3A_405, %add3A_405 : vector<16xf32>
        %mul3A_477 = arith.mulf %add3A_415, %add3A_415 : vector<16xf32>
        %add3A_478 = arith.addf %mul3A_476, %mul3A_477 : vector<16xf32>
        %mul3A_479 = arith.mulf %add3A_425, %add3A_425 : vector<16xf32>
        %mul3A_480 = arith.mulf %add3A_435, %add3A_435 : vector<16xf32>
        %add3A_481 = arith.addf %mul3A_479, %mul3A_480 : vector<16xf32>
        %mul3A_482 = arith.mulf %add3A_445, %add3A_445 : vector<16xf32>
        %mul3A_483 = arith.mulf %add3A_455, %add3A_455 : vector<16xf32>
        %add3A_484 = arith.addf %mul3A_482, %mul3A_483 : vector<16xf32>
        %mul3A_485 = arith.mulf %add3A_465, %add3A_465 : vector<16xf32>
        %mul3A_486 = arith.mulf %add3A_475, %add3A_475 : vector<16xf32>
        %add3A_487 = arith.addf %mul3A_485, %mul3A_486 : vector<16xf32>
        %add3A_488 = arith.addf %add3A_478, %add3A_481 : vector<16xf32>
        %add3A_489 = arith.addf %add3A_484, %add3A_487 : vector<16xf32>
        %add3A_490 = arith.addf %add3A_488, %add3A_489 : vector<16xf32>
        %broadcast_in_dim3A_491 = arith.constant true
        %broadcast_in_dim3A_492 = vector.broadcast %broadcast_in_dim3A_491 : i1 to vector<16xi1>
        %masked_cumsum3A = tpu.scan <sum>, %add3A_490 masked %broadcast_in_dim3A_492 : vector<16xf32>, vector<16xi1> -> vector<16xf32>
        %slice3A_493 = vector.extract_strided_slice %masked_cumsum3A {offsets = [15], sizes = [1], strides = [1]} : vector<16xf32> to vector<1xf32>
        %squeeze3A_494 = vector.extract %slice3A_493[0] : f32 from vector<1xf32>
        %broadcast_in_dim3A_495 = vector.broadcast %squeeze3A_494 : f32 to vector<16xf32>
        %max3A_496 = arith.constant 1.000000e-24 : f32
        %max3A_497 = vector.broadcast %max3A_496 : f32 to vector<16xf32>
        %max3A_498 = arith.maximumf %broadcast_in_dim3A_495, %max3A_497 : vector<16xf32>
        %bitcast3A = vector.bitcast %max3A_498 : vector<16xf32> to vector<16xi32>
        %shift_right_arithmetic3A = arith.constant 1 : i32
        %shift_right_arithmetic3A_499 = vector.broadcast %shift_right_arithmetic3A : i32 to vector<16xi32>
        %shift_right_arithmetic3A_500 = arith.shrsi %bitcast3A, %shift_right_arithmetic3A_499 : vector<16xi32>
        %sub3A_501 = arith.constant 1597463007 : i32
        %sub3A_502 = vector.broadcast %sub3A_501 : i32 to vector<16xi32>
        %sub3A_503 = arith.subi %sub3A_502, %shift_right_arithmetic3A_500 : vector<16xi32>
        %bitcast3A_504 = vector.bitcast %sub3A_503 : vector<16xi32> to vector<16xf32>
        %mul3A_505 = arith.constant 5.000000e-01 : f32
        %mul3A_506 = vector.broadcast %mul3A_505 : f32 to vector<16xf32>
        %mul3A_507 = arith.mulf %mul3A_506, %max3A_498 : vector<16xf32>
        %mul3A_508 = arith.mulf %mul3A_507, %bitcast3A_504 : vector<16xf32>
        %mul3A_509 = arith.mulf %mul3A_508, %bitcast3A_504 : vector<16xf32>
        %sub3A_510 = arith.constant 1.500000e+00 : f32
        %sub3A_511 = vector.broadcast %sub3A_510 : f32 to vector<16xf32>
        %sub3A_512 = arith.subf %sub3A_511, %mul3A_509 : vector<16xf32>
        %mul3A_513 = arith.mulf %bitcast3A_504, %sub3A_512 : vector<16xf32>
        %mul3A_514 = arith.mulf %mul3A_507, %mul3A_513 : vector<16xf32>
        %mul3A_515 = arith.mulf %mul3A_514, %mul3A_513 : vector<16xf32>
        %sub3A_516 = arith.constant 1.500000e+00 : f32
        %sub3A_517 = vector.broadcast %sub3A_516 : f32 to vector<16xf32>
        %sub3A_518 = arith.subf %sub3A_517, %mul3A_515 : vector<16xf32>
        %mul3A_519 = arith.mulf %mul3A_513, %sub3A_518 : vector<16xf32>
        %mul3A_520 = arith.mulf %add3A_405, %mul3A_519 : vector<16xf32>
        %mul3A_521 = arith.mulf %add3A_415, %mul3A_519 : vector<16xf32>
        %mul3A_522 = arith.mulf %add3A_425, %mul3A_519 : vector<16xf32>
        %mul3A_523 = arith.mulf %add3A_435, %mul3A_519 : vector<16xf32>
        %mul3A_524 = arith.mulf %add3A_445, %mul3A_519 : vector<16xf32>
        %mul3A_525 = arith.mulf %add3A_455, %mul3A_519 : vector<16xf32>
        %mul3A_526 = arith.mulf %add3A_465, %mul3A_519 : vector<16xf32>
        %mul3A_527 = arith.mulf %add3A_475, %mul3A_519 : vector<16xf32>
        scf.yield %cond3A_395#0, %cond3A_395#1, %mul3A_520, %mul3A_521, %mul3A_522, %mul3A_523, %mul3A_524, %mul3A_525, %mul3A_526, %mul3A_527 : i32, i32, vector<16xf32>, vector<16xf32>, vector<16xf32>, vector<16xf32>, vector<16xf32>, vector<16xf32>, vector<16xf32>, vector<16xf32>
      }
      %while3A_378 = arith.constant 1 : i32
      %while3A_379:10 = scf.for %while3A_380 = %while3A_375 to %while3A_371 step %while3A_378 iter_args(%while3A_381 = %while3A_377#0, %while3A_382 = %while3A_377#1, %while3A_383 = %while3A_377#2, %while3A_384 = %while3A_377#3, %while3A_385 = %while3A_377#4, %while3A_386 = %while3A_377#5, %while3A_387 = %while3A_377#6, %while3A_388 = %while3A_377#7, %while3A_389 = %while3A_377#8, %while3A_390 = %while3A_377#9) -> (i32, i32, vector<16xf32>, vector<16xf32>, vector<16xf32>, vector<16xf32>, vector<16xf32>, vector<16xf32>, vector<16xf32>, vector<16xf32>)  : i32 {
        %add3A_391 = arith.addi %add3A_363, %while3A_380 : i32
        %ge3A = arith.cmpi sge, %add3A_391, %while3A_382 : i32
        %convert_element_type3A_392 = arith.extui %ge3A : i1 to i32
        %cond3A_393 = arith.constant 0 : i32
        %cond3A_394 = arith.cmpi ne, %convert_element_type3A_392, %cond3A_393 : i32
        %cond3A_395:10 = scf.if %cond3A_394 -> (i32, i32, vector<16xf32>, vector<16xf32>, vector<16xf32>, vector<16xf32>, vector<16xf32>, vector<16xf32>, vector<16xf32>, vector<16xf32>) {
          %swap3A_528 = arith.index_cast %while3A_381 : i32 to index
          %swap3A_529 = arith.constant 0 : index
          %swap3A_530 = tpu.vector_load %arg6[%swap3A_528, %swap3A_529] {strides = array<i32>} : memref<32x128xf32, #tpu.memory_space<vmem>>, vector<16xf32>,
          tpu.vector_store %arg6[%swap3A_528, %swap3A_529], %while3A_383 {strides = array<i32>} : memref<32x128xf32, #tpu.memory_space<vmem>>, vector<16xf32>,
          %swap3A_531 = arith.index_cast %while3A_381 : i32 to index
          %swap3A_532 = arith.constant 16 : index
          %swap3A_533 = tpu.vector_load %arg6[%swap3A_531, %swap3A_532] {strides = array<i32>} : memref<32x128xf32, #tpu.memory_space<vmem>>, vector<16xf32>,
          tpu.vector_store %arg6[%swap3A_531, %swap3A_532], %while3A_384 {strides = array<i32>} : memref<32x128xf32, #tpu.memory_space<vmem>>, vector<16xf32>,
          %swap3A_534 = arith.index_cast %while3A_381 : i32 to index
          %swap3A_535 = arith.constant 32 : index
          %swap3A_536 = tpu.vector_load %arg6[%swap3A_534, %swap3A_535] {strides = array<i32>} : memref<32x128xf32, #tpu.memory_space<vmem>>, vector<16xf32>,
          tpu.vector_store %arg6[%swap3A_534, %swap3A_535], %while3A_385 {strides = array<i32>} : memref<32x128xf32, #tpu.memory_space<vmem>>, vector<16xf32>,
          %swap3A_537 = arith.index_cast %while3A_381 : i32 to index
          %swap3A_538 = arith.constant 48 : index
          %swap3A_539 = tpu.vector_load %arg6[%swap3A_537, %swap3A_538] {strides = array<i32>} : memref<32x128xf32, #tpu.memory_space<vmem>>, vector<16xf32>,
          tpu.vector_store %arg6[%swap3A_537, %swap3A_538], %while3A_386 {strides = array<i32>} : memref<32x128xf32, #tpu.memory_space<vmem>>, vector<16xf32>,
          %swap3A_540 = arith.index_cast %while3A_381 : i32 to index
          %swap3A_541 = arith.constant 64 : index
          %swap3A_542 = tpu.vector_load %arg6[%swap3A_540, %swap3A_541] {strides = array<i32>} : memref<32x128xf32, #tpu.memory_space<vmem>>, vector<16xf32>,
          tpu.vector_store %arg6[%swap3A_540, %swap3A_541], %while3A_387 {strides = array<i32>} : memref<32x128xf32, #tpu.memory_space<vmem>>, vector<16xf32>,
          %swap3A_543 = arith.index_cast %while3A_381 : i32 to index
          %swap3A_544 = arith.constant 80 : index
          %swap3A_545 = tpu.vector_load %arg6[%swap3A_543, %swap3A_544] {strides = array<i32>} : memref<32x128xf32, #tpu.memory_space<vmem>>, vector<16xf32>,
          tpu.vector_store %arg6[%swap3A_543, %swap3A_544], %while3A_388 {strides = array<i32>} : memref<32x128xf32, #tpu.memory_space<vmem>>, vector<16xf32>,
          %swap3A_546 = arith.index_cast %while3A_381 : i32 to index
          %swap3A_547 = arith.constant 96 : index
          %swap3A_548 = tpu.vector_load %arg6[%swap3A_546, %swap3A_547] {strides = array<i32>} : memref<32x128xf32, #tpu.memory_space<vmem>>, vector<16xf32>,
          tpu.vector_store %arg6[%swap3A_546, %swap3A_547], %while3A_389 {strides = array<i32>} : memref<32x128xf32, #tpu.memory_space<vmem>>, vector<16xf32>,
          %swap3A_549 = arith.index_cast %while3A_381 : i32 to index
          %swap3A_550 = arith.constant 112 : index
          %swap3A_551 = tpu.vector_load %arg6[%swap3A_549, %swap3A_550] {strides = array<i32>} : memref<32x128xf32, #tpu.memory_space<vmem>>, vector<16xf32>,
          tpu.vector_store %arg6[%swap3A_549, %swap3A_550], %while3A_390 {strides = array<i32>} : memref<32x128xf32, #tpu.memory_space<vmem>>, vector<16xf32>,
          %while3A_552 = scf.while (%while3A_584 = %while3A_381) : (i32) -> i32 {
            %add3A_585 = arith.constant 1 : i32
            %add3A_586 = arith.addi %while3A_584, %add3A_585 : i32
            %add3A_587 = arith.addi %mul3A_2, %add3A_586 : i32
            %get3A_588 = arith.index_cast %add3A_587 : i32 to index
            %get3A_589 = tpu.vector_load %arg10[%get3A_588] {strides = array<i32>} : memref<1088xi32, #tpu.memory_space<vmem>>, vector<16xi32>,
            %slice3A_590 = vector.extract_strided_slice %get3A_589 {offsets = [0], sizes = [1], strides = [1]} : vector<16xi32> to vector<1xi32>
            %squeeze3A_591 = vector.extract %slice3A_590[0] : i32 from vector<1xi32>
            %le3A = arith.cmpi sle, %squeeze3A_591, %add3A_391 : i32
            scf.condition(%le3A) %while3A_584 : i32
          } do {
          ^bb0(%while3A_584: i32):
            %add3A_585 = arith.constant 1 : i32
            %add3A_586 = arith.addi %while3A_584, %add3A_585 : i32
            scf.yield %add3A_586 : i32
          }
          %add3A_553 = arith.constant 1 : i32
          %add3A_554 = arith.addi %while3A_552, %add3A_553 : i32
          %add3A_555 = arith.addi %mul3A_2, %add3A_554 : i32
          %get3A_556 = arith.index_cast %add3A_555 : i32 to index
          %get3A_557 = tpu.vector_load %arg10[%get3A_556] {strides = array<i32>} : memref<1088xi32, #tpu.memory_space<vmem>>, vector<16xi32>,
          %slice3A_558 = vector.extract_strided_slice %get3A_557 {offsets = [0], sizes = [1], strides = [1]} : vector<16xi32> to vector<1xi32>
          %squeeze3A_559 = vector.extract %slice3A_558[0] : i32 from vector<1xi32>
          %get3A_560 = arith.index_cast %while3A_552 : i32 to index
          %get3A_561 = arith.constant 0 : index
          %get3A_562 = tpu.vector_load %arg6[%get3A_560, %get3A_561] {strides = array<i32>} : memref<32x128xf32, #tpu.memory_space<vmem>>, vector<16xf32>,
          %get3A_563 = arith.index_cast %while3A_552 : i32 to index
          %get3A_564 = arith.constant 16 : index
          %get3A_565 = tpu.vector_load %arg6[%get3A_563, %get3A_564] {strides = array<i32>} : memref<32x128xf32, #tpu.memory_space<vmem>>, vector<16xf32>,
          %get3A_566 = arith.index_cast %while3A_552 : i32 to index
          %get3A_567 = arith.constant 32 : index
          %get3A_568 = tpu.vector_load %arg6[%get3A_566, %get3A_567] {strides = array<i32>} : memref<32x128xf32, #tpu.memory_space<vmem>>, vector<16xf32>,
          %get3A_569 = arith.index_cast %while3A_552 : i32 to index
          %get3A_570 = arith.constant 48 : index
          %get3A_571 = tpu.vector_load %arg6[%get3A_569, %get3A_570] {strides = array<i32>} : memref<32x128xf32, #tpu.memory_space<vmem>>, vector<16xf32>,
          %get3A_572 = arith.index_cast %while3A_552 : i32 to index
          %get3A_573 = arith.constant 64 : index
          %get3A_574 = tpu.vector_load %arg6[%get3A_572, %get3A_573] {strides = array<i32>} : memref<32x128xf32, #tpu.memory_space<vmem>>, vector<16xf32>,
          %get3A_575 = arith.index_cast %while3A_552 : i32 to index
          %get3A_576 = arith.constant 80 : index
          %get3A_577 = tpu.vector_load %arg6[%get3A_575, %get3A_576] {strides = array<i32>} : memref<32x128xf32, #tpu.memory_space<vmem>>, vector<16xf32>,
          %get3A_578 = arith.index_cast %while3A_552 : i32 to index
          %get3A_579 = arith.constant 96 : index
          %get3A_580 = tpu.vector_load %arg6[%get3A_578, %get3A_579] {strides = array<i32>} : memref<32x128xf32, #tpu.memory_space<vmem>>, vector<16xf32>,
          %get3A_581 = arith.index_cast %while3A_552 : i32 to index
          %get3A_582 = arith.constant 112 : index
          %get3A_583 = tpu.vector_load %arg6[%get3A_581, %get3A_582] {strides = array<i32>} : memref<32x128xf32, #tpu.memory_space<vmem>>, vector<16xf32>,
          scf.yield %while3A_552, %squeeze3A_559, %get3A_562, %get3A_565, %get3A_568, %get3A_571, %get3A_574, %get3A_577, %get3A_580, %get3A_583 : i32, i32, vector<16xf32>, vector<16xf32>, vector<16xf32>, vector<16xf32>, vector<16xf32>, vector<16xf32>, vector<16xf32>, vector<16xf32>
        } else {
          scf.yield %while3A_381, %while3A_382, %while3A_383, %while3A_384, %while3A_385, %while3A_386, %while3A_387, %while3A_388, %while3A_389, %while3A_390 : i32, i32, vector<16xf32>, vector<16xf32>, vector<16xf32>, vector<16xf32>, vector<16xf32>, vector<16xf32>, vector<16xf32>, vector<16xf32>
        }
        %mul3A_396 = arith.constant 9.990000e-01 : f32
        %mul3A_397 = vector.broadcast %mul3A_396 : f32 to vector<16xf32>
        %mul3A_398 = arith.mulf %mul3A_397, %cond3A_395#2 : vector<16xf32>
        %get3A_399 = arith.index_cast %while3A_380 : i32 to index
        %get3A_400 = arith.constant 0 : index
        %get3A_401 = tpu.vector_load %arg17[%get3A_399, %get3A_400] {strides = array<i32>} : memref<256x128xf32, #tpu.memory_space<vmem>>, vector<16xf32>,
        %mul3A_402 = arith.constant 1.000000e-03 : f32
        %mul3A_403 = vector.broadcast %mul3A_402 : f32 to vector<16xf32>
        %mul3A_404 = arith.mulf %mul3A_403, %get3A_401 : vector<16xf32>
        %add3A_405 = arith.addf %mul3A_398, %mul3A_404 : vector<16xf32>
        %mul3A_406 = arith.constant 9.990000e-01 : f32
        %mul3A_407 = vector.broadcast %mul3A_406 : f32 to vector<16xf32>
        %mul3A_408 = arith.mulf %mul3A_407, %cond3A_395#3 : vector<16xf32>
        %get3A_409 = arith.index_cast %while3A_380 : i32 to index
        %get3A_410 = arith.constant 16 : index
        %get3A_411 = tpu.vector_load %arg17[%get3A_409, %get3A_410] {strides = array<i32>} : memref<256x128xf32, #tpu.memory_space<vmem>>, vector<16xf32>,
        %mul3A_412 = arith.constant 1.000000e-03 : f32
        %mul3A_413 = vector.broadcast %mul3A_412 : f32 to vector<16xf32>
        %mul3A_414 = arith.mulf %mul3A_413, %get3A_411 : vector<16xf32>
        %add3A_415 = arith.addf %mul3A_408, %mul3A_414 : vector<16xf32>
        %mul3A_416 = arith.constant 9.990000e-01 : f32
        %mul3A_417 = vector.broadcast %mul3A_416 : f32 to vector<16xf32>
        %mul3A_418 = arith.mulf %mul3A_417, %cond3A_395#4 : vector<16xf32>
        %get3A_419 = arith.index_cast %while3A_380 : i32 to index
        %get3A_420 = arith.constant 32 : index
        %get3A_421 = tpu.vector_load %arg17[%get3A_419, %get3A_420] {strides = array<i32>} : memref<256x128xf32, #tpu.memory_space<vmem>>, vector<16xf32>,
        %mul3A_422 = arith.constant 1.000000e-03 : f32
        %mul3A_423 = vector.broadcast %mul3A_422 : f32 to vector<16xf32>
        %mul3A_424 = arith.mulf %mul3A_423, %get3A_421 : vector<16xf32>
        %add3A_425 = arith.addf %mul3A_418, %mul3A_424 : vector<16xf32>
        %mul3A_426 = arith.constant 9.990000e-01 : f32
        %mul3A_427 = vector.broadcast %mul3A_426 : f32 to vector<16xf32>
        %mul3A_428 = arith.mulf %mul3A_427, %cond3A_395#5 : vector<16xf32>
        %get3A_429 = arith.index_cast %while3A_380 : i32 to index
        %get3A_430 = arith.constant 48 : index
        %get3A_431 = tpu.vector_load %arg17[%get3A_429, %get3A_430] {strides = array<i32>} : memref<256x128xf32, #tpu.memory_space<vmem>>, vector<16xf32>,
        %mul3A_432 = arith.constant 1.000000e-03 : f32
        %mul3A_433 = vector.broadcast %mul3A_432 : f32 to vector<16xf32>
        %mul3A_434 = arith.mulf %mul3A_433, %get3A_431 : vector<16xf32>
        %add3A_435 = arith.addf %mul3A_428, %mul3A_434 : vector<16xf32>
        %mul3A_436 = arith.constant 9.990000e-01 : f32
        %mul3A_437 = vector.broadcast %mul3A_436 : f32 to vector<16xf32>
        %mul3A_438 = arith.mulf %mul3A_437, %cond3A_395#6 : vector<16xf32>
        %get3A_439 = arith.index_cast %while3A_380 : i32 to index
        %get3A_440 = arith.constant 64 : index
        %get3A_441 = tpu.vector_load %arg17[%get3A_439, %get3A_440] {strides = array<i32>} : memref<256x128xf32, #tpu.memory_space<vmem>>, vector<16xf32>,
        %mul3A_442 = arith.constant 1.000000e-03 : f32
        %mul3A_443 = vector.broadcast %mul3A_442 : f32 to vector<16xf32>
        %mul3A_444 = arith.mulf %mul3A_443, %get3A_441 : vector<16xf32>
        %add3A_445 = arith.addf %mul3A_438, %mul3A_444 : vector<16xf32>
        %mul3A_446 = arith.constant 9.990000e-01 : f32
        %mul3A_447 = vector.broadcast %mul3A_446 : f32 to vector<16xf32>
        %mul3A_448 = arith.mulf %mul3A_447, %cond3A_395#7 : vector<16xf32>
        %get3A_449 = arith.index_cast %while3A_380 : i32 to index
        %get3A_450 = arith.constant 80 : index
        %get3A_451 = tpu.vector_load %arg17[%get3A_449, %get3A_450] {strides = array<i32>} : memref<256x128xf32, #tpu.memory_space<vmem>>, vector<16xf32>,
        %mul3A_452 = arith.constant 1.000000e-03 : f32
        %mul3A_453 = vector.broadcast %mul3A_452 : f32 to vector<16xf32>
        %mul3A_454 = arith.mulf %mul3A_453, %get3A_451 : vector<16xf32>
        %add3A_455 = arith.addf %mul3A_448, %mul3A_454 : vector<16xf32>
        %mul3A_456 = arith.constant 9.990000e-01 : f32
        %mul3A_457 = vector.broadcast %mul3A_456 : f32 to vector<16xf32>
        %mul3A_458 = arith.mulf %mul3A_457, %cond3A_395#8 : vector<16xf32>
        %get3A_459 = arith.index_cast %while3A_380 : i32 to index
        %get3A_460 = arith.constant 96 : index
        %get3A_461 = tpu.vector_load %arg17[%get3A_459, %get3A_460] {strides = array<i32>} : memref<256x128xf32, #tpu.memory_space<vmem>>, vector<16xf32>,
        %mul3A_462 = arith.constant 1.000000e-03 : f32
        %mul3A_463 = vector.broadcast %mul3A_462 : f32 to vector<16xf32>
        %mul3A_464 = arith.mulf %mul3A_463, %get3A_461 : vector<16xf32>
        %add3A_465 = arith.addf %mul3A_458, %mul3A_464 : vector<16xf32>
        %mul3A_466 = arith.constant 9.990000e-01 : f32
        %mul3A_467 = vector.broadcast %mul3A_466 : f32 to vector<16xf32>
        %mul3A_468 = arith.mulf %mul3A_467, %cond3A_395#9 : vector<16xf32>
        %get3A_469 = arith.index_cast %while3A_380 : i32 to index
        %get3A_470 = arith.constant 112 : index
        %get3A_471 = tpu.vector_load %arg17[%get3A_469, %get3A_470] {strides = array<i32>} : memref<256x128xf32, #tpu.memory_space<vmem>>, vector<16xf32>,
        %mul3A_472 = arith.constant 1.000000e-03 : f32
        %mul3A_473 = vector.broadcast %mul3A_472 : f32 to vector<16xf32>
        %mul3A_474 = arith.mulf %mul3A_473, %get3A_471 : vector<16xf32>
        %add3A_475 = arith.addf %mul3A_468, %mul3A_474 : vector<16xf32>
        %mul3A_476 = arith.mulf %add3A_405, %add3A_405 : vector<16xf32>
        %mul3A_477 = arith.mulf %add3A_415, %add3A_415 : vector<16xf32>
        %add3A_478 = arith.addf %mul3A_476, %mul3A_477 : vector<16xf32>
        %mul3A_479 = arith.mulf %add3A_425, %add3A_425 : vector<16xf32>
        %mul3A_480 = arith.mulf %add3A_435, %add3A_435 : vector<16xf32>
        %add3A_481 = arith.addf %mul3A_479, %mul3A_480 : vector<16xf32>
        %mul3A_482 = arith.mulf %add3A_445, %add3A_445 : vector<16xf32>
        %mul3A_483 = arith.mulf %add3A_455, %add3A_455 : vector<16xf32>
        %add3A_484 = arith.addf %mul3A_482, %mul3A_483 : vector<16xf32>
        %mul3A_485 = arith.mulf %add3A_465, %add3A_465 : vector<16xf32>
        %mul3A_486 = arith.mulf %add3A_475, %add3A_475 : vector<16xf32>
        %add3A_487 = arith.addf %mul3A_485, %mul3A_486 : vector<16xf32>
        %add3A_488 = arith.addf %add3A_478, %add3A_481 : vector<16xf32>
        %add3A_489 = arith.addf %add3A_484, %add3A_487 : vector<16xf32>
        %add3A_490 = arith.addf %add3A_488, %add3A_489 : vector<16xf32>
        %broadcast_in_dim3A_491 = arith.constant true
        %broadcast_in_dim3A_492 = vector.broadcast %broadcast_in_dim3A_491 : i1 to vector<16xi1>
        %masked_cumsum3A = tpu.scan <sum>, %add3A_490 masked %broadcast_in_dim3A_492 : vector<16xf32>, vector<16xi1> -> vector<16xf32>
        %slice3A_493 = vector.extract_strided_slice %masked_cumsum3A {offsets = [15], sizes = [1], strides = [1]} : vector<16xf32> to vector<1xf32>
        %squeeze3A_494 = vector.extract %slice3A_493[0] : f32 from vector<1xf32>
        %broadcast_in_dim3A_495 = vector.broadcast %squeeze3A_494 : f32 to vector<16xf32>
        %max3A_496 = arith.constant 1.000000e-24 : f32
        %max3A_497 = vector.broadcast %max3A_496 : f32 to vector<16xf32>
        %max3A_498 = arith.maximumf %broadcast_in_dim3A_495, %max3A_497 : vector<16xf32>
        %bitcast3A = vector.bitcast %max3A_498 : vector<16xf32> to vector<16xi32>
        %shift_right_arithmetic3A = arith.constant 1 : i32
        %shift_right_arithmetic3A_499 = vector.broadcast %shift_right_arithmetic3A : i32 to vector<16xi32>
        %shift_right_arithmetic3A_500 = arith.shrsi %bitcast3A, %shift_right_arithmetic3A_499 : vector<16xi32>
        %sub3A_501 = arith.constant 1597463007 : i32
        %sub3A_502 = vector.broadcast %sub3A_501 : i32 to vector<16xi32>
        %sub3A_503 = arith.subi %sub3A_502, %shift_right_arithmetic3A_500 : vector<16xi32>
        %bitcast3A_504 = vector.bitcast %sub3A_503 : vector<16xi32> to vector<16xf32>
        %mul3A_505 = arith.constant 5.000000e-01 : f32
        %mul3A_506 = vector.broadcast %mul3A_505 : f32 to vector<16xf32>
        %mul3A_507 = arith.mulf %mul3A_506, %max3A_498 : vector<16xf32>
        %mul3A_508 = arith.mulf %mul3A_507, %bitcast3A_504 : vector<16xf32>
        %mul3A_509 = arith.mulf %mul3A_508, %bitcast3A_504 : vector<16xf32>
        %sub3A_510 = arith.constant 1.500000e+00 : f32
        %sub3A_511 = vector.broadcast %sub3A_510 : f32 to vector<16xf32>
        %sub3A_512 = arith.subf %sub3A_511, %mul3A_509 : vector<16xf32>
        %mul3A_513 = arith.mulf %bitcast3A_504, %sub3A_512 : vector<16xf32>
        %mul3A_514 = arith.mulf %mul3A_507, %mul3A_513 : vector<16xf32>
        %mul3A_515 = arith.mulf %mul3A_514, %mul3A_513 : vector<16xf32>
        %sub3A_516 = arith.constant 1.500000e+00 : f32
        %sub3A_517 = vector.broadcast %sub3A_516 : f32 to vector<16xf32>
        %sub3A_518 = arith.subf %sub3A_517, %mul3A_515 : vector<16xf32>
        %mul3A_519 = arith.mulf %mul3A_513, %sub3A_518 : vector<16xf32>
        %mul3A_520 = arith.mulf %add3A_405, %mul3A_519 : vector<16xf32>
        %mul3A_521 = arith.mulf %add3A_415, %mul3A_519 : vector<16xf32>
        %mul3A_522 = arith.mulf %add3A_425, %mul3A_519 : vector<16xf32>
        %mul3A_523 = arith.mulf %add3A_435, %mul3A_519 : vector<16xf32>
        %mul3A_524 = arith.mulf %add3A_445, %mul3A_519 : vector<16xf32>
        %mul3A_525 = arith.mulf %add3A_455, %mul3A_519 : vector<16xf32>
        %mul3A_526 = arith.mulf %add3A_465, %mul3A_519 : vector<16xf32>
        %mul3A_527 = arith.mulf %add3A_475, %mul3A_519 : vector<16xf32>
        scf.yield %cond3A_395#0, %cond3A_395#1, %mul3A_520, %mul3A_521, %mul3A_522, %mul3A_523, %mul3A_524, %mul3A_525, %mul3A_526, %mul3A_527 : i32, i32, vector<16xf32>, vector<16xf32>, vector<16xf32>, vector<16xf32>, vector<16xf32>, vector<16xf32>, vector<16xf32>, vector<16xf32>
      }
      scf.yield %while3A_379#0, %while3A_379#1, %while3A_379#2, %while3A_379#3, %while3A_379#4, %while3A_379#5, %while3A_379#6, %while3A_379#7, %while3A_379#8, %while3A_379#9 : i32, i32, vector<16xf32>, vector<16xf32>, vector<16xf32>, vector<16xf32>, vector<16xf32>, vector<16xf32>, vector<16xf32>, vector<16xf32>
    }
    %while3A_289 = arith.constant 1 : i32
    %while3A_290:10 = scf.for %while3A_295 = %while3A_286 to %while3A_282 step %while3A_289 iter_args(%while3A_296 = %while3A_288#0, %while3A_297 = %while3A_288#1, %while3A_298 = %while3A_288#2, %while3A_299 = %while3A_288#3, %while3A_300 = %while3A_288#4, %while3A_301 = %while3A_288#5, %while3A_302 = %while3A_288#6, %while3A_303 = %while3A_288#7, %while3A_304 = %while3A_288#8, %while3A_305 = %while3A_288#9) -> (i32, i32, vector<16xf32>, vector<16xf32>, vector<16xf32>, vector<16xf32>, vector<16xf32>, vector<16xf32>, vector<16xf32>, vector<16xf32>)  : i32 {
      %mul3A_306 = arith.constant 2 : i32
      %mul3A_307 = arith.muli %mul3A_306, %while3A_295 : i32
      %lt3A = arith.cmpi slt, %mul3A_307, %div3A_233 : i32
      %convert_element_type3A_308 = arith.extui %lt3A : i1 to i32
      %cond3A_309 = arith.constant 0 : i32
      %cond3A_310 = arith.cmpi ne, %convert_element_type3A_308, %cond3A_309 : i32
      scf.if %cond3A_310 {
        %dma_wait3A_380 = arith.constant 0 : i32
        %dma_wait3A_381 = arith.constant 0 : i32
        %dma_wait3A_382 = tpu.memref_slice %arg2[%dma_wait3A_380, %dma_wait3A_381] : memref<16384x128xf32, #tpu.memory_space<hbm>> -> memref<16384x128xf32, #tpu.memory_space<hbm>>
        tpu.wait_indirect_dma semaphore(%arg20 : memref<!tpu.dma_semaphore, #tpu.memory_space<semaphore_mem>>) src(%dma_wait3A_382 : memref<16384x128xf32, #tpu.memory_space<hbm>>) dst(%arg16 : memref<256x128xf32, #tpu.memory_space<vmem>>)
      } else {
      }
      %add3A_311 = arith.constant 1 : i32
      %add3A_312 = arith.addi %mul3A_307, %add3A_311 : i32
      %lt3A_313 = arith.cmpi slt, %add3A_312, %div3A_233 : i32
      %convert_element_type3A_314 = arith.extui %lt3A_313 : i1 to i32
      %cond3A_315 = arith.constant 0 : i32
      %cond3A_316 = arith.cmpi ne, %convert_element_type3A_314, %cond3A_315 : i32
      scf.if %cond3A_316 {
        %add3A_380 = arith.constant 1 : i32
        %add3A_381 = arith.addi %mul3A_307, %add3A_380 : i32
        %mul3A_382 = arith.constant 256 : i32
        %mul3A_383 = arith.muli %add3A_381, %mul3A_382 : i32
        %add3A_384 = arith.addi %multiple_of3A, %mul3A_383 : i32
        %multiple_of3A_385 = tpu.assume_multiple %add3A_384, 16 : i32
        %dma_wait3A_386 = tpu.memref_slice %arg19[%multiple_of3A_385] : memref<16896xi32, #tpu.memory_space<vmem_shared>> -> memref<256xi32, #tpu.memory_space<vmem_shared>>
        %dma_wait3A_387 = tpu.memref_slice %arg19[%multiple_of3A_385] : memref<16896xi32, #tpu.memory_space<vmem_shared>> -> memref<256xi32, #tpu.memory_space<vmem_shared>>
        tpu.wait_dma2 semaphore(%arg23 : memref<!tpu.dma_semaphore, #tpu.memory_space<semaphore_mem>>) src(%dma_wait3A_387 : memref<256xi32, #tpu.memory_space<vmem_shared>>) dst(%arg15 : memref<256xi32, #tpu.memory_space<vmem>>)
        %dma_start3A_388 = arith.constant 0 : i32
        %dma_start3A_389 = arith.constant 0 : i32
        %dma_start3A_390 = tpu.memref_slice %arg2[%dma_start3A_388, %dma_start3A_389] : memref<16384x128xf32, #tpu.memory_space<hbm>> -> memref<16384x128xf32, #tpu.memory_space<hbm>>
        tpu.enqueue_indirect_dma source(%dma_start3A_390 : memref<16384x128xf32, #tpu.memory_space<hbm>>) target(%arg17 : memref<256x128xf32, #tpu.memory_space<vmem>>) offsets(%arg15 : memref<256xi32, #tpu.memory_space<vmem>>) semaphore(%arg21 : memref<!tpu.dma_semaphore, #tpu.memory_space<semaphore_mem>>)
      } else {
      }
      %add3A_317 = arith.constant 2 : i32
      %add3A_318 = arith.addi %mul3A_307, %add3A_317 : i32
      %lt3A_319 = arith.cmpi slt, %add3A_318, %div3A_233 : i32
      %convert_element_type3A_320 = arith.extui %lt3A_319 : i1 to i32
      %cond3A_321 = arith.constant 0 : i32
      %cond3A_322 = arith.cmpi ne, %convert_element_type3A_320, %cond3A_321 : i32
      scf.if %cond3A_322 {
        %add3A_380 = arith.constant 2 : i32
        %add3A_381 = arith.addi %mul3A_307, %add3A_380 : i32
        %mul3A_382 = arith.constant 256 : i32
        %mul3A_383 = arith.muli %add3A_381, %mul3A_382 : i32
        %add3A_384 = arith.addi %multiple_of3A, %mul3A_383 : i32
        %multiple_of3A_385 = tpu.assume_multiple %add3A_384, 16 : i32
        %dma_start3A_386 = tpu.memref_slice %arg19[%multiple_of3A_385] : memref<16896xi32, #tpu.memory_space<vmem_shared>> -> memref<256xi32, #tpu.memory_space<vmem_shared>>
        %dma_start3A_387 = tpu.memref_slice %arg19[%multiple_of3A_385] : memref<16896xi32, #tpu.memory_space<vmem_shared>> -> memref<256xi32, #tpu.memory_space<vmem_shared>>
        tpu.enqueue_dma source(%dma_start3A_387 : memref<256xi32, #tpu.memory_space<vmem_shared>>) target(%arg14 : memref<256xi32, #tpu.memory_space<vmem>>) target_semaphore(%arg22 : memref<!tpu.dma_semaphore, #tpu.memory_space<semaphore_mem>>)
      } else {
      }
      %mul3A_323 = arith.constant 256 : i32
      %mul3A_324 = arith.muli %mul3A_307, %mul3A_323 : i32
      %add3A_325 = arith.addi %multiple_of3A, %mul3A_324 : i32
      %sub3A_326 = arith.subi %squeeze3A, %add3A_325 : i32
      %max3A = arith.constant 0 : i32
      %max3A_327 = arith.maxsi %sub3A_326, %max3A : i32
      %sub3A_328 = arith.subi %squeeze3A_229, %add3A_325 : i32
      %min3A_329 = arith.constant 256 : i32
      %min3A_330 = arith.minsi %sub3A_328, %min3A_329 : i32
      %while3A_331 = arith.subi %min3A_330, %max3A_327 : i32
      %while3A_332 = arith.addi %max3A_327, %while3A_331 : i32
      %while3A_333 = arith.constant 1 : i32
      %while3A_334 = arith.divsi %while3A_331, %while3A_333 : i32
      %while3A_335 = arith.muli %while3A_334, %while3A_333 : i32
      %while3A_336 = arith.addi %max3A_327, %while3A_335 : i32
      %while3A_337 = arith.constant 1 : i32
      %while3A_338:10 = scf.for %while3A_380 = %max3A_327 to %while3A_336 step %while3A_337 iter_args(%while3A_381 = %while3A_296, %while3A_382 = %while3A_297, %while3A_383 = %while3A_298, %while3A_384 = %while3A_299, %while3A_385 = %while3A_300, %while3A_386 = %while3A_301, %while3A_387 = %while3A_302, %while3A_388 = %while3A_303, %while3A_389 = %while3A_304, %while3A_390 = %while3A_305) -> (i32, i32, vector<16xf32>, vector<16xf32>, vector<16xf32>, vector<16xf32>, vector<16xf32>, vector<16xf32>, vector<16xf32>, vector<16xf32>)  : i32 {
        %add3A_391 = arith.addi %add3A_325, %while3A_380 : i32
        %ge3A = arith.cmpi sge, %add3A_391, %while3A_382 : i32
        %convert_element_type3A_392 = arith.extui %ge3A : i1 to i32
        %cond3A_393 = arith.constant 0 : i32
        %cond3A_394 = arith.cmpi ne, %convert_element_type3A_392, %cond3A_393 : i32
        %cond3A_395:10 = scf.if %cond3A_394 -> (i32, i32, vector<16xf32>, vector<16xf32>, vector<16xf32>, vector<16xf32>, vector<16xf32>, vector<16xf32>, vector<16xf32>, vector<16xf32>) {
          %swap3A_528 = arith.index_cast %while3A_381 : i32 to index
          %swap3A_529 = arith.constant 0 : index
          %swap3A_530 = tpu.vector_load %arg6[%swap3A_528, %swap3A_529] {strides = array<i32>} : memref<32x128xf32, #tpu.memory_space<vmem>>, vector<16xf32>,
          tpu.vector_store %arg6[%swap3A_528, %swap3A_529], %while3A_383 {strides = array<i32>} : memref<32x128xf32, #tpu.memory_space<vmem>>, vector<16xf32>,
          %swap3A_531 = arith.index_cast %while3A_381 : i32 to index
          %swap3A_532 = arith.constant 16 : index
          %swap3A_533 = tpu.vector_load %arg6[%swap3A_531, %swap3A_532] {strides = array<i32>} : memref<32x128xf32, #tpu.memory_space<vmem>>, vector<16xf32>,
          tpu.vector_store %arg6[%swap3A_531, %swap3A_532], %while3A_384 {strides = array<i32>} : memref<32x128xf32, #tpu.memory_space<vmem>>, vector<16xf32>,
          %swap3A_534 = arith.index_cast %while3A_381 : i32 to index
          %swap3A_535 = arith.constant 32 : index
          %swap3A_536 = tpu.vector_load %arg6[%swap3A_534, %swap3A_535] {strides = array<i32>} : memref<32x128xf32, #tpu.memory_space<vmem>>, vector<16xf32>,
          tpu.vector_store %arg6[%swap3A_534, %swap3A_535], %while3A_385 {strides = array<i32>} : memref<32x128xf32, #tpu.memory_space<vmem>>, vector<16xf32>,
          %swap3A_537 = arith.index_cast %while3A_381 : i32 to index
          %swap3A_538 = arith.constant 48 : index
          %swap3A_539 = tpu.vector_load %arg6[%swap3A_537, %swap3A_538] {strides = array<i32>} : memref<32x128xf32, #tpu.memory_space<vmem>>, vector<16xf32>,
          tpu.vector_store %arg6[%swap3A_537, %swap3A_538], %while3A_386 {strides = array<i32>} : memref<32x128xf32, #tpu.memory_space<vmem>>, vector<16xf32>,
          %swap3A_540 = arith.index_cast %while3A_381 : i32 to index
          %swap3A_541 = arith.constant 64 : index
          %swap3A_542 = tpu.vector_load %arg6[%swap3A_540, %swap3A_541] {strides = array<i32>} : memref<32x128xf32, #tpu.memory_space<vmem>>, vector<16xf32>,
          tpu.vector_store %arg6[%swap3A_540, %swap3A_541], %while3A_387 {strides = array<i32>} : memref<32x128xf32, #tpu.memory_space<vmem>>, vector<16xf32>,
          %swap3A_543 = arith.index_cast %while3A_381 : i32 to index
          %swap3A_544 = arith.constant 80 : index
          %swap3A_545 = tpu.vector_load %arg6[%swap3A_543, %swap3A_544] {strides = array<i32>} : memref<32x128xf32, #tpu.memory_space<vmem>>, vector<16xf32>,
          tpu.vector_store %arg6[%swap3A_543, %swap3A_544], %while3A_388 {strides = array<i32>} : memref<32x128xf32, #tpu.memory_space<vmem>>, vector<16xf32>,
          %swap3A_546 = arith.index_cast %while3A_381 : i32 to index
          %swap3A_547 = arith.constant 96 : index
          %swap3A_548 = tpu.vector_load %arg6[%swap3A_546, %swap3A_547] {strides = array<i32>} : memref<32x128xf32, #tpu.memory_space<vmem>>, vector<16xf32>,
          tpu.vector_store %arg6[%swap3A_546, %swap3A_547], %while3A_389 {strides = array<i32>} : memref<32x128xf32, #tpu.memory_space<vmem>>, vector<16xf32>,
          %swap3A_549 = arith.index_cast %while3A_381 : i32 to index
          %swap3A_550 = arith.constant 112 : index
          %swap3A_551 = tpu.vector_load %arg6[%swap3A_549, %swap3A_550] {strides = array<i32>} : memref<32x128xf32, #tpu.memory_space<vmem>>, vector<16xf32>,
          tpu.vector_store %arg6[%swap3A_549, %swap3A_550], %while3A_390 {strides = array<i32>} : memref<32x128xf32, #tpu.memory_space<vmem>>, vector<16xf32>,
          %while3A_552 = scf.while (%while3A_584 = %while3A_381) : (i32) -> i32 {
            %add3A_585 = arith.constant 1 : i32
            %add3A_586 = arith.addi %while3A_584, %add3A_585 : i32
            %add3A_587 = arith.addi %mul3A_2, %add3A_586 : i32
            %get3A_588 = arith.index_cast %add3A_587 : i32 to index
            %get3A_589 = tpu.vector_load %arg10[%get3A_588] {strides = array<i32>} : memref<1088xi32, #tpu.memory_space<vmem>>, vector<16xi32>,
            %slice3A_590 = vector.extract_strided_slice %get3A_589 {offsets = [0], sizes = [1], strides = [1]} : vector<16xi32> to vector<1xi32>
            %squeeze3A_591 = vector.extract %slice3A_590[0] : i32 from vector<1xi32>
            %le3A = arith.cmpi sle, %squeeze3A_591, %add3A_391 : i32
            scf.condition(%le3A) %while3A_584 : i32
          } do {
          ^bb0(%while3A_584: i32):
            %add3A_585 = arith.constant 1 : i32
            %add3A_586 = arith.addi %while3A_584, %add3A_585 : i32
            scf.yield %add3A_586 : i32
          }
          %add3A_553 = arith.constant 1 : i32
          %add3A_554 = arith.addi %while3A_552, %add3A_553 : i32
          %add3A_555 = arith.addi %mul3A_2, %add3A_554 : i32
          %get3A_556 = arith.index_cast %add3A_555 : i32 to index
          %get3A_557 = tpu.vector_load %arg10[%get3A_556] {strides = array<i32>} : memref<1088xi32, #tpu.memory_space<vmem>>, vector<16xi32>,
          %slice3A_558 = vector.extract_strided_slice %get3A_557 {offsets = [0], sizes = [1], strides = [1]} : vector<16xi32> to vector<1xi32>
          %squeeze3A_559 = vector.extract %slice3A_558[0] : i32 from vector<1xi32>
          %get3A_560 = arith.index_cast %while3A_552 : i32 to index
          %get3A_561 = arith.constant 0 : index
          %get3A_562 = tpu.vector_load %arg6[%get3A_560, %get3A_561] {strides = array<i32>} : memref<32x128xf32, #tpu.memory_space<vmem>>, vector<16xf32>,
          %get3A_563 = arith.index_cast %while3A_552 : i32 to index
          %get3A_564 = arith.constant 16 : index
          %get3A_565 = tpu.vector_load %arg6[%get3A_563, %get3A_564] {strides = array<i32>} : memref<32x128xf32, #tpu.memory_space<vmem>>, vector<16xf32>,
          %get3A_566 = arith.index_cast %while3A_552 : i32 to index
          %get3A_567 = arith.constant 32 : index
          %get3A_568 = tpu.vector_load %arg6[%get3A_566, %get3A_567] {strides = array<i32>} : memref<32x128xf32, #tpu.memory_space<vmem>>, vector<16xf32>,
          %get3A_569 = arith.index_cast %while3A_552 : i32 to index
          %get3A_570 = arith.constant 48 : index
          %get3A_571 = tpu.vector_load %arg6[%get3A_569, %get3A_570] {strides = array<i32>} : memref<32x128xf32, #tpu.memory_space<vmem>>, vector<16xf32>,
          %get3A_572 = arith.index_cast %while3A_552 : i32 to index
          %get3A_573 = arith.constant 64 : index
          %get3A_574 = tpu.vector_load %arg6[%get3A_572, %get3A_573] {strides = array<i32>} : memref<32x128xf32, #tpu.memory_space<vmem>>, vector<16xf32>,
          %get3A_575 = arith.index_cast %while3A_552 : i32 to index
          %get3A_576 = arith.constant 80 : index
          %get3A_577 = tpu.vector_load %arg6[%get3A_575, %get3A_576] {strides = array<i32>} : memref<32x128xf32, #tpu.memory_space<vmem>>, vector<16xf32>,
          %get3A_578 = arith.index_cast %while3A_552 : i32 to index
          %get3A_579 = arith.constant 96 : index
          %get3A_580 = tpu.vector_load %arg6[%get3A_578, %get3A_579] {strides = array<i32>} : memref<32x128xf32, #tpu.memory_space<vmem>>, vector<16xf32>,
          %get3A_581 = arith.index_cast %while3A_552 : i32 to index
          %get3A_582 = arith.constant 112 : index
          %get3A_583 = tpu.vector_load %arg6[%get3A_581, %get3A_582] {strides = array<i32>} : memref<32x128xf32, #tpu.memory_space<vmem>>, vector<16xf32>,
          scf.yield %while3A_552, %squeeze3A_559, %get3A_562, %get3A_565, %get3A_568, %get3A_571, %get3A_574, %get3A_577, %get3A_580, %get3A_583 : i32, i32, vector<16xf32>, vector<16xf32>, vector<16xf32>, vector<16xf32>, vector<16xf32>, vector<16xf32>, vector<16xf32>, vector<16xf32>
        } else {
          scf.yield %while3A_381, %while3A_382, %while3A_383, %while3A_384, %while3A_385, %while3A_386, %while3A_387, %while3A_388, %while3A_389, %while3A_390 : i32, i32, vector<16xf32>, vector<16xf32>, vector<16xf32>, vector<16xf32>, vector<16xf32>, vector<16xf32>, vector<16xf32>, vector<16xf32>
        }
        %mul3A_396 = arith.constant 9.990000e-01 : f32
        %mul3A_397 = vector.broadcast %mul3A_396 : f32 to vector<16xf32>
        %mul3A_398 = arith.mulf %mul3A_397, %cond3A_395#2 : vector<16xf32>
        %get3A_399 = arith.index_cast %while3A_380 : i32 to index
        %get3A_400 = arith.constant 0 : index
        %get3A_401 = tpu.vector_load %arg16[%get3A_399, %get3A_400] {strides = array<i32>} : memref<256x128xf32, #tpu.memory_space<vmem>>, vector<16xf32>,
        %mul3A_402 = arith.constant 1.000000e-03 : f32
        %mul3A_403 = vector.broadcast %mul3A_402 : f32 to vector<16xf32>
        %mul3A_404 = arith.mulf %mul3A_403, %get3A_401 : vector<16xf32>
        %add3A_405 = arith.addf %mul3A_398, %mul3A_404 : vector<16xf32>
        %mul3A_406 = arith.constant 9.990000e-01 : f32
        %mul3A_407 = vector.broadcast %mul3A_406 : f32 to vector<16xf32>
        %mul3A_408 = arith.mulf %mul3A_407, %cond3A_395#3 : vector<16xf32>
        %get3A_409 = arith.index_cast %while3A_380 : i32 to index
        %get3A_410 = arith.constant 16 : index
        %get3A_411 = tpu.vector_load %arg16[%get3A_409, %get3A_410] {strides = array<i32>} : memref<256x128xf32, #tpu.memory_space<vmem>>, vector<16xf32>,
        %mul3A_412 = arith.constant 1.000000e-03 : f32
        %mul3A_413 = vector.broadcast %mul3A_412 : f32 to vector<16xf32>
        %mul3A_414 = arith.mulf %mul3A_413, %get3A_411 : vector<16xf32>
        %add3A_415 = arith.addf %mul3A_408, %mul3A_414 : vector<16xf32>
        %mul3A_416 = arith.constant 9.990000e-01 : f32
        %mul3A_417 = vector.broadcast %mul3A_416 : f32 to vector<16xf32>
        %mul3A_418 = arith.mulf %mul3A_417, %cond3A_395#4 : vector<16xf32>
        %get3A_419 = arith.index_cast %while3A_380 : i32 to index
        %get3A_420 = arith.constant 32 : index
        %get3A_421 = tpu.vector_load %arg16[%get3A_419, %get3A_420] {strides = array<i32>} : memref<256x128xf32, #tpu.memory_space<vmem>>, vector<16xf32>,
        %mul3A_422 = arith.constant 1.000000e-03 : f32
        %mul3A_423 = vector.broadcast %mul3A_422 : f32 to vector<16xf32>
        %mul3A_424 = arith.mulf %mul3A_423, %get3A_421 : vector<16xf32>
        %add3A_425 = arith.addf %mul3A_418, %mul3A_424 : vector<16xf32>
        %mul3A_426 = arith.constant 9.990000e-01 : f32
        %mul3A_427 = vector.broadcast %mul3A_426 : f32 to vector<16xf32>
        %mul3A_428 = arith.mulf %mul3A_427, %cond3A_395#5 : vector<16xf32>
        %get3A_429 = arith.index_cast %while3A_380 : i32 to index
        %get3A_430 = arith.constant 48 : index
        %get3A_431 = tpu.vector_load %arg16[%get3A_429, %get3A_430] {strides = array<i32>} : memref<256x128xf32, #tpu.memory_space<vmem>>, vector<16xf32>,
        %mul3A_432 = arith.constant 1.000000e-03 : f32
        %mul3A_433 = vector.broadcast %mul3A_432 : f32 to vector<16xf32>
        %mul3A_434 = arith.mulf %mul3A_433, %get3A_431 : vector<16xf32>
        %add3A_435 = arith.addf %mul3A_428, %mul3A_434 : vector<16xf32>
        %mul3A_436 = arith.constant 9.990000e-01 : f32
        %mul3A_437 = vector.broadcast %mul3A_436 : f32 to vector<16xf32>
        %mul3A_438 = arith.mulf %mul3A_437, %cond3A_395#6 : vector<16xf32>
        %get3A_439 = arith.index_cast %while3A_380 : i32 to index
        %get3A_440 = arith.constant 64 : index
        %get3A_441 = tpu.vector_load %arg16[%get3A_439, %get3A_440] {strides = array<i32>} : memref<256x128xf32, #tpu.memory_space<vmem>>, vector<16xf32>,
        %mul3A_442 = arith.constant 1.000000e-03 : f32
        %mul3A_443 = vector.broadcast %mul3A_442 : f32 to vector<16xf32>
        %mul3A_444 = arith.mulf %mul3A_443, %get3A_441 : vector<16xf32>
        %add3A_445 = arith.addf %mul3A_438, %mul3A_444 : vector<16xf32>
        %mul3A_446 = arith.constant 9.990000e-01 : f32
        %mul3A_447 = vector.broadcast %mul3A_446 : f32 to vector<16xf32>
        %mul3A_448 = arith.mulf %mul3A_447, %cond3A_395#7 : vector<16xf32>
        %get3A_449 = arith.index_cast %while3A_380 : i32 to index
        %get3A_450 = arith.constant 80 : index
        %get3A_451 = tpu.vector_load %arg16[%get3A_449, %get3A_450] {strides = array<i32>} : memref<256x128xf32, #tpu.memory_space<vmem>>, vector<16xf32>,
        %mul3A_452 = arith.constant 1.000000e-03 : f32
        %mul3A_453 = vector.broadcast %mul3A_452 : f32 to vector<16xf32>
        %mul3A_454 = arith.mulf %mul3A_453, %get3A_451 : vector<16xf32>
        %add3A_455 = arith.addf %mul3A_448, %mul3A_454 : vector<16xf32>
        %mul3A_456 = arith.constant 9.990000e-01 : f32
        %mul3A_457 = vector.broadcast %mul3A_456 : f32 to vector<16xf32>
        %mul3A_458 = arith.mulf %mul3A_457, %cond3A_395#8 : vector<16xf32>
        %get3A_459 = arith.index_cast %while3A_380 : i32 to index
        %get3A_460 = arith.constant 96 : index
        %get3A_461 = tpu.vector_load %arg16[%get3A_459, %get3A_460] {strides = array<i32>} : memref<256x128xf32, #tpu.memory_space<vmem>>, vector<16xf32>,
        %mul3A_462 = arith.constant 1.000000e-03 : f32
        %mul3A_463 = vector.broadcast %mul3A_462 : f32 to vector<16xf32>
        %mul3A_464 = arith.mulf %mul3A_463, %get3A_461 : vector<16xf32>
        %add3A_465 = arith.addf %mul3A_458, %mul3A_464 : vector<16xf32>
        %mul3A_466 = arith.constant 9.990000e-01 : f32
        %mul3A_467 = vector.broadcast %mul3A_466 : f32 to vector<16xf32>
        %mul3A_468 = arith.mulf %mul3A_467, %cond3A_395#9 : vector<16xf32>
        %get3A_469 = arith.index_cast %while3A_380 : i32 to index
        %get3A_470 = arith.constant 112 : index
        %get3A_471 = tpu.vector_load %arg16[%get3A_469, %get3A_470] {strides = array<i32>} : memref<256x128xf32, #tpu.memory_space<vmem>>, vector<16xf32>,
        %mul3A_472 = arith.constant 1.000000e-03 : f32
        %mul3A_473 = vector.broadcast %mul3A_472 : f32 to vector<16xf32>
        %mul3A_474 = arith.mulf %mul3A_473, %get3A_471 : vector<16xf32>
        %add3A_475 = arith.addf %mul3A_468, %mul3A_474 : vector<16xf32>
        %mul3A_476 = arith.mulf %add3A_405, %add3A_405 : vector<16xf32>
        %mul3A_477 = arith.mulf %add3A_415, %add3A_415 : vector<16xf32>
        %add3A_478 = arith.addf %mul3A_476, %mul3A_477 : vector<16xf32>
        %mul3A_479 = arith.mulf %add3A_425, %add3A_425 : vector<16xf32>
        %mul3A_480 = arith.mulf %add3A_435, %add3A_435 : vector<16xf32>
        %add3A_481 = arith.addf %mul3A_479, %mul3A_480 : vector<16xf32>
        %mul3A_482 = arith.mulf %add3A_445, %add3A_445 : vector<16xf32>
        %mul3A_483 = arith.mulf %add3A_455, %add3A_455 : vector<16xf32>
        %add3A_484 = arith.addf %mul3A_482, %mul3A_483 : vector<16xf32>
        %mul3A_485 = arith.mulf %add3A_465, %add3A_465 : vector<16xf32>
        %mul3A_486 = arith.mulf %add3A_475, %add3A_475 : vector<16xf32>
        %add3A_487 = arith.addf %mul3A_485, %mul3A_486 : vector<16xf32>
        %add3A_488 = arith.addf %add3A_478, %add3A_481 : vector<16xf32>
        %add3A_489 = arith.addf %add3A_484, %add3A_487 : vector<16xf32>
        %add3A_490 = arith.addf %add3A_488, %add3A_489 : vector<16xf32>
        %broadcast_in_dim3A_491 = arith.constant true
        %broadcast_in_dim3A_492 = vector.broadcast %broadcast_in_dim3A_491 : i1 to vector<16xi1>
        %masked_cumsum3A = tpu.scan <sum>, %add3A_490 masked %broadcast_in_dim3A_492 : vector<16xf32>, vector<16xi1> -> vector<16xf32>
        %slice3A_493 = vector.extract_strided_slice %masked_cumsum3A {offsets = [15], sizes = [1], strides = [1]} : vector<16xf32> to vector<1xf32>
        %squeeze3A_494 = vector.extract %slice3A_493[0] : f32 from vector<1xf32>
        %broadcast_in_dim3A_495 = vector.broadcast %squeeze3A_494 : f32 to vector<16xf32>
        %max3A_496 = arith.constant 1.000000e-24 : f32
        %max3A_497 = vector.broadcast %max3A_496 : f32 to vector<16xf32>
        %max3A_498 = arith.maximumf %broadcast_in_dim3A_495, %max3A_497 : vector<16xf32>
        %bitcast3A = vector.bitcast %max3A_498 : vector<16xf32> to vector<16xi32>
        %shift_right_arithmetic3A = arith.constant 1 : i32
        %shift_right_arithmetic3A_499 = vector.broadcast %shift_right_arithmetic3A : i32 to vector<16xi32>
        %shift_right_arithmetic3A_500 = arith.shrsi %bitcast3A, %shift_right_arithmetic3A_499 : vector<16xi32>
        %sub3A_501 = arith.constant 1597463007 : i32
        %sub3A_502 = vector.broadcast %sub3A_501 : i32 to vector<16xi32>
        %sub3A_503 = arith.subi %sub3A_502, %shift_right_arithmetic3A_500 : vector<16xi32>
        %bitcast3A_504 = vector.bitcast %sub3A_503 : vector<16xi32> to vector<16xf32>
        %mul3A_505 = arith.constant 5.000000e-01 : f32
        %mul3A_506 = vector.broadcast %mul3A_505 : f32 to vector<16xf32>
        %mul3A_507 = arith.mulf %mul3A_506, %max3A_498 : vector<16xf32>
        %mul3A_508 = arith.mulf %mul3A_507, %bitcast3A_504 : vector<16xf32>
        %mul3A_509 = arith.mulf %mul3A_508, %bitcast3A_504 : vector<16xf32>
        %sub3A_510 = arith.constant 1.500000e+00 : f32
        %sub3A_511 = vector.broadcast %sub3A_510 : f32 to vector<16xf32>
        %sub3A_512 = arith.subf %sub3A_511, %mul3A_509 : vector<16xf32>
        %mul3A_513 = arith.mulf %bitcast3A_504, %sub3A_512 : vector<16xf32>
        %mul3A_514 = arith.mulf %mul3A_507, %mul3A_513 : vector<16xf32>
        %mul3A_515 = arith.mulf %mul3A_514, %mul3A_513 : vector<16xf32>
        %sub3A_516 = arith.constant 1.500000e+00 : f32
        %sub3A_517 = vector.broadcast %sub3A_516 : f32 to vector<16xf32>
        %sub3A_518 = arith.subf %sub3A_517, %mul3A_515 : vector<16xf32>
        %mul3A_519 = arith.mulf %mul3A_513, %sub3A_518 : vector<16xf32>
        %mul3A_520 = arith.mulf %add3A_405, %mul3A_519 : vector<16xf32>
        %mul3A_521 = arith.mulf %add3A_415, %mul3A_519 : vector<16xf32>
        %mul3A_522 = arith.mulf %add3A_425, %mul3A_519 : vector<16xf32>
        %mul3A_523 = arith.mulf %add3A_435, %mul3A_519 : vector<16xf32>
        %mul3A_524 = arith.mulf %add3A_445, %mul3A_519 : vector<16xf32>
        %mul3A_525 = arith.mulf %add3A_455, %mul3A_519 : vector<16xf32>
        %mul3A_526 = arith.mulf %add3A_465, %mul3A_519 : vector<16xf32>
        %mul3A_527 = arith.mulf %add3A_475, %mul3A_519 : vector<16xf32>
        scf.yield %cond3A_395#0, %cond3A_395#1, %mul3A_520, %mul3A_521, %mul3A_522, %mul3A_523, %mul3A_524, %mul3A_525, %mul3A_526, %mul3A_527 : i32, i32, vector<16xf32>, vector<16xf32>, vector<16xf32>, vector<16xf32>, vector<16xf32>, vector<16xf32>, vector<16xf32>, vector<16xf32>
      }
      %while3A_339 = arith.constant 1 : i32
      %while3A_340:10 = scf.for %while3A_380 = %while3A_336 to %while3A_332 step %while3A_339 iter_args(%while3A_381 = %while3A_338#0, %while3A_382 = %while3A_338#1, %while3A_383 = %while3A_338#2, %while3A_384 = %while3A_338#3, %while3A_385 = %while3A_338#4, %while3A_386 = %while3A_338#5, %while3A_387 = %while3A_338#6, %while3A_388 = %while3A_338#7, %while3A_389 = %while3A_338#8, %while3A_390 = %while3A_338#9) -> (i32, i32, vector<16xf32>, vector<16xf32>, vector<16xf32>, vector<16xf32>, vector<16xf32>, vector<16xf32>, vector<16xf32>, vector<16xf32>)  : i32 {
        %add3A_391 = arith.addi %add3A_325, %while3A_380 : i32
        %ge3A = arith.cmpi sge, %add3A_391, %while3A_382 : i32
        %convert_element_type3A_392 = arith.extui %ge3A : i1 to i32
        %cond3A_393 = arith.constant 0 : i32
        %cond3A_394 = arith.cmpi ne, %convert_element_type3A_392, %cond3A_393 : i32
        %cond3A_395:10 = scf.if %cond3A_394 -> (i32, i32, vector<16xf32>, vector<16xf32>, vector<16xf32>, vector<16xf32>, vector<16xf32>, vector<16xf32>, vector<16xf32>, vector<16xf32>) {
          %swap3A_528 = arith.index_cast %while3A_381 : i32 to index
          %swap3A_529 = arith.constant 0 : index
          %swap3A_530 = tpu.vector_load %arg6[%swap3A_528, %swap3A_529] {strides = array<i32>} : memref<32x128xf32, #tpu.memory_space<vmem>>, vector<16xf32>,
          tpu.vector_store %arg6[%swap3A_528, %swap3A_529], %while3A_383 {strides = array<i32>} : memref<32x128xf32, #tpu.memory_space<vmem>>, vector<16xf32>,
          %swap3A_531 = arith.index_cast %while3A_381 : i32 to index
          %swap3A_532 = arith.constant 16 : index
          %swap3A_533 = tpu.vector_load %arg6[%swap3A_531, %swap3A_532] {strides = array<i32>} : memref<32x128xf32, #tpu.memory_space<vmem>>, vector<16xf32>,
          tpu.vector_store %arg6[%swap3A_531, %swap3A_532], %while3A_384 {strides = array<i32>} : memref<32x128xf32, #tpu.memory_space<vmem>>, vector<16xf32>,
          %swap3A_534 = arith.index_cast %while3A_381 : i32 to index
          %swap3A_535 = arith.constant 32 : index
          %swap3A_536 = tpu.vector_load %arg6[%swap3A_534, %swap3A_535] {strides = array<i32>} : memref<32x128xf32, #tpu.memory_space<vmem>>, vector<16xf32>,
          tpu.vector_store %arg6[%swap3A_534, %swap3A_535], %while3A_385 {strides = array<i32>} : memref<32x128xf32, #tpu.memory_space<vmem>>, vector<16xf32>,
          %swap3A_537 = arith.index_cast %while3A_381 : i32 to index
          %swap3A_538 = arith.constant 48 : index
          %swap3A_539 = tpu.vector_load %arg6[%swap3A_537, %swap3A_538] {strides = array<i32>} : memref<32x128xf32, #tpu.memory_space<vmem>>, vector<16xf32>,
          tpu.vector_store %arg6[%swap3A_537, %swap3A_538], %while3A_386 {strides = array<i32>} : memref<32x128xf32, #tpu.memory_space<vmem>>, vector<16xf32>,
          %swap3A_540 = arith.index_cast %while3A_381 : i32 to index
          %swap3A_541 = arith.constant 64 : index
          %swap3A_542 = tpu.vector_load %arg6[%swap3A_540, %swap3A_541] {strides = array<i32>} : memref<32x128xf32, #tpu.memory_space<vmem>>, vector<16xf32>,
          tpu.vector_store %arg6[%swap3A_540, %swap3A_541], %while3A_387 {strides = array<i32>} : memref<32x128xf32, #tpu.memory_space<vmem>>, vector<16xf32>,
          %swap3A_543 = arith.index_cast %while3A_381 : i32 to index
          %swap3A_544 = arith.constant 80 : index
          %swap3A_545 = tpu.vector_load %arg6[%swap3A_543, %swap3A_544] {strides = array<i32>} : memref<32x128xf32, #tpu.memory_space<vmem>>, vector<16xf32>,
          tpu.vector_store %arg6[%swap3A_543, %swap3A_544], %while3A_388 {strides = array<i32>} : memref<32x128xf32, #tpu.memory_space<vmem>>, vector<16xf32>,
          %swap3A_546 = arith.index_cast %while3A_381 : i32 to index
          %swap3A_547 = arith.constant 96 : index
          %swap3A_548 = tpu.vector_load %arg6[%swap3A_546, %swap3A_547] {strides = array<i32>} : memref<32x128xf32, #tpu.memory_space<vmem>>, vector<16xf32>,
          tpu.vector_store %arg6[%swap3A_546, %swap3A_547], %while3A_389 {strides = array<i32>} : memref<32x128xf32, #tpu.memory_space<vmem>>, vector<16xf32>,
          %swap3A_549 = arith.index_cast %while3A_381 : i32 to index
          %swap3A_550 = arith.constant 112 : index
          %swap3A_551 = tpu.vector_load %arg6[%swap3A_549, %swap3A_550] {strides = array<i32>} : memref<32x128xf32, #tpu.memory_space<vmem>>, vector<16xf32>,
          tpu.vector_store %arg6[%swap3A_549, %swap3A_550], %while3A_390 {strides = array<i32>} : memref<32x128xf32, #tpu.memory_space<vmem>>, vector<16xf32>,
          %while3A_552 = scf.while (%while3A_584 = %while3A_381) : (i32) -> i32 {
            %add3A_585 = arith.constant 1 : i32
            %add3A_586 = arith.addi %while3A_584, %add3A_585 : i32
            %add3A_587 = arith.addi %mul3A_2, %add3A_586 : i32
            %get3A_588 = arith.index_cast %add3A_587 : i32 to index
            %get3A_589 = tpu.vector_load %arg10[%get3A_588] {strides = array<i32>} : memref<1088xi32, #tpu.memory_space<vmem>>, vector<16xi32>,
            %slice3A_590 = vector.extract_strided_slice %get3A_589 {offsets = [0], sizes = [1], strides = [1]} : vector<16xi32> to vector<1xi32>
            %squeeze3A_591 = vector.extract %slice3A_590[0] : i32 from vector<1xi32>
            %le3A = arith.cmpi sle, %squeeze3A_591, %add3A_391 : i32
            scf.condition(%le3A) %while3A_584 : i32
          } do {
          ^bb0(%while3A_584: i32):
            %add3A_585 = arith.constant 1 : i32
            %add3A_586 = arith.addi %while3A_584, %add3A_585 : i32
            scf.yield %add3A_586 : i32
          }
          %add3A_553 = arith.constant 1 : i32
          %add3A_554 = arith.addi %while3A_552, %add3A_553 : i32
          %add3A_555 = arith.addi %mul3A_2, %add3A_554 : i32
          %get3A_556 = arith.index_cast %add3A_555 : i32 to index
          %get3A_557 = tpu.vector_load %arg10[%get3A_556] {strides = array<i32>} : memref<1088xi32, #tpu.memory_space<vmem>>, vector<16xi32>,
          %slice3A_558 = vector.extract_strided_slice %get3A_557 {offsets = [0], sizes = [1], strides = [1]} : vector<16xi32> to vector<1xi32>
          %squeeze3A_559 = vector.extract %slice3A_558[0] : i32 from vector<1xi32>
          %get3A_560 = arith.index_cast %while3A_552 : i32 to index
          %get3A_561 = arith.constant 0 : index
          %get3A_562 = tpu.vector_load %arg6[%get3A_560, %get3A_561] {strides = array<i32>} : memref<32x128xf32, #tpu.memory_space<vmem>>, vector<16xf32>,
          %get3A_563 = arith.index_cast %while3A_552 : i32 to index
          %get3A_564 = arith.constant 16 : index
          %get3A_565 = tpu.vector_load %arg6[%get3A_563, %get3A_564] {strides = array<i32>} : memref<32x128xf32, #tpu.memory_space<vmem>>, vector<16xf32>,
          %get3A_566 = arith.index_cast %while3A_552 : i32 to index
          %get3A_567 = arith.constant 32 : index
          %get3A_568 = tpu.vector_load %arg6[%get3A_566, %get3A_567] {strides = array<i32>} : memref<32x128xf32, #tpu.memory_space<vmem>>, vector<16xf32>,
          %get3A_569 = arith.index_cast %while3A_552 : i32 to index
          %get3A_570 = arith.constant 48 : index
          %get3A_571 = tpu.vector_load %arg6[%get3A_569, %get3A_570] {strides = array<i32>} : memref<32x128xf32, #tpu.memory_space<vmem>>, vector<16xf32>,
          %get3A_572 = arith.index_cast %while3A_552 : i32 to index
          %get3A_573 = arith.constant 64 : index
          %get3A_574 = tpu.vector_load %arg6[%get3A_572, %get3A_573] {strides = array<i32>} : memref<32x128xf32, #tpu.memory_space<vmem>>, vector<16xf32>,
          %get3A_575 = arith.index_cast %while3A_552 : i32 to index
          %get3A_576 = arith.constant 80 : index
          %get3A_577 = tpu.vector_load %arg6[%get3A_575, %get3A_576] {strides = array<i32>} : memref<32x128xf32, #tpu.memory_space<vmem>>, vector<16xf32>,
          %get3A_578 = arith.index_cast %while3A_552 : i32 to index
          %get3A_579 = arith.constant 96 : index
          %get3A_580 = tpu.vector_load %arg6[%get3A_578, %get3A_579] {strides = array<i32>} : memref<32x128xf32, #tpu.memory_space<vmem>>, vector<16xf32>,
          %get3A_581 = arith.index_cast %while3A_552 : i32 to index
          %get3A_582 = arith.constant 112 : index
          %get3A_583 = tpu.vector_load %arg6[%get3A_581, %get3A_582] {strides = array<i32>} : memref<32x128xf32, #tpu.memory_space<vmem>>, vector<16xf32>,
          scf.yield %while3A_552, %squeeze3A_559, %get3A_562, %get3A_565, %get3A_568, %get3A_571, %get3A_574, %get3A_577, %get3A_580, %get3A_583 : i32, i32, vector<16xf32>, vector<16xf32>, vector<16xf32>, vector<16xf32>, vector<16xf32>, vector<16xf32>, vector<16xf32>, vector<16xf32>
        } else {
          scf.yield %while3A_381, %while3A_382, %while3A_383, %while3A_384, %while3A_385, %while3A_386, %while3A_387, %while3A_388, %while3A_389, %while3A_390 : i32, i32, vector<16xf32>, vector<16xf32>, vector<16xf32>, vector<16xf32>, vector<16xf32>, vector<16xf32>, vector<16xf32>, vector<16xf32>
        }
        %mul3A_396 = arith.constant 9.990000e-01 : f32
        %mul3A_397 = vector.broadcast %mul3A_396 : f32 to vector<16xf32>
        %mul3A_398 = arith.mulf %mul3A_397, %cond3A_395#2 : vector<16xf32>
        %get3A_399 = arith.index_cast %while3A_380 : i32 to index
        %get3A_400 = arith.constant 0 : index
        %get3A_401 = tpu.vector_load %arg16[%get3A_399, %get3A_400] {strides = array<i32>} : memref<256x128xf32, #tpu.memory_space<vmem>>, vector<16xf32>,
        %mul3A_402 = arith.constant 1.000000e-03 : f32
        %mul3A_403 = vector.broadcast %mul3A_402 : f32 to vector<16xf32>
        %mul3A_404 = arith.mulf %mul3A_403, %get3A_401 : vector<16xf32>
        %add3A_405 = arith.addf %mul3A_398, %mul3A_404 : vector<16xf32>
        %mul3A_406 = arith.constant 9.990000e-01 : f32
        %mul3A_407 = vector.broadcast %mul3A_406 : f32 to vector<16xf32>
        %mul3A_408 = arith.mulf %mul3A_407, %cond3A_395#3 : vector<16xf32>
        %get3A_409 = arith.index_cast %while3A_380 : i32 to index
        %get3A_410 = arith.constant 16 : index
        %get3A_411 = tpu.vector_load %arg16[%get3A_409, %get3A_410] {strides = array<i32>} : memref<256x128xf32, #tpu.memory_space<vmem>>, vector<16xf32>,
        %mul3A_412 = arith.constant 1.000000e-03 : f32
        %mul3A_413 = vector.broadcast %mul3A_412 : f32 to vector<16xf32>
        %mul3A_414 = arith.mulf %mul3A_413, %get3A_411 : vector<16xf32>
        %add3A_415 = arith.addf %mul3A_408, %mul3A_414 : vector<16xf32>
        %mul3A_416 = arith.constant 9.990000e-01 : f32
        %mul3A_417 = vector.broadcast %mul3A_416 : f32 to vector<16xf32>
        %mul3A_418 = arith.mulf %mul3A_417, %cond3A_395#4 : vector<16xf32>
        %get3A_419 = arith.index_cast %while3A_380 : i32 to index
        %get3A_420 = arith.constant 32 : index
        %get3A_421 = tpu.vector_load %arg16[%get3A_419, %get3A_420] {strides = array<i32>} : memref<256x128xf32, #tpu.memory_space<vmem>>, vector<16xf32>,
        %mul3A_422 = arith.constant 1.000000e-03 : f32
        %mul3A_423 = vector.broadcast %mul3A_422 : f32 to vector<16xf32>
        %mul3A_424 = arith.mulf %mul3A_423, %get3A_421 : vector<16xf32>
        %add3A_425 = arith.addf %mul3A_418, %mul3A_424 : vector<16xf32>
        %mul3A_426 = arith.constant 9.990000e-01 : f32
        %mul3A_427 = vector.broadcast %mul3A_426 : f32 to vector<16xf32>
        %mul3A_428 = arith.mulf %mul3A_427, %cond3A_395#5 : vector<16xf32>
        %get3A_429 = arith.index_cast %while3A_380 : i32 to index
        %get3A_430 = arith.constant 48 : index
        %get3A_431 = tpu.vector_load %arg16[%get3A_429, %get3A_430] {strides = array<i32>} : memref<256x128xf32, #tpu.memory_space<vmem>>, vector<16xf32>,
        %mul3A_432 = arith.constant 1.000000e-03 : f32
        %mul3A_433 = vector.broadcast %mul3A_432 : f32 to vector<16xf32>
        %mul3A_434 = arith.mulf %mul3A_433, %get3A_431 : vector<16xf32>
        %add3A_435 = arith.addf %mul3A_428, %mul3A_434 : vector<16xf32>
        %mul3A_436 = arith.constant 9.990000e-01 : f32
        %mul3A_437 = vector.broadcast %mul3A_436 : f32 to vector<16xf32>
        %mul3A_438 = arith.mulf %mul3A_437, %cond3A_395#6 : vector<16xf32>
        %get3A_439 = arith.index_cast %while3A_380 : i32 to index
        %get3A_440 = arith.constant 64 : index
        %get3A_441 = tpu.vector_load %arg16[%get3A_439, %get3A_440] {strides = array<i32>} : memref<256x128xf32, #tpu.memory_space<vmem>>, vector<16xf32>,
        %mul3A_442 = arith.constant 1.000000e-03 : f32
        %mul3A_443 = vector.broadcast %mul3A_442 : f32 to vector<16xf32>
        %mul3A_444 = arith.mulf %mul3A_443, %get3A_441 : vector<16xf32>
        %add3A_445 = arith.addf %mul3A_438, %mul3A_444 : vector<16xf32>
        %mul3A_446 = arith.constant 9.990000e-01 : f32
        %mul3A_447 = vector.broadcast %mul3A_446 : f32 to vector<16xf32>
        %mul3A_448 = arith.mulf %mul3A_447, %cond3A_395#7 : vector<16xf32>
        %get3A_449 = arith.index_cast %while3A_380 : i32 to index
        %get3A_450 = arith.constant 80 : index
        %get3A_451 = tpu.vector_load %arg16[%get3A_449, %get3A_450] {strides = array<i32>} : memref<256x128xf32, #tpu.memory_space<vmem>>, vector<16xf32>,
        %mul3A_452 = arith.constant 1.000000e-03 : f32
        %mul3A_453 = vector.broadcast %mul3A_452 : f32 to vector<16xf32>
        %mul3A_454 = arith.mulf %mul3A_453, %get3A_451 : vector<16xf32>
        %add3A_455 = arith.addf %mul3A_448, %mul3A_454 : vector<16xf32>
        %mul3A_456 = arith.constant 9.990000e-01 : f32
        %mul3A_457 = vector.broadcast %mul3A_456 : f32 to vector<16xf32>
        %mul3A_458 = arith.mulf %mul3A_457, %cond3A_395#8 : vector<16xf32>
        %get3A_459 = arith.index_cast %while3A_380 : i32 to index
        %get3A_460 = arith.constant 96 : index
        %get3A_461 = tpu.vector_load %arg16[%get3A_459, %get3A_460] {strides = array<i32>} : memref<256x128xf32, #tpu.memory_space<vmem>>, vector<16xf32>,
        %mul3A_462 = arith.constant 1.000000e-03 : f32
        %mul3A_463 = vector.broadcast %mul3A_462 : f32 to vector<16xf32>
        %mul3A_464 = arith.mulf %mul3A_463, %get3A_461 : vector<16xf32>
        %add3A_465 = arith.addf %mul3A_458, %mul3A_464 : vector<16xf32>
        %mul3A_466 = arith.constant 9.990000e-01 : f32
        %mul3A_467 = vector.broadcast %mul3A_466 : f32 to vector<16xf32>
        %mul3A_468 = arith.mulf %mul3A_467, %cond3A_395#9 : vector<16xf32>
        %get3A_469 = arith.index_cast %while3A_380 : i32 to index
        %get3A_470 = arith.constant 112 : index
        %get3A_471 = tpu.vector_load %arg16[%get3A_469, %get3A_470] {strides = array<i32>} : memref<256x128xf32, #tpu.memory_space<vmem>>, vector<16xf32>,
        %mul3A_472 = arith.constant 1.000000e-03 : f32
        %mul3A_473 = vector.broadcast %mul3A_472 : f32 to vector<16xf32>
        %mul3A_474 = arith.mulf %mul3A_473, %get3A_471 : vector<16xf32>
        %add3A_475 = arith.addf %mul3A_468, %mul3A_474 : vector<16xf32>
        %mul3A_476 = arith.mulf %add3A_405, %add3A_405 : vector<16xf32>
        %mul3A_477 = arith.mulf %add3A_415, %add3A_415 : vector<16xf32>
        %add3A_478 = arith.addf %mul3A_476, %mul3A_477 : vector<16xf32>
        %mul3A_479 = arith.mulf %add3A_425, %add3A_425 : vector<16xf32>
        %mul3A_480 = arith.mulf %add3A_435, %add3A_435 : vector<16xf32>
        %add3A_481 = arith.addf %mul3A_479, %mul3A_480 : vector<16xf32>
        %mul3A_482 = arith.mulf %add3A_445, %add3A_445 : vector<16xf32>
        %mul3A_483 = arith.mulf %add3A_455, %add3A_455 : vector<16xf32>
        %add3A_484 = arith.addf %mul3A_482, %mul3A_483 : vector<16xf32>
        %mul3A_485 = arith.mulf %add3A_465, %add3A_465 : vector<16xf32>
        %mul3A_486 = arith.mulf %add3A_475, %add3A_475 : vector<16xf32>
        %add3A_487 = arith.addf %mul3A_485, %mul3A_486 : vector<16xf32>
        %add3A_488 = arith.addf %add3A_478, %add3A_481 : vector<16xf32>
        %add3A_489 = arith.addf %add3A_484, %add3A_487 : vector<16xf32>
        %add3A_490 = arith.addf %add3A_488, %add3A_489 : vector<16xf32>
        %broadcast_in_dim3A_491 = arith.constant true
        %broadcast_in_dim3A_492 = vector.broadcast %broadcast_in_dim3A_491 : i1 to vector<16xi1>
        %masked_cumsum3A = tpu.scan <sum>, %add3A_490 masked %broadcast_in_dim3A_492 : vector<16xf32>, vector<16xi1> -> vector<16xf32>
        %slice3A_493 = vector.extract_strided_slice %masked_cumsum3A {offsets = [15], sizes = [1], strides = [1]} : vector<16xf32> to vector<1xf32>
        %squeeze3A_494 = vector.extract %slice3A_493[0] : f32 from vector<1xf32>
        %broadcast_in_dim3A_495 = vector.broadcast %squeeze3A_494 : f32 to vector<16xf32>
        %max3A_496 = arith.constant 1.000000e-24 : f32
        %max3A_497 = vector.broadcast %max3A_496 : f32 to vector<16xf32>
        %max3A_498 = arith.maximumf %broadcast_in_dim3A_495, %max3A_497 : vector<16xf32>
        %bitcast3A = vector.bitcast %max3A_498 : vector<16xf32> to vector<16xi32>
        %shift_right_arithmetic3A = arith.constant 1 : i32
        %shift_right_arithmetic3A_499 = vector.broadcast %shift_right_arithmetic3A : i32 to vector<16xi32>
        %shift_right_arithmetic3A_500 = arith.shrsi %bitcast3A, %shift_right_arithmetic3A_499 : vector<16xi32>
        %sub3A_501 = arith.constant 1597463007 : i32
        %sub3A_502 = vector.broadcast %sub3A_501 : i32 to vector<16xi32>
        %sub3A_503 = arith.subi %sub3A_502, %shift_right_arithmetic3A_500 : vector<16xi32>
        %bitcast3A_504 = vector.bitcast %sub3A_503 : vector<16xi32> to vector<16xf32>
        %mul3A_505 = arith.constant 5.000000e-01 : f32
        %mul3A_506 = vector.broadcast %mul3A_505 : f32 to vector<16xf32>
        %mul3A_507 = arith.mulf %mul3A_506, %max3A_498 : vector<16xf32>
        %mul3A_508 = arith.mulf %mul3A_507, %bitcast3A_504 : vector<16xf32>
        %mul3A_509 = arith.mulf %mul3A_508, %bitcast3A_504 : vector<16xf32>
        %sub3A_510 = arith.constant 1.500000e+00 : f32
        %sub3A_511 = vector.broadcast %sub3A_510 : f32 to vector<16xf32>
        %sub3A_512 = arith.subf %sub3A_511, %mul3A_509 : vector<16xf32>
        %mul3A_513 = arith.mulf %bitcast3A_504, %sub3A_512 : vector<16xf32>
        %mul3A_514 = arith.mulf %mul3A_507, %mul3A_513 : vector<16xf32>
        %mul3A_515 = arith.mulf %mul3A_514, %mul3A_513 : vector<16xf32>
        %sub3A_516 = arith.constant 1.500000e+00 : f32
        %sub3A_517 = vector.broadcast %sub3A_516 : f32 to vector<16xf32>
        %sub3A_518 = arith.subf %sub3A_517, %mul3A_515 : vector<16xf32>
        %mul3A_519 = arith.mulf %mul3A_513, %sub3A_518 : vector<16xf32>
        %mul3A_520 = arith.mulf %add3A_405, %mul3A_519 : vector<16xf32>
        %mul3A_521 = arith.mulf %add3A_415, %mul3A_519 : vector<16xf32>
        %mul3A_522 = arith.mulf %add3A_425, %mul3A_519 : vector<16xf32>
        %mul3A_523 = arith.mulf %add3A_435, %mul3A_519 : vector<16xf32>
        %mul3A_524 = arith.mulf %add3A_445, %mul3A_519 : vector<16xf32>
        %mul3A_525 = arith.mulf %add3A_455, %mul3A_519 : vector<16xf32>
        %mul3A_526 = arith.mulf %add3A_465, %mul3A_519 : vector<16xf32>
        %mul3A_527 = arith.mulf %add3A_475, %mul3A_519 : vector<16xf32>
        scf.yield %cond3A_395#0, %cond3A_395#1, %mul3A_520, %mul3A_521, %mul3A_522, %mul3A_523, %mul3A_524, %mul3A_525, %mul3A_526, %mul3A_527 : i32, i32, vector<16xf32>, vector<16xf32>, vector<16xf32>, vector<16xf32>, vector<16xf32>, vector<16xf32>, vector<16xf32>, vector<16xf32>
      }
      %mul3A_341 = arith.constant 2 : i32
      %mul3A_342 = arith.muli %mul3A_341, %while3A_295 : i32
      %add3A_343 = arith.constant 1 : i32
      %add3A_344 = arith.addi %mul3A_342, %add3A_343 : i32
      %lt3A_345 = arith.cmpi slt, %add3A_344, %div3A_233 : i32
      %convert_element_type3A_346 = arith.extui %lt3A_345 : i1 to i32
      %cond3A_347 = arith.constant 0 : i32
      %cond3A_348 = arith.cmpi ne, %convert_element_type3A_346, %cond3A_347 : i32
      scf.if %cond3A_348 {
        %dma_wait3A_380 = arith.constant 0 : i32
        %dma_wait3A_381 = arith.constant 0 : i32
        %dma_wait3A_382 = tpu.memref_slice %arg2[%dma_wait3A_380, %dma_wait3A_381] : memref<16384x128xf32, #tpu.memory_space<hbm>> -> memref<16384x128xf32, #tpu.memory_space<hbm>>
        tpu.wait_indirect_dma semaphore(%arg21 : memref<!tpu.dma_semaphore, #tpu.memory_space<semaphore_mem>>) src(%dma_wait3A_382 : memref<16384x128xf32, #tpu.memory_space<hbm>>) dst(%arg17 : memref<256x128xf32, #tpu.memory_space<vmem>>)
      } else {
      }
      %add3A_349 = arith.constant 1 : i32
      %add3A_350 = arith.addi %add3A_344, %add3A_349 : i32
      %lt3A_351 = arith.cmpi slt, %add3A_350, %div3A_233 : i32
      %convert_element_type3A_352 = arith.extui %lt3A_351 : i1 to i32
      %cond3A_353 = arith.constant 0 : i32
      %cond3A_354 = arith.cmpi ne, %convert_element_type3A_352, %cond3A_353 : i32
      scf.if %cond3A_354 {
        %add3A_380 = arith.constant 1 : i32
        %add3A_381 = arith.addi %add3A_344, %add3A_380 : i32
        %mul3A_382 = arith.constant 256 : i32
        %mul3A_383 = arith.muli %add3A_381, %mul3A_382 : i32
        %add3A_384 = arith.addi %multiple_of3A, %mul3A_383 : i32
        %multiple_of3A_385 = tpu.assume_multiple %add3A_384, 16 : i32
        %dma_wait3A_386 = tpu.memref_slice %arg19[%multiple_of3A_385] : memref<16896xi32, #tpu.memory_space<vmem_shared>> -> memref<256xi32, #tpu.memory_space<vmem_shared>>
        %dma_wait3A_387 = tpu.memref_slice %arg19[%multiple_of3A_385] : memref<16896xi32, #tpu.memory_space<vmem_shared>> -> memref<256xi32, #tpu.memory_space<vmem_shared>>
        tpu.wait_dma2 semaphore(%arg22 : memref<!tpu.dma_semaphore, #tpu.memory_space<semaphore_mem>>) src(%dma_wait3A_387 : memref<256xi32, #tpu.memory_space<vmem_shared>>) dst(%arg14 : memref<256xi32, #tpu.memory_space<vmem>>)
        %dma_start3A_388 = arith.constant 0 : i32
        %dma_start3A_389 = arith.constant 0 : i32
        %dma_start3A_390 = tpu.memref_slice %arg2[%dma_start3A_388, %dma_start3A_389] : memref<16384x128xf32, #tpu.memory_space<hbm>> -> memref<16384x128xf32, #tpu.memory_space<hbm>>
        tpu.enqueue_indirect_dma source(%dma_start3A_390 : memref<16384x128xf32, #tpu.memory_space<hbm>>) target(%arg16 : memref<256x128xf32, #tpu.memory_space<vmem>>) offsets(%arg14 : memref<256xi32, #tpu.memory_space<vmem>>) semaphore(%arg20 : memref<!tpu.dma_semaphore, #tpu.memory_space<semaphore_mem>>)
      } else {
      }
      %add3A_355 = arith.constant 2 : i32
      %add3A_356 = arith.addi %add3A_344, %add3A_355 : i32
      %lt3A_357 = arith.cmpi slt, %add3A_356, %div3A_233 : i32
      %convert_element_type3A_358 = arith.extui %lt3A_357 : i1 to i32
      %cond3A_359 = arith.constant 0 : i32
      %cond3A_360 = arith.cmpi ne, %convert_element_type3A_358, %cond3A_359 : i32
      scf.if %cond3A_360 {
        %add3A_380 = arith.constant 2 : i32
        %add3A_381 = arith.addi %add3A_344, %add3A_380 : i32
        %mul3A_382 = arith.constant 256 : i32
        %mul3A_383 = arith.muli %add3A_381, %mul3A_382 : i32
        %add3A_384 = arith.addi %multiple_of3A, %mul3A_383 : i32
        %multiple_of3A_385 = tpu.assume_multiple %add3A_384, 16 : i32
        %dma_start3A_386 = tpu.memref_slice %arg19[%multiple_of3A_385] : memref<16896xi32, #tpu.memory_space<vmem_shared>> -> memref<256xi32, #tpu.memory_space<vmem_shared>>
        %dma_start3A_387 = tpu.memref_slice %arg19[%multiple_of3A_385] : memref<16896xi32, #tpu.memory_space<vmem_shared>> -> memref<256xi32, #tpu.memory_space<vmem_shared>>
        tpu.enqueue_dma source(%dma_start3A_387 : memref<256xi32, #tpu.memory_space<vmem_shared>>) target(%arg15 : memref<256xi32, #tpu.memory_space<vmem>>) target_semaphore(%arg23 : memref<!tpu.dma_semaphore, #tpu.memory_space<semaphore_mem>>)
      } else {
      }
      %mul3A_361 = arith.constant 256 : i32
      %mul3A_362 = arith.muli %add3A_344, %mul3A_361 : i32
      %add3A_363 = arith.addi %multiple_of3A, %mul3A_362 : i32
      %sub3A_364 = arith.subi %squeeze3A, %add3A_363 : i32
      %max3A_365 = arith.constant 0 : i32
      %max3A_366 = arith.maxsi %sub3A_364, %max3A_365 : i32
      %sub3A_367 = arith.subi %squeeze3A_229, %add3A_363 : i32
      %min3A_368 = arith.constant 256 : i32
      %min3A_369 = arith.minsi %sub3A_367, %min3A_368 : i32
      %while3A_370 = arith.subi %min3A_369, %max3A_366 : i32
      %while3A_371 = arith.addi %max3A_366, %while3A_370 : i32
      %while3A_372 = arith.constant 1 : i32
      %while3A_373 = arith.divsi %while3A_370, %while3A_372 : i32
      %while3A_374 = arith.muli %while3A_373, %while3A_372 : i32
      %while3A_375 = arith.addi %max3A_366, %while3A_374 : i32
      %while3A_376 = arith.constant 1 : i32
      %while3A_377:10 = scf.for %while3A_380 = %max3A_366 to %while3A_375 step %while3A_376 iter_args(%while3A_381 = %while3A_340#0, %while3A_382 = %while3A_340#1, %while3A_383 = %while3A_340#2, %while3A_384 = %while3A_340#3, %while3A_385 = %while3A_340#4, %while3A_386 = %while3A_340#5, %while3A_387 = %while3A_340#6, %while3A_388 = %while3A_340#7, %while3A_389 = %while3A_340#8, %while3A_390 = %while3A_340#9) -> (i32, i32, vector<16xf32>, vector<16xf32>, vector<16xf32>, vector<16xf32>, vector<16xf32>, vector<16xf32>, vector<16xf32>, vector<16xf32>)  : i32 {
        %add3A_391 = arith.addi %add3A_363, %while3A_380 : i32
        %ge3A = arith.cmpi sge, %add3A_391, %while3A_382 : i32
        %convert_element_type3A_392 = arith.extui %ge3A : i1 to i32
        %cond3A_393 = arith.constant 0 : i32
        %cond3A_394 = arith.cmpi ne, %convert_element_type3A_392, %cond3A_393 : i32
        %cond3A_395:10 = scf.if %cond3A_394 -> (i32, i32, vector<16xf32>, vector<16xf32>, vector<16xf32>, vector<16xf32>, vector<16xf32>, vector<16xf32>, vector<16xf32>, vector<16xf32>) {
          %swap3A_528 = arith.index_cast %while3A_381 : i32 to index
          %swap3A_529 = arith.constant 0 : index
          %swap3A_530 = tpu.vector_load %arg6[%swap3A_528, %swap3A_529] {strides = array<i32>} : memref<32x128xf32, #tpu.memory_space<vmem>>, vector<16xf32>,
          tpu.vector_store %arg6[%swap3A_528, %swap3A_529], %while3A_383 {strides = array<i32>} : memref<32x128xf32, #tpu.memory_space<vmem>>, vector<16xf32>,
          %swap3A_531 = arith.index_cast %while3A_381 : i32 to index
          %swap3A_532 = arith.constant 16 : index
          %swap3A_533 = tpu.vector_load %arg6[%swap3A_531, %swap3A_532] {strides = array<i32>} : memref<32x128xf32, #tpu.memory_space<vmem>>, vector<16xf32>,
          tpu.vector_store %arg6[%swap3A_531, %swap3A_532], %while3A_384 {strides = array<i32>} : memref<32x128xf32, #tpu.memory_space<vmem>>, vector<16xf32>,
          %swap3A_534 = arith.index_cast %while3A_381 : i32 to index
          %swap3A_535 = arith.constant 32 : index
          %swap3A_536 = tpu.vector_load %arg6[%swap3A_534, %swap3A_535] {strides = array<i32>} : memref<32x128xf32, #tpu.memory_space<vmem>>, vector<16xf32>,
          tpu.vector_store %arg6[%swap3A_534, %swap3A_535], %while3A_385 {strides = array<i32>} : memref<32x128xf32, #tpu.memory_space<vmem>>, vector<16xf32>,
          %swap3A_537 = arith.index_cast %while3A_381 : i32 to index
          %swap3A_538 = arith.constant 48 : index
          %swap3A_539 = tpu.vector_load %arg6[%swap3A_537, %swap3A_538] {strides = array<i32>} : memref<32x128xf32, #tpu.memory_space<vmem>>, vector<16xf32>,
          tpu.vector_store %arg6[%swap3A_537, %swap3A_538], %while3A_386 {strides = array<i32>} : memref<32x128xf32, #tpu.memory_space<vmem>>, vector<16xf32>,
          %swap3A_540 = arith.index_cast %while3A_381 : i32 to index
          %swap3A_541 = arith.constant 64 : index
          %swap3A_542 = tpu.vector_load %arg6[%swap3A_540, %swap3A_541] {strides = array<i32>} : memref<32x128xf32, #tpu.memory_space<vmem>>, vector<16xf32>,
          tpu.vector_store %arg6[%swap3A_540, %swap3A_541], %while3A_387 {strides = array<i32>} : memref<32x128xf32, #tpu.memory_space<vmem>>, vector<16xf32>,
          %swap3A_543 = arith.index_cast %while3A_381 : i32 to index
          %swap3A_544 = arith.constant 80 : index
          %swap3A_545 = tpu.vector_load %arg6[%swap3A_543, %swap3A_544] {strides = array<i32>} : memref<32x128xf32, #tpu.memory_space<vmem>>, vector<16xf32>,
          tpu.vector_store %arg6[%swap3A_543, %swap3A_544], %while3A_388 {strides = array<i32>} : memref<32x128xf32, #tpu.memory_space<vmem>>, vector<16xf32>,
          %swap3A_546 = arith.index_cast %while3A_381 : i32 to index
          %swap3A_547 = arith.constant 96 : index
          %swap3A_548 = tpu.vector_load %arg6[%swap3A_546, %swap3A_547] {strides = array<i32>} : memref<32x128xf32, #tpu.memory_space<vmem>>, vector<16xf32>,
          tpu.vector_store %arg6[%swap3A_546, %swap3A_547], %while3A_389 {strides = array<i32>} : memref<32x128xf32, #tpu.memory_space<vmem>>, vector<16xf32>,
          %swap3A_549 = arith.index_cast %while3A_381 : i32 to index
          %swap3A_550 = arith.constant 112 : index
          %swap3A_551 = tpu.vector_load %arg6[%swap3A_549, %swap3A_550] {strides = array<i32>} : memref<32x128xf32, #tpu.memory_space<vmem>>, vector<16xf32>,
          tpu.vector_store %arg6[%swap3A_549, %swap3A_550], %while3A_390 {strides = array<i32>} : memref<32x128xf32, #tpu.memory_space<vmem>>, vector<16xf32>,
          %while3A_552 = scf.while (%while3A_584 = %while3A_381) : (i32) -> i32 {
            %add3A_585 = arith.constant 1 : i32
            %add3A_586 = arith.addi %while3A_584, %add3A_585 : i32
            %add3A_587 = arith.addi %mul3A_2, %add3A_586 : i32
            %get3A_588 = arith.index_cast %add3A_587 : i32 to index
            %get3A_589 = tpu.vector_load %arg10[%get3A_588] {strides = array<i32>} : memref<1088xi32, #tpu.memory_space<vmem>>, vector<16xi32>,
            %slice3A_590 = vector.extract_strided_slice %get3A_589 {offsets = [0], sizes = [1], strides = [1]} : vector<16xi32> to vector<1xi32>
            %squeeze3A_591 = vector.extract %slice3A_590[0] : i32 from vector<1xi32>
            %le3A = arith.cmpi sle, %squeeze3A_591, %add3A_391 : i32
            scf.condition(%le3A) %while3A_584 : i32
          } do {
          ^bb0(%while3A_584: i32):
            %add3A_585 = arith.constant 1 : i32
            %add3A_586 = arith.addi %while3A_584, %add3A_585 : i32
            scf.yield %add3A_586 : i32
          }
          %add3A_553 = arith.constant 1 : i32
          %add3A_554 = arith.addi %while3A_552, %add3A_553 : i32
          %add3A_555 = arith.addi %mul3A_2, %add3A_554 : i32
          %get3A_556 = arith.index_cast %add3A_555 : i32 to index
          %get3A_557 = tpu.vector_load %arg10[%get3A_556] {strides = array<i32>} : memref<1088xi32, #tpu.memory_space<vmem>>, vector<16xi32>,
          %slice3A_558 = vector.extract_strided_slice %get3A_557 {offsets = [0], sizes = [1], strides = [1]} : vector<16xi32> to vector<1xi32>
          %squeeze3A_559 = vector.extract %slice3A_558[0] : i32 from vector<1xi32>
          %get3A_560 = arith.index_cast %while3A_552 : i32 to index
          %get3A_561 = arith.constant 0 : index
          %get3A_562 = tpu.vector_load %arg6[%get3A_560, %get3A_561] {strides = array<i32>} : memref<32x128xf32, #tpu.memory_space<vmem>>, vector<16xf32>,
          %get3A_563 = arith.index_cast %while3A_552 : i32 to index
          %get3A_564 = arith.constant 16 : index
          %get3A_565 = tpu.vector_load %arg6[%get3A_563, %get3A_564] {strides = array<i32>} : memref<32x128xf32, #tpu.memory_space<vmem>>, vector<16xf32>,
          %get3A_566 = arith.index_cast %while3A_552 : i32 to index
          %get3A_567 = arith.constant 32 : index
          %get3A_568 = tpu.vector_load %arg6[%get3A_566, %get3A_567] {strides = array<i32>} : memref<32x128xf32, #tpu.memory_space<vmem>>, vector<16xf32>,
          %get3A_569 = arith.index_cast %while3A_552 : i32 to index
          %get3A_570 = arith.constant 48 : index
          %get3A_571 = tpu.vector_load %arg6[%get3A_569, %get3A_570] {strides = array<i32>} : memref<32x128xf32, #tpu.memory_space<vmem>>, vector<16xf32>,
          %get3A_572 = arith.index_cast %while3A_552 : i32 to index
          %get3A_573 = arith.constant 64 : index
          %get3A_574 = tpu.vector_load %arg6[%get3A_572, %get3A_573] {strides = array<i32>} : memref<32x128xf32, #tpu.memory_space<vmem>>, vector<16xf32>,
          %get3A_575 = arith.index_cast %while3A_552 : i32 to index
          %get3A_576 = arith.constant 80 : index
          %get3A_577 = tpu.vector_load %arg6[%get3A_575, %get3A_576] {strides = array<i32>} : memref<32x128xf32, #tpu.memory_space<vmem>>, vector<16xf32>,
          %get3A_578 = arith.index_cast %while3A_552 : i32 to index
          %get3A_579 = arith.constant 96 : index
          %get3A_580 = tpu.vector_load %arg6[%get3A_578, %get3A_579] {strides = array<i32>} : memref<32x128xf32, #tpu.memory_space<vmem>>, vector<16xf32>,
          %get3A_581 = arith.index_cast %while3A_552 : i32 to index
          %get3A_582 = arith.constant 112 : index
          %get3A_583 = tpu.vector_load %arg6[%get3A_581, %get3A_582] {strides = array<i32>} : memref<32x128xf32, #tpu.memory_space<vmem>>, vector<16xf32>,
          scf.yield %while3A_552, %squeeze3A_559, %get3A_562, %get3A_565, %get3A_568, %get3A_571, %get3A_574, %get3A_577, %get3A_580, %get3A_583 : i32, i32, vector<16xf32>, vector<16xf32>, vector<16xf32>, vector<16xf32>, vector<16xf32>, vector<16xf32>, vector<16xf32>, vector<16xf32>
        } else {
          scf.yield %while3A_381, %while3A_382, %while3A_383, %while3A_384, %while3A_385, %while3A_386, %while3A_387, %while3A_388, %while3A_389, %while3A_390 : i32, i32, vector<16xf32>, vector<16xf32>, vector<16xf32>, vector<16xf32>, vector<16xf32>, vector<16xf32>, vector<16xf32>, vector<16xf32>
        }
        %mul3A_396 = arith.constant 9.990000e-01 : f32
        %mul3A_397 = vector.broadcast %mul3A_396 : f32 to vector<16xf32>
        %mul3A_398 = arith.mulf %mul3A_397, %cond3A_395#2 : vector<16xf32>
        %get3A_399 = arith.index_cast %while3A_380 : i32 to index
        %get3A_400 = arith.constant 0 : index
        %get3A_401 = tpu.vector_load %arg17[%get3A_399, %get3A_400] {strides = array<i32>} : memref<256x128xf32, #tpu.memory_space<vmem>>, vector<16xf32>,
        %mul3A_402 = arith.constant 1.000000e-03 : f32
        %mul3A_403 = vector.broadcast %mul3A_402 : f32 to vector<16xf32>
        %mul3A_404 = arith.mulf %mul3A_403, %get3A_401 : vector<16xf32>
        %add3A_405 = arith.addf %mul3A_398, %mul3A_404 : vector<16xf32>
        %mul3A_406 = arith.constant 9.990000e-01 : f32
        %mul3A_407 = vector.broadcast %mul3A_406 : f32 to vector<16xf32>
        %mul3A_408 = arith.mulf %mul3A_407, %cond3A_395#3 : vector<16xf32>
        %get3A_409 = arith.index_cast %while3A_380 : i32 to index
        %get3A_410 = arith.constant 16 : index
        %get3A_411 = tpu.vector_load %arg17[%get3A_409, %get3A_410] {strides = array<i32>} : memref<256x128xf32, #tpu.memory_space<vmem>>, vector<16xf32>,
        %mul3A_412 = arith.constant 1.000000e-03 : f32
        %mul3A_413 = vector.broadcast %mul3A_412 : f32 to vector<16xf32>
        %mul3A_414 = arith.mulf %mul3A_413, %get3A_411 : vector<16xf32>
        %add3A_415 = arith.addf %mul3A_408, %mul3A_414 : vector<16xf32>
        %mul3A_416 = arith.constant 9.990000e-01 : f32
        %mul3A_417 = vector.broadcast %mul3A_416 : f32 to vector<16xf32>
        %mul3A_418 = arith.mulf %mul3A_417, %cond3A_395#4 : vector<16xf32>
        %get3A_419 = arith.index_cast %while3A_380 : i32 to index
        %get3A_420 = arith.constant 32 : index
        %get3A_421 = tpu.vector_load %arg17[%get3A_419, %get3A_420] {strides = array<i32>} : memref<256x128xf32, #tpu.memory_space<vmem>>, vector<16xf32>,
        %mul3A_422 = arith.constant 1.000000e-03 : f32
        %mul3A_423 = vector.broadcast %mul3A_422 : f32 to vector<16xf32>
        %mul3A_424 = arith.mulf %mul3A_423, %get3A_421 : vector<16xf32>
        %add3A_425 = arith.addf %mul3A_418, %mul3A_424 : vector<16xf32>
        %mul3A_426 = arith.constant 9.990000e-01 : f32
        %mul3A_427 = vector.broadcast %mul3A_426 : f32 to vector<16xf32>
        %mul3A_428 = arith.mulf %mul3A_427, %cond3A_395#5 : vector<16xf32>
        %get3A_429 = arith.index_cast %while3A_380 : i32 to index
        %get3A_430 = arith.constant 48 : index
        %get3A_431 = tpu.vector_load %arg17[%get3A_429, %get3A_430] {strides = array<i32>} : memref<256x128xf32, #tpu.memory_space<vmem>>, vector<16xf32>,
        %mul3A_432 = arith.constant 1.000000e-03 : f32
        %mul3A_433 = vector.broadcast %mul3A_432 : f32 to vector<16xf32>
        %mul3A_434 = arith.mulf %mul3A_433, %get3A_431 : vector<16xf32>
        %add3A_435 = arith.addf %mul3A_428, %mul3A_434 : vector<16xf32>
        %mul3A_436 = arith.constant 9.990000e-01 : f32
        %mul3A_437 = vector.broadcast %mul3A_436 : f32 to vector<16xf32>
        %mul3A_438 = arith.mulf %mul3A_437, %cond3A_395#6 : vector<16xf32>
        %get3A_439 = arith.index_cast %while3A_380 : i32 to index
        %get3A_440 = arith.constant 64 : index
        %get3A_441 = tpu.vector_load %arg17[%get3A_439, %get3A_440] {strides = array<i32>} : memref<256x128xf32, #tpu.memory_space<vmem>>, vector<16xf32>,
        %mul3A_442 = arith.constant 1.000000e-03 : f32
        %mul3A_443 = vector.broadcast %mul3A_442 : f32 to vector<16xf32>
        %mul3A_444 = arith.mulf %mul3A_443, %get3A_441 : vector<16xf32>
        %add3A_445 = arith.addf %mul3A_438, %mul3A_444 : vector<16xf32>
        %mul3A_446 = arith.constant 9.990000e-01 : f32
        %mul3A_447 = vector.broadcast %mul3A_446 : f32 to vector<16xf32>
        %mul3A_448 = arith.mulf %mul3A_447, %cond3A_395#7 : vector<16xf32>
        %get3A_449 = arith.index_cast %while3A_380 : i32 to index
        %get3A_450 = arith.constant 80 : index
        %get3A_451 = tpu.vector_load %arg17[%get3A_449, %get3A_450] {strides = array<i32>} : memref<256x128xf32, #tpu.memory_space<vmem>>, vector<16xf32>,
        %mul3A_452 = arith.constant 1.000000e-03 : f32
        %mul3A_453 = vector.broadcast %mul3A_452 : f32 to vector<16xf32>
        %mul3A_454 = arith.mulf %mul3A_453, %get3A_451 : vector<16xf32>
        %add3A_455 = arith.addf %mul3A_448, %mul3A_454 : vector<16xf32>
        %mul3A_456 = arith.constant 9.990000e-01 : f32
        %mul3A_457 = vector.broadcast %mul3A_456 : f32 to vector<16xf32>
        %mul3A_458 = arith.mulf %mul3A_457, %cond3A_395#8 : vector<16xf32>
        %get3A_459 = arith.index_cast %while3A_380 : i32 to index
        %get3A_460 = arith.constant 96 : index
        %get3A_461 = tpu.vector_load %arg17[%get3A_459, %get3A_460] {strides = array<i32>} : memref<256x128xf32, #tpu.memory_space<vmem>>, vector<16xf32>,
        %mul3A_462 = arith.constant 1.000000e-03 : f32
        %mul3A_463 = vector.broadcast %mul3A_462 : f32 to vector<16xf32>
        %mul3A_464 = arith.mulf %mul3A_463, %get3A_461 : vector<16xf32>
        %add3A_465 = arith.addf %mul3A_458, %mul3A_464 : vector<16xf32>
        %mul3A_466 = arith.constant 9.990000e-01 : f32
        %mul3A_467 = vector.broadcast %mul3A_466 : f32 to vector<16xf32>
        %mul3A_468 = arith.mulf %mul3A_467, %cond3A_395#9 : vector<16xf32>
        %get3A_469 = arith.index_cast %while3A_380 : i32 to index
        %get3A_470 = arith.constant 112 : index
        %get3A_471 = tpu.vector_load %arg17[%get3A_469, %get3A_470] {strides = array<i32>} : memref<256x128xf32, #tpu.memory_space<vmem>>, vector<16xf32>,
        %mul3A_472 = arith.constant 1.000000e-03 : f32
        %mul3A_473 = vector.broadcast %mul3A_472 : f32 to vector<16xf32>
        %mul3A_474 = arith.mulf %mul3A_473, %get3A_471 : vector<16xf32>
        %add3A_475 = arith.addf %mul3A_468, %mul3A_474 : vector<16xf32>
        %mul3A_476 = arith.mulf %add3A_405, %add3A_405 : vector<16xf32>
        %mul3A_477 = arith.mulf %add3A_415, %add3A_415 : vector<16xf32>
        %add3A_478 = arith.addf %mul3A_476, %mul3A_477 : vector<16xf32>
        %mul3A_479 = arith.mulf %add3A_425, %add3A_425 : vector<16xf32>
        %mul3A_480 = arith.mulf %add3A_435, %add3A_435 : vector<16xf32>
        %add3A_481 = arith.addf %mul3A_479, %mul3A_480 : vector<16xf32>
        %mul3A_482 = arith.mulf %add3A_445, %add3A_445 : vector<16xf32>
        %mul3A_483 = arith.mulf %add3A_455, %add3A_455 : vector<16xf32>
        %add3A_484 = arith.addf %mul3A_482, %mul3A_483 : vector<16xf32>
        %mul3A_485 = arith.mulf %add3A_465, %add3A_465 : vector<16xf32>
        %mul3A_486 = arith.mulf %add3A_475, %add3A_475 : vector<16xf32>
        %add3A_487 = arith.addf %mul3A_485, %mul3A_486 : vector<16xf32>
        %add3A_488 = arith.addf %add3A_478, %add3A_481 : vector<16xf32>
        %add3A_489 = arith.addf %add3A_484, %add3A_487 : vector<16xf32>
        %add3A_490 = arith.addf %add3A_488, %add3A_489 : vector<16xf32>
        %broadcast_in_dim3A_491 = arith.constant true
        %broadcast_in_dim3A_492 = vector.broadcast %broadcast_in_dim3A_491 : i1 to vector<16xi1>
        %masked_cumsum3A = tpu.scan <sum>, %add3A_490 masked %broadcast_in_dim3A_492 : vector<16xf32>, vector<16xi1> -> vector<16xf32>
        %slice3A_493 = vector.extract_strided_slice %masked_cumsum3A {offsets = [15], sizes = [1], strides = [1]} : vector<16xf32> to vector<1xf32>
        %squeeze3A_494 = vector.extract %slice3A_493[0] : f32 from vector<1xf32>
        %broadcast_in_dim3A_495 = vector.broadcast %squeeze3A_494 : f32 to vector<16xf32>
        %max3A_496 = arith.constant 1.000000e-24 : f32
        %max3A_497 = vector.broadcast %max3A_496 : f32 to vector<16xf32>
        %max3A_498 = arith.maximumf %broadcast_in_dim3A_495, %max3A_497 : vector<16xf32>
        %bitcast3A = vector.bitcast %max3A_498 : vector<16xf32> to vector<16xi32>
        %shift_right_arithmetic3A = arith.constant 1 : i32
        %shift_right_arithmetic3A_499 = vector.broadcast %shift_right_arithmetic3A : i32 to vector<16xi32>
        %shift_right_arithmetic3A_500 = arith.shrsi %bitcast3A, %shift_right_arithmetic3A_499 : vector<16xi32>
        %sub3A_501 = arith.constant 1597463007 : i32
        %sub3A_502 = vector.broadcast %sub3A_501 : i32 to vector<16xi32>
        %sub3A_503 = arith.subi %sub3A_502, %shift_right_arithmetic3A_500 : vector<16xi32>
        %bitcast3A_504 = vector.bitcast %sub3A_503 : vector<16xi32> to vector<16xf32>
        %mul3A_505 = arith.constant 5.000000e-01 : f32
        %mul3A_506 = vector.broadcast %mul3A_505 : f32 to vector<16xf32>
        %mul3A_507 = arith.mulf %mul3A_506, %max3A_498 : vector<16xf32>
        %mul3A_508 = arith.mulf %mul3A_507, %bitcast3A_504 : vector<16xf32>
        %mul3A_509 = arith.mulf %mul3A_508, %bitcast3A_504 : vector<16xf32>
        %sub3A_510 = arith.constant 1.500000e+00 : f32
        %sub3A_511 = vector.broadcast %sub3A_510 : f32 to vector<16xf32>
        %sub3A_512 = arith.subf %sub3A_511, %mul3A_509 : vector<16xf32>
        %mul3A_513 = arith.mulf %bitcast3A_504, %sub3A_512 : vector<16xf32>
        %mul3A_514 = arith.mulf %mul3A_507, %mul3A_513 : vector<16xf32>
        %mul3A_515 = arith.mulf %mul3A_514, %mul3A_513 : vector<16xf32>
        %sub3A_516 = arith.constant 1.500000e+00 : f32
        %sub3A_517 = vector.broadcast %sub3A_516 : f32 to vector<16xf32>
        %sub3A_518 = arith.subf %sub3A_517, %mul3A_515 : vector<16xf32>
        %mul3A_519 = arith.mulf %mul3A_513, %sub3A_518 : vector<16xf32>
        %mul3A_520 = arith.mulf %add3A_405, %mul3A_519 : vector<16xf32>
        %mul3A_521 = arith.mulf %add3A_415, %mul3A_519 : vector<16xf32>
        %mul3A_522 = arith.mulf %add3A_425, %mul3A_519 : vector<16xf32>
        %mul3A_523 = arith.mulf %add3A_435, %mul3A_519 : vector<16xf32>
        %mul3A_524 = arith.mulf %add3A_445, %mul3A_519 : vector<16xf32>
        %mul3A_525 = arith.mulf %add3A_455, %mul3A_519 : vector<16xf32>
        %mul3A_526 = arith.mulf %add3A_465, %mul3A_519 : vector<16xf32>
        %mul3A_527 = arith.mulf %add3A_475, %mul3A_519 : vector<16xf32>
        scf.yield %cond3A_395#0, %cond3A_395#1, %mul3A_520, %mul3A_521, %mul3A_522, %mul3A_523, %mul3A_524, %mul3A_525, %mul3A_526, %mul3A_527 : i32, i32, vector<16xf32>, vector<16xf32>, vector<16xf32>, vector<16xf32>, vector<16xf32>, vector<16xf32>, vector<16xf32>, vector<16xf32>
      }
      %while3A_378 = arith.constant 1 : i32
      %while3A_379:10 = scf.for %while3A_380 = %while3A_375 to %while3A_371 step %while3A_378 iter_args(%while3A_381 = %while3A_377#0, %while3A_382 = %while3A_377#1, %while3A_383 = %while3A_377#2, %while3A_384 = %while3A_377#3, %while3A_385 = %while3A_377#4, %while3A_386 = %while3A_377#5, %while3A_387 = %while3A_377#6, %while3A_388 = %while3A_377#7, %while3A_389 = %while3A_377#8, %while3A_390 = %while3A_377#9) -> (i32, i32, vector<16xf32>, vector<16xf32>, vector<16xf32>, vector<16xf32>, vector<16xf32>, vector<16xf32>, vector<16xf32>, vector<16xf32>)  : i32 {
        %add3A_391 = arith.addi %add3A_363, %while3A_380 : i32
        %ge3A = arith.cmpi sge, %add3A_391, %while3A_382 : i32
        %convert_element_type3A_392 = arith.extui %ge3A : i1 to i32
        %cond3A_393 = arith.constant 0 : i32
        %cond3A_394 = arith.cmpi ne, %convert_element_type3A_392, %cond3A_393 : i32
        %cond3A_395:10 = scf.if %cond3A_394 -> (i32, i32, vector<16xf32>, vector<16xf32>, vector<16xf32>, vector<16xf32>, vector<16xf32>, vector<16xf32>, vector<16xf32>, vector<16xf32>) {
          %swap3A_528 = arith.index_cast %while3A_381 : i32 to index
          %swap3A_529 = arith.constant 0 : index
          %swap3A_530 = tpu.vector_load %arg6[%swap3A_528, %swap3A_529] {strides = array<i32>} : memref<32x128xf32, #tpu.memory_space<vmem>>, vector<16xf32>,
          tpu.vector_store %arg6[%swap3A_528, %swap3A_529], %while3A_383 {strides = array<i32>} : memref<32x128xf32, #tpu.memory_space<vmem>>, vector<16xf32>,
          %swap3A_531 = arith.index_cast %while3A_381 : i32 to index
          %swap3A_532 = arith.constant 16 : index
          %swap3A_533 = tpu.vector_load %arg6[%swap3A_531, %swap3A_532] {strides = array<i32>} : memref<32x128xf32, #tpu.memory_space<vmem>>, vector<16xf32>,
          tpu.vector_store %arg6[%swap3A_531, %swap3A_532], %while3A_384 {strides = array<i32>} : memref<32x128xf32, #tpu.memory_space<vmem>>, vector<16xf32>,
          %swap3A_534 = arith.index_cast %while3A_381 : i32 to index
          %swap3A_535 = arith.constant 32 : index
          %swap3A_536 = tpu.vector_load %arg6[%swap3A_534, %swap3A_535] {strides = array<i32>} : memref<32x128xf32, #tpu.memory_space<vmem>>, vector<16xf32>,
          tpu.vector_store %arg6[%swap3A_534, %swap3A_535], %while3A_385 {strides = array<i32>} : memref<32x128xf32, #tpu.memory_space<vmem>>, vector<16xf32>,
          %swap3A_537 = arith.index_cast %while3A_381 : i32 to index
          %swap3A_538 = arith.constant 48 : index
          %swap3A_539 = tpu.vector_load %arg6[%swap3A_537, %swap3A_538] {strides = array<i32>} : memref<32x128xf32, #tpu.memory_space<vmem>>, vector<16xf32>,
          tpu.vector_store %arg6[%swap3A_537, %swap3A_538], %while3A_386 {strides = array<i32>} : memref<32x128xf32, #tpu.memory_space<vmem>>, vector<16xf32>,
          %swap3A_540 = arith.index_cast %while3A_381 : i32 to index
          %swap3A_541 = arith.constant 64 : index
          %swap3A_542 = tpu.vector_load %arg6[%swap3A_540, %swap3A_541] {strides = array<i32>} : memref<32x128xf32, #tpu.memory_space<vmem>>, vector<16xf32>,
          tpu.vector_store %arg6[%swap3A_540, %swap3A_541], %while3A_387 {strides = array<i32>} : memref<32x128xf32, #tpu.memory_space<vmem>>, vector<16xf32>,
          %swap3A_543 = arith.index_cast %while3A_381 : i32 to index
          %swap3A_544 = arith.constant 80 : index
          %swap3A_545 = tpu.vector_load %arg6[%swap3A_543, %swap3A_544] {strides = array<i32>} : memref<32x128xf32, #tpu.memory_space<vmem>>, vector<16xf32>,
          tpu.vector_store %arg6[%swap3A_543, %swap3A_544], %while3A_388 {strides = array<i32>} : memref<32x128xf32, #tpu.memory_space<vmem>>, vector<16xf32>,
          %swap3A_546 = arith.index_cast %while3A_381 : i32 to index
          %swap3A_547 = arith.constant 96 : index
          %swap3A_548 = tpu.vector_load %arg6[%swap3A_546, %swap3A_547] {strides = array<i32>} : memref<32x128xf32, #tpu.memory_space<vmem>>, vector<16xf32>,
          tpu.vector_store %arg6[%swap3A_546, %swap3A_547], %while3A_389 {strides = array<i32>} : memref<32x128xf32, #tpu.memory_space<vmem>>, vector<16xf32>,
          %swap3A_549 = arith.index_cast %while3A_381 : i32 to index
          %swap3A_550 = arith.constant 112 : index
          %swap3A_551 = tpu.vector_load %arg6[%swap3A_549, %swap3A_550] {strides = array<i32>} : memref<32x128xf32, #tpu.memory_space<vmem>>, vector<16xf32>,
          tpu.vector_store %arg6[%swap3A_549, %swap3A_550], %while3A_390 {strides = array<i32>} : memref<32x128xf32, #tpu.memory_space<vmem>>, vector<16xf32>,
          %while3A_552 = scf.while (%while3A_584 = %while3A_381) : (i32) -> i32 {
            %add3A_585 = arith.constant 1 : i32
            %add3A_586 = arith.addi %while3A_584, %add3A_585 : i32
            %add3A_587 = arith.addi %mul3A_2, %add3A_586 : i32
            %get3A_588 = arith.index_cast %add3A_587 : i32 to index
            %get3A_589 = tpu.vector_load %arg10[%get3A_588] {strides = array<i32>} : memref<1088xi32, #tpu.memory_space<vmem>>, vector<16xi32>,
            %slice3A_590 = vector.extract_strided_slice %get3A_589 {offsets = [0], sizes = [1], strides = [1]} : vector<16xi32> to vector<1xi32>
            %squeeze3A_591 = vector.extract %slice3A_590[0] : i32 from vector<1xi32>
            %le3A = arith.cmpi sle, %squeeze3A_591, %add3A_391 : i32
            scf.condition(%le3A) %while3A_584 : i32
          } do {
          ^bb0(%while3A_584: i32):
            %add3A_585 = arith.constant 1 : i32
            %add3A_586 = arith.addi %while3A_584, %add3A_585 : i32
            scf.yield %add3A_586 : i32
          }
          %add3A_553 = arith.constant 1 : i32
          %add3A_554 = arith.addi %while3A_552, %add3A_553 : i32
          %add3A_555 = arith.addi %mul3A_2, %add3A_554 : i32
          %get3A_556 = arith.index_cast %add3A_555 : i32 to index
          %get3A_557 = tpu.vector_load %arg10[%get3A_556] {strides = array<i32>} : memref<1088xi32, #tpu.memory_space<vmem>>, vector<16xi32>,
          %slice3A_558 = vector.extract_strided_slice %get3A_557 {offsets = [0], sizes = [1], strides = [1]} : vector<16xi32> to vector<1xi32>
          %squeeze3A_559 = vector.extract %slice3A_558[0] : i32 from vector<1xi32>
          %get3A_560 = arith.index_cast %while3A_552 : i32 to index
          %get3A_561 = arith.constant 0 : index
          %get3A_562 = tpu.vector_load %arg6[%get3A_560, %get3A_561] {strides = array<i32>} : memref<32x128xf32, #tpu.memory_space<vmem>>, vector<16xf32>,
          %get3A_563 = arith.index_cast %while3A_552 : i32 to index
          %get3A_564 = arith.constant 16 : index
          %get3A_565 = tpu.vector_load %arg6[%get3A_563, %get3A_564] {strides = array<i32>} : memref<32x128xf32, #tpu.memory_space<vmem>>, vector<16xf32>,
          %get3A_566 = arith.index_cast %while3A_552 : i32 to index
          %get3A_567 = arith.constant 32 : index
          %get3A_568 = tpu.vector_load %arg6[%get3A_566, %get3A_567] {strides = array<i32>} : memref<32x128xf32, #tpu.memory_space<vmem>>, vector<16xf32>,
          %get3A_569 = arith.index_cast %while3A_552 : i32 to index
          %get3A_570 = arith.constant 48 : index
          %get3A_571 = tpu.vector_load %arg6[%get3A_569, %get3A_570] {strides = array<i32>} : memref<32x128xf32, #tpu.memory_space<vmem>>, vector<16xf32>,
          %get3A_572 = arith.index_cast %while3A_552 : i32 to index
          %get3A_573 = arith.constant 64 : index
          %get3A_574 = tpu.vector_load %arg6[%get3A_572, %get3A_573] {strides = array<i32>} : memref<32x128xf32, #tpu.memory_space<vmem>>, vector<16xf32>,
          %get3A_575 = arith.index_cast %while3A_552 : i32 to index
          %get3A_576 = arith.constant 80 : index
          %get3A_577 = tpu.vector_load %arg6[%get3A_575, %get3A_576] {strides = array<i32>} : memref<32x128xf32, #tpu.memory_space<vmem>>, vector<16xf32>,
          %get3A_578 = arith.index_cast %while3A_552 : i32 to index
          %get3A_579 = arith.constant 96 : index
          %get3A_580 = tpu.vector_load %arg6[%get3A_578, %get3A_579] {strides = array<i32>} : memref<32x128xf32, #tpu.memory_space<vmem>>, vector<16xf32>,
          %get3A_581 = arith.index_cast %while3A_552 : i32 to index
          %get3A_582 = arith.constant 112 : index
          %get3A_583 = tpu.vector_load %arg6[%get3A_581, %get3A_582] {strides = array<i32>} : memref<32x128xf32, #tpu.memory_space<vmem>>, vector<16xf32>,
          scf.yield %while3A_552, %squeeze3A_559, %get3A_562, %get3A_565, %get3A_568, %get3A_571, %get3A_574, %get3A_577, %get3A_580, %get3A_583 : i32, i32, vector<16xf32>, vector<16xf32>, vector<16xf32>, vector<16xf32>, vector<16xf32>, vector<16xf32>, vector<16xf32>, vector<16xf32>
        } else {
          scf.yield %while3A_381, %while3A_382, %while3A_383, %while3A_384, %while3A_385, %while3A_386, %while3A_387, %while3A_388, %while3A_389, %while3A_390 : i32, i32, vector<16xf32>, vector<16xf32>, vector<16xf32>, vector<16xf32>, vector<16xf32>, vector<16xf32>, vector<16xf32>, vector<16xf32>
        }
        %mul3A_396 = arith.constant 9.990000e-01 : f32
        %mul3A_397 = vector.broadcast %mul3A_396 : f32 to vector<16xf32>
        %mul3A_398 = arith.mulf %mul3A_397, %cond3A_395#2 : vector<16xf32>
        %get3A_399 = arith.index_cast %while3A_380 : i32 to index
        %get3A_400 = arith.constant 0 : index
        %get3A_401 = tpu.vector_load %arg17[%get3A_399, %get3A_400] {strides = array<i32>} : memref<256x128xf32, #tpu.memory_space<vmem>>, vector<16xf32>,
        %mul3A_402 = arith.constant 1.000000e-03 : f32
        %mul3A_403 = vector.broadcast %mul3A_402 : f32 to vector<16xf32>
        %mul3A_404 = arith.mulf %mul3A_403, %get3A_401 : vector<16xf32>
        %add3A_405 = arith.addf %mul3A_398, %mul3A_404 : vector<16xf32>
        %mul3A_406 = arith.constant 9.990000e-01 : f32
        %mul3A_407 = vector.broadcast %mul3A_406 : f32 to vector<16xf32>
        %mul3A_408 = arith.mulf %mul3A_407, %cond3A_395#3 : vector<16xf32>
        %get3A_409 = arith.index_cast %while3A_380 : i32 to index
        %get3A_410 = arith.constant 16 : index
        %get3A_411 = tpu.vector_load %arg17[%get3A_409, %get3A_410] {strides = array<i32>} : memref<256x128xf32, #tpu.memory_space<vmem>>, vector<16xf32>,
        %mul3A_412 = arith.constant 1.000000e-03 : f32
        %mul3A_413 = vector.broadcast %mul3A_412 : f32 to vector<16xf32>
        %mul3A_414 = arith.mulf %mul3A_413, %get3A_411 : vector<16xf32>
        %add3A_415 = arith.addf %mul3A_408, %mul3A_414 : vector<16xf32>
        %mul3A_416 = arith.constant 9.990000e-01 : f32
        %mul3A_417 = vector.broadcast %mul3A_416 : f32 to vector<16xf32>
        %mul3A_418 = arith.mulf %mul3A_417, %cond3A_395#4 : vector<16xf32>
        %get3A_419 = arith.index_cast %while3A_380 : i32 to index
        %get3A_420 = arith.constant 32 : index
        %get3A_421 = tpu.vector_load %arg17[%get3A_419, %get3A_420] {strides = array<i32>} : memref<256x128xf32, #tpu.memory_space<vmem>>, vector<16xf32>,
        %mul3A_422 = arith.constant 1.000000e-03 : f32
        %mul3A_423 = vector.broadcast %mul3A_422 : f32 to vector<16xf32>
        %mul3A_424 = arith.mulf %mul3A_423, %get3A_421 : vector<16xf32>
        %add3A_425 = arith.addf %mul3A_418, %mul3A_424 : vector<16xf32>
        %mul3A_426 = arith.constant 9.990000e-01 : f32
        %mul3A_427 = vector.broadcast %mul3A_426 : f32 to vector<16xf32>
        %mul3A_428 = arith.mulf %mul3A_427, %cond3A_395#5 : vector<16xf32>
        %get3A_429 = arith.index_cast %while3A_380 : i32 to index
        %get3A_430 = arith.constant 48 : index
        %get3A_431 = tpu.vector_load %arg17[%get3A_429, %get3A_430] {strides = array<i32>} : memref<256x128xf32, #tpu.memory_space<vmem>>, vector<16xf32>,
        %mul3A_432 = arith.constant 1.000000e-03 : f32
        %mul3A_433 = vector.broadcast %mul3A_432 : f32 to vector<16xf32>
        %mul3A_434 = arith.mulf %mul3A_433, %get3A_431 : vector<16xf32>
        %add3A_435 = arith.addf %mul3A_428, %mul3A_434 : vector<16xf32>
        %mul3A_436 = arith.constant 9.990000e-01 : f32
        %mul3A_437 = vector.broadcast %mul3A_436 : f32 to vector<16xf32>
        %mul3A_438 = arith.mulf %mul3A_437, %cond3A_395#6 : vector<16xf32>
        %get3A_439 = arith.index_cast %while3A_380 : i32 to index
        %get3A_440 = arith.constant 64 : index
        %get3A_441 = tpu.vector_load %arg17[%get3A_439, %get3A_440] {strides = array<i32>} : memref<256x128xf32, #tpu.memory_space<vmem>>, vector<16xf32>,
        %mul3A_442 = arith.constant 1.000000e-03 : f32
        %mul3A_443 = vector.broadcast %mul3A_442 : f32 to vector<16xf32>
        %mul3A_444 = arith.mulf %mul3A_443, %get3A_441 : vector<16xf32>
        %add3A_445 = arith.addf %mul3A_438, %mul3A_444 : vector<16xf32>
        %mul3A_446 = arith.constant 9.990000e-01 : f32
        %mul3A_447 = vector.broadcast %mul3A_446 : f32 to vector<16xf32>
        %mul3A_448 = arith.mulf %mul3A_447, %cond3A_395#7 : vector<16xf32>
        %get3A_449 = arith.index_cast %while3A_380 : i32 to index
        %get3A_450 = arith.constant 80 : index
        %get3A_451 = tpu.vector_load %arg17[%get3A_449, %get3A_450] {strides = array<i32>} : memref<256x128xf32, #tpu.memory_space<vmem>>, vector<16xf32>,
        %mul3A_452 = arith.constant 1.000000e-03 : f32
        %mul3A_453 = vector.broadcast %mul3A_452 : f32 to vector<16xf32>
        %mul3A_454 = arith.mulf %mul3A_453, %get3A_451 : vector<16xf32>
        %add3A_455 = arith.addf %mul3A_448, %mul3A_454 : vector<16xf32>
        %mul3A_456 = arith.constant 9.990000e-01 : f32
        %mul3A_457 = vector.broadcast %mul3A_456 : f32 to vector<16xf32>
        %mul3A_458 = arith.mulf %mul3A_457, %cond3A_395#8 : vector<16xf32>
        %get3A_459 = arith.index_cast %while3A_380 : i32 to index
        %get3A_460 = arith.constant 96 : index
        %get3A_461 = tpu.vector_load %arg17[%get3A_459, %get3A_460] {strides = array<i32>} : memref<256x128xf32, #tpu.memory_space<vmem>>, vector<16xf32>,
        %mul3A_462 = arith.constant 1.000000e-03 : f32
        %mul3A_463 = vector.broadcast %mul3A_462 : f32 to vector<16xf32>
        %mul3A_464 = arith.mulf %mul3A_463, %get3A_461 : vector<16xf32>
        %add3A_465 = arith.addf %mul3A_458, %mul3A_464 : vector<16xf32>
        %mul3A_466 = arith.constant 9.990000e-01 : f32
        %mul3A_467 = vector.broadcast %mul3A_466 : f32 to vector<16xf32>
        %mul3A_468 = arith.mulf %mul3A_467, %cond3A_395#9 : vector<16xf32>
        %get3A_469 = arith.index_cast %while3A_380 : i32 to index
        %get3A_470 = arith.constant 112 : index
        %get3A_471 = tpu.vector_load %arg17[%get3A_469, %get3A_470] {strides = array<i32>} : memref<256x128xf32, #tpu.memory_space<vmem>>, vector<16xf32>,
        %mul3A_472 = arith.constant 1.000000e-03 : f32
        %mul3A_473 = vector.broadcast %mul3A_472 : f32 to vector<16xf32>
        %mul3A_474 = arith.mulf %mul3A_473, %get3A_471 : vector<16xf32>
        %add3A_475 = arith.addf %mul3A_468, %mul3A_474 : vector<16xf32>
        %mul3A_476 = arith.mulf %add3A_405, %add3A_405 : vector<16xf32>
        %mul3A_477 = arith.mulf %add3A_415, %add3A_415 : vector<16xf32>
        %add3A_478 = arith.addf %mul3A_476, %mul3A_477 : vector<16xf32>
        %mul3A_479 = arith.mulf %add3A_425, %add3A_425 : vector<16xf32>
        %mul3A_480 = arith.mulf %add3A_435, %add3A_435 : vector<16xf32>
        %add3A_481 = arith.addf %mul3A_479, %mul3A_480 : vector<16xf32>
        %mul3A_482 = arith.mulf %add3A_445, %add3A_445 : vector<16xf32>
        %mul3A_483 = arith.mulf %add3A_455, %add3A_455 : vector<16xf32>
        %add3A_484 = arith.addf %mul3A_482, %mul3A_483 : vector<16xf32>
        %mul3A_485 = arith.mulf %add3A_465, %add3A_465 : vector<16xf32>
        %mul3A_486 = arith.mulf %add3A_475, %add3A_475 : vector<16xf32>
        %add3A_487 = arith.addf %mul3A_485, %mul3A_486 : vector<16xf32>
        %add3A_488 = arith.addf %add3A_478, %add3A_481 : vector<16xf32>
        %add3A_489 = arith.addf %add3A_484, %add3A_487 : vector<16xf32>
        %add3A_490 = arith.addf %add3A_488, %add3A_489 : vector<16xf32>
        %broadcast_in_dim3A_491 = arith.constant true
        %broadcast_in_dim3A_492 = vector.broadcast %broadcast_in_dim3A_491 : i1 to vector<16xi1>
        %masked_cumsum3A = tpu.scan <sum>, %add3A_490 masked %broadcast_in_dim3A_492 : vector<16xf32>, vector<16xi1> -> vector<16xf32>
        %slice3A_493 = vector.extract_strided_slice %masked_cumsum3A {offsets = [15], sizes = [1], strides = [1]} : vector<16xf32> to vector<1xf32>
        %squeeze3A_494 = vector.extract %slice3A_493[0] : f32 from vector<1xf32>
        %broadcast_in_dim3A_495 = vector.broadcast %squeeze3A_494 : f32 to vector<16xf32>
        %max3A_496 = arith.constant 1.000000e-24 : f32
        %max3A_497 = vector.broadcast %max3A_496 : f32 to vector<16xf32>
        %max3A_498 = arith.maximumf %broadcast_in_dim3A_495, %max3A_497 : vector<16xf32>
        %bitcast3A = vector.bitcast %max3A_498 : vector<16xf32> to vector<16xi32>
        %shift_right_arithmetic3A = arith.constant 1 : i32
        %shift_right_arithmetic3A_499 = vector.broadcast %shift_right_arithmetic3A : i32 to vector<16xi32>
        %shift_right_arithmetic3A_500 = arith.shrsi %bitcast3A, %shift_right_arithmetic3A_499 : vector<16xi32>
        %sub3A_501 = arith.constant 1597463007 : i32
        %sub3A_502 = vector.broadcast %sub3A_501 : i32 to vector<16xi32>
        %sub3A_503 = arith.subi %sub3A_502, %shift_right_arithmetic3A_500 : vector<16xi32>
        %bitcast3A_504 = vector.bitcast %sub3A_503 : vector<16xi32> to vector<16xf32>
        %mul3A_505 = arith.constant 5.000000e-01 : f32
        %mul3A_506 = vector.broadcast %mul3A_505 : f32 to vector<16xf32>
        %mul3A_507 = arith.mulf %mul3A_506, %max3A_498 : vector<16xf32>
        %mul3A_508 = arith.mulf %mul3A_507, %bitcast3A_504 : vector<16xf32>
        %mul3A_509 = arith.mulf %mul3A_508, %bitcast3A_504 : vector<16xf32>
        %sub3A_510 = arith.constant 1.500000e+00 : f32
        %sub3A_511 = vector.broadcast %sub3A_510 : f32 to vector<16xf32>
        %sub3A_512 = arith.subf %sub3A_511, %mul3A_509 : vector<16xf32>
        %mul3A_513 = arith.mulf %bitcast3A_504, %sub3A_512 : vector<16xf32>
        %mul3A_514 = arith.mulf %mul3A_507, %mul3A_513 : vector<16xf32>
        %mul3A_515 = arith.mulf %mul3A_514, %mul3A_513 : vector<16xf32>
        %sub3A_516 = arith.constant 1.500000e+00 : f32
        %sub3A_517 = vector.broadcast %sub3A_516 : f32 to vector<16xf32>
        %sub3A_518 = arith.subf %sub3A_517, %mul3A_515 : vector<16xf32>
        %mul3A_519 = arith.mulf %mul3A_513, %sub3A_518 : vector<16xf32>
        %mul3A_520 = arith.mulf %add3A_405, %mul3A_519 : vector<16xf32>
        %mul3A_521 = arith.mulf %add3A_415, %mul3A_519 : vector<16xf32>
        %mul3A_522 = arith.mulf %add3A_425, %mul3A_519 : vector<16xf32>
        %mul3A_523 = arith.mulf %add3A_435, %mul3A_519 : vector<16xf32>
        %mul3A_524 = arith.mulf %add3A_445, %mul3A_519 : vector<16xf32>
        %mul3A_525 = arith.mulf %add3A_455, %mul3A_519 : vector<16xf32>
        %mul3A_526 = arith.mulf %add3A_465, %mul3A_519 : vector<16xf32>
        %mul3A_527 = arith.mulf %add3A_475, %mul3A_519 : vector<16xf32>
        scf.yield %cond3A_395#0, %cond3A_395#1, %mul3A_520, %mul3A_521, %mul3A_522, %mul3A_523, %mul3A_524, %mul3A_525, %mul3A_526, %mul3A_527 : i32, i32, vector<16xf32>, vector<16xf32>, vector<16xf32>, vector<16xf32>, vector<16xf32>, vector<16xf32>, vector<16xf32>, vector<16xf32>
      }
      scf.yield %while3A_379#0, %while3A_379#1, %while3A_379#2, %while3A_379#3, %while3A_379#4, %while3A_379#5, %while3A_379#6, %while3A_379#7, %while3A_379#8, %while3A_379#9 : i32, i32, vector<16xf32>, vector<16xf32>, vector<16xf32>, vector<16xf32>, vector<16xf32>, vector<16xf32>, vector<16xf32>, vector<16xf32>
    }
    %gt3A_291 = arith.cmpi sgt, %squeeze3A_229, %squeeze3A : i32
    %convert_element_type3A_292 = arith.extui %gt3A_291 : i1 to i32
    %cond3A_293 = arith.constant 0 : i32
    %cond3A_294 = arith.cmpi ne, %convert_element_type3A_292, %cond3A_293 : i32
    scf.if %cond3A_294 {
      %swap3A_295 = arith.index_cast %while3A_290#0 : i32 to index
      %swap3A_296 = arith.constant 0 : index
      %swap3A_297 = tpu.vector_load %arg6[%swap3A_295, %swap3A_296] {strides = array<i32>} : memref<32x128xf32, #tpu.memory_space<vmem>>, vector<16xf32>,
      tpu.vector_store %arg6[%swap3A_295, %swap3A_296], %while3A_290#2 {strides = array<i32>} : memref<32x128xf32, #tpu.memory_space<vmem>>, vector<16xf32>,
      %swap3A_298 = arith.index_cast %while3A_290#0 : i32 to index
      %swap3A_299 = arith.constant 16 : index
      %swap3A_300 = tpu.vector_load %arg6[%swap3A_298, %swap3A_299] {strides = array<i32>} : memref<32x128xf32, #tpu.memory_space<vmem>>, vector<16xf32>,
      tpu.vector_store %arg6[%swap3A_298, %swap3A_299], %while3A_290#3 {strides = array<i32>} : memref<32x128xf32, #tpu.memory_space<vmem>>, vector<16xf32>,
      %swap3A_301 = arith.index_cast %while3A_290#0 : i32 to index
      %swap3A_302 = arith.constant 32 : index
      %swap3A_303 = tpu.vector_load %arg6[%swap3A_301, %swap3A_302] {strides = array<i32>} : memref<32x128xf32, #tpu.memory_space<vmem>>, vector<16xf32>,
      tpu.vector_store %arg6[%swap3A_301, %swap3A_302], %while3A_290#4 {strides = array<i32>} : memref<32x128xf32, #tpu.memory_space<vmem>>, vector<16xf32>,
      %swap3A_304 = arith.index_cast %while3A_290#0 : i32 to index
      %swap3A_305 = arith.constant 48 : index
      %swap3A_306 = tpu.vector_load %arg6[%swap3A_304, %swap3A_305] {strides = array<i32>} : memref<32x128xf32, #tpu.memory_space<vmem>>, vector<16xf32>,
      tpu.vector_store %arg6[%swap3A_304, %swap3A_305], %while3A_290#5 {strides = array<i32>} : memref<32x128xf32, #tpu.memory_space<vmem>>, vector<16xf32>,
      %swap3A_307 = arith.index_cast %while3A_290#0 : i32 to index
      %swap3A_308 = arith.constant 64 : index
      %swap3A_309 = tpu.vector_load %arg6[%swap3A_307, %swap3A_308] {strides = array<i32>} : memref<32x128xf32, #tpu.memory_space<vmem>>, vector<16xf32>,
      tpu.vector_store %arg6[%swap3A_307, %swap3A_308], %while3A_290#6 {strides = array<i32>} : memref<32x128xf32, #tpu.memory_space<vmem>>, vector<16xf32>,
      %swap3A_310 = arith.index_cast %while3A_290#0 : i32 to index
      %swap3A_311 = arith.constant 80 : index
      %swap3A_312 = tpu.vector_load %arg6[%swap3A_310, %swap3A_311] {strides = array<i32>} : memref<32x128xf32, #tpu.memory_space<vmem>>, vector<16xf32>,
      tpu.vector_store %arg6[%swap3A_310, %swap3A_311], %while3A_290#7 {strides = array<i32>} : memref<32x128xf32, #tpu.memory_space<vmem>>, vector<16xf32>,
      %swap3A_313 = arith.index_cast %while3A_290#0 : i32 to index
      %swap3A_314 = arith.constant 96 : index
      %swap3A_315 = tpu.vector_load %arg6[%swap3A_313, %swap3A_314] {strides = array<i32>} : memref<32x128xf32, #tpu.memory_space<vmem>>, vector<16xf32>,
      tpu.vector_store %arg6[%swap3A_313, %swap3A_314], %while3A_290#8 {strides = array<i32>} : memref<32x128xf32, #tpu.memory_space<vmem>>, vector<16xf32>,
      %swap3A_316 = arith.index_cast %while3A_290#0 : i32 to index
      %swap3A_317 = arith.constant 112 : index
      %swap3A_318 = tpu.vector_load %arg6[%swap3A_316, %swap3A_317] {strides = array<i32>} : memref<32x128xf32, #tpu.memory_space<vmem>>, vector<16xf32>,
      tpu.vector_store %arg6[%swap3A_316, %swap3A_317], %while3A_290#9 {strides = array<i32>} : memref<32x128xf32, #tpu.memory_space<vmem>>, vector<16xf32>,
    } else {
    }
    "tpu.region"() ({
      %run_scoped3A = tpu.sem_alloc : memref<!tpu.dma_semaphore, #tpu.memory_space<semaphore_mem>>
      %dma_start3A_295 = arith.constant 0 : i32
      %dma_start3A_296 = tpu.memref_slice %arg5[%mul3A_2, %dma_start3A_295] : memref<1024x128xf32, #tpu.memory_space<hbm>> -> memref<32x128xf32, #tpu.memory_space<hbm>>
      %dma_start3A_297 = arith.constant 0 : i32
      %dma_start3A_298 = tpu.memref_slice %arg5[%mul3A_2, %dma_start3A_297] : memref<1024x128xf32, #tpu.memory_space<hbm>> -> memref<32x128xf32, #tpu.memory_space<hbm>>
      tpu.enqueue_dma source(%arg6 : memref<32x128xf32, #tpu.memory_space<vmem>>) target(%dma_start3A_298 : memref<32x128xf32, #tpu.memory_space<hbm>>) target_semaphore(%run_scoped3A : memref<!tpu.dma_semaphore, #tpu.memory_space<semaphore_mem>>)
      %dma_wait3A_299 = arith.constant 0 : i32
      %dma_wait3A_300 = tpu.memref_slice %arg5[%mul3A_2, %dma_wait3A_299] : memref<1024x128xf32, #tpu.memory_space<hbm>> -> memref<32x128xf32, #tpu.memory_space<hbm>>
      %dma_wait3A_301 = arith.constant 0 : i32
      %dma_wait3A_302 = tpu.memref_slice %arg5[%mul3A_2, %dma_wait3A_301] : memref<1024x128xf32, #tpu.memory_space<hbm>> -> memref<32x128xf32, #tpu.memory_space<hbm>>
      tpu.wait_dma2 semaphore(%run_scoped3A : memref<!tpu.dma_semaphore, #tpu.memory_space<semaphore_mem>>) src(%arg6 : memref<32x128xf32, #tpu.memory_space<vmem>>) dst(%dma_wait3A_302 : memref<32x128xf32, #tpu.memory_space<hbm>>)
      tpu.yield
    }) : () -> ()
    return
  }
}

module attributes {stable_mosaic.version = 14 : i64} {
  func.func @_loss_kernel(%arg0: memref<1024x128xf32, #tpu.memory_space<vmem>>, %arg1: memref<8x128xf32, #tpu.memory_space<vmem>>) attributes {dimension_semantics = [], scalar_prefetch = 0 : i64, scratch_operands = 0 : i64, tpu.core_type = #tpu.core_type<tc>} {
    %get3A = arith.constant 0 : index
    %get3A_0 = arith.constant 0 : index
    %get3A_1 = vector.load %arg0[%get3A, %get3A_0] : memref<1024x128xf32, #tpu.memory_space<vmem>>, vector<1024x128xf32>
    %dot_general3A = arith.constant dense<0.000000e+00> : vector<1024x1024xf32>
    %dot_general3A_2 = tpu.matmul %get3A_1, %get3A_1, %dot_general3A {dimension_numbers = #tpu.dot_dimension_numbers<[1], [1], [0], [0], [0, 0, 1, 0], [], []>, transpose_lhs_hint = false} : vector<1024x128xf32>, vector<1024x128xf32>, vector<1024x1024xf32> -> vector<1024x1024xf32>
    %mul3A = arith.constant 1.000000e+01 : f32
    %mul3A_3 = vector.broadcast %mul3A : f32 to vector<1024x1024xf32>
    %mul3A_4 = arith.mulf %dot_general3A_2, %mul3A_3 : vector<1024x1024xf32>
    %iota3A = tpu.iota {dimensions = array<i32: 0>} : vector<1024x1024xi32>
    %iota3A_5 = tpu.iota {dimensions = array<i32: 1>} : vector<1024x1024xi32>
    %lt3A = arith.constant 1000 : i32
    %lt3A_6 = vector.broadcast %lt3A : i32 to vector<1024x1024xi32>
    %lt3A_7 = arith.cmpi slt, %iota3A_5, %lt3A_6 : vector<1024x1024xi32>
    %ne3A = arith.cmpi ne, %iota3A_5, %iota3A : vector<1024x1024xi32>
    %and3A = arith.andi %lt3A_7, %ne3A : vector<1024x1024xi1>
    %exp3A = math.exp %mul3A_4 : vector<1024x1024xf32>
    %jit3A = arith.constant 0.000000e+00 : f32
    %broadcast_in_dim3A = vector.broadcast %jit3A : f32 to vector<1024x1024xf32>
    %select_n3A = arith.select %and3A, %exp3A, %broadcast_in_dim3A : vector<1024x1024xi1>, vector<1024x1024xf32>
    %reduce_sum3A = arith.constant dense<0.000000e+00> : vector<1024xf32>
    %reduce_sum3A_8 = vector.multi_reduction <add>, %select_n3A, %reduce_sum3A [1] : vector<1024x1024xf32> to vector<1024xf32>
    %div3A = arith.constant 9.990000e+02 : f32
    %div3A_9 = vector.broadcast %div3A : f32 to vector<1024xf32>
    %div3A_10 = arith.divf %reduce_sum3A_8, %div3A_9 : vector<1024xf32>
    %log3A = math.log %div3A_10 : vector<1024xf32>
    %iota3A_11 = tpu.iota {dimensions = array<i32: 0>} : vector<1024x1xi32>
    %lt3A_12 = arith.constant 1000 : i32
    %lt3A_13 = vector.broadcast %lt3A_12 : i32 to vector<1024x1xi32>
    %lt3A_14 = arith.cmpi slt, %iota3A_11, %lt3A_13 : vector<1024x1xi32>
    %squeeze3A = vector.shape_cast %lt3A_14 : vector<1024x1xi1> to vector<1024xi1>
    %jit3A_15 = arith.constant 0.000000e+00 : f32
    %broadcast_in_dim3A_16 = vector.broadcast %jit3A_15 : f32 to vector<1024xf32>
    %select_n3A_17 = arith.select %squeeze3A, %log3A, %broadcast_in_dim3A_16 : vector<1024xi1>, vector<1024xf32>
    %reduce_sum3A_18 = vector.shape_cast %select_n3A_17 : vector<1024xf32> to vector<1x1024xf32>
    %reduce_sum3A_19 = arith.constant dense<0.000000e+00> : vector<1xf32>
    %reduce_sum3A_20 = vector.multi_reduction <add>, %reduce_sum3A_18, %reduce_sum3A_19 [1] : vector<1x1024xf32> to vector<1xf32>
    %reduce_sum3A_21 = vector.shape_cast %reduce_sum3A_20 : vector<1xf32> to vector<1x1xf32>
    %reduce_sum3A_22 = vector.extract %reduce_sum3A_21[0, 0] : f32 from vector<1x1xf32>
    %mul3A_23 = arith.constant 1.000000e+00 : f32
    %mul3A_24 = arith.mulf %mul3A_23, %reduce_sum3A_22 : f32
    %div3A_25 = arith.constant 1.000000e+03 : f32
    %div3A_26 = arith.divf %mul3A_24, %div3A_25 : f32
    %broadcast_in_dim3A_27 = vector.broadcast %div3A_26 : f32 to vector<8x128xf32>
    %swap3A = arith.constant 0 : index
    %swap3A_28 = arith.constant 0 : index
    %swap3A_29 = vector.load %arg1[%swap3A, %swap3A_28] : memref<8x128xf32, #tpu.memory_space<vmem>>, vector<8x128xf32>
    tpu.vector_store %arg1[%swap3A, %swap3A_28], %broadcast_in_dim3A_27 {strides = array<i32>} : memref<8x128xf32, #tpu.memory_space<vmem>>, vector<8x128xf32>,
    return
  }
}

</mosaic_0001>

<sc_bundles>
// kernel: kernel.4.cloned.1.call-start
scs
__scs_entry_jumppad:
0x0: {  	(pc) =	sbr.rel $0x88, $3  }
0x1: {  	(tag) =	ssettag $0x0;
	lr =	simm.s32 $0x1  }
0x2: {  	[smem:$0x3F9E] =	sst lr;
	_ =	strace $0xD0000000  }
0x3: {  	_ = 	snop  }
0x4: {  	_ = 	snop  }
0x5: {  	_ = 	snop  }
0x6: {  	_ = 	snop  }
0x7: {  	_ = 	snop  }
__scs_overlays_trampoline_lowered:
0x8: {  	[smem:$0x3FAD] =	sst s0  }
0x9: {  	[smem:$0x3FAE] =	sst s1  }
0xa: {  	[smem:$0x3FAF] =	sst s2  }
0xb: {  	[smem:$0x3FB0] =	sst s3  }
0xc: {  	[smem:$0x3FB1] =	sst s4  }
0xd: {  	[smem:$0x3FB2] =	sst s5  }
0xe: {  	[smem:$0x3FB3] =	sst s6  }
0xf: {  	[smem:$0x3FB4] =	sst s7  }
0x10: {  	[smem:$0x3FB5] =	sst s8  }
0x11: {  	[smem:$0x3FB6] =	sst s9;
	s0 =	simm.s32 @!p0 $0x0  }
0x12: {  	s1 =	sld [smem:$0x3F9C];
	s0 =	simm.s32 @p0 $0x1  }
0x13: {  	[smem:$0x3FB7] =	sst s0;
	s0 =	simm.s32 @!p1 $0x0  }
0x14: {  	s2 =	sld [smem:$0x3F9B];
	s0 =	simm.s32 @p1 $0x1  }
0x15: {  	[smem:$0x3FB8] =	sst s0;
	s0 =	simm.s32 @!p2 $0x0  }
0x16: {  	s3 =	sld [smem:$0x3FDB];
	s0 =	simm.s32 @p2 $0x1  }
0x17: {  	s4 =	simm.s32 $0x1BF5;
	[smem:$0x3FBA] =	sst s0  }
0x18: {  	s0 =	sld [smem:$0x3F9D];
	_ =	swait.ge [sflag:s4], $0x0  }
0x19: {  	s7 =	sld [smem:$0x3F9E]  }
0x1a: {  	s8 =	sadd.s32 $0xFFFFE003, lr  }
0x1b: {  	s9 =	sadd.s32 $0xFFFFFEF7, lr;
	s5 =	simm.s32 $0xFFFFFFFF;
	p2 =	slt.u32 s8, $0xFFFFF086  }
0x1c: {  	p1 =	slt.u32 s9, $0xF7A;
	s5 =	simm.s32 @!p2 $0x0  }
0x1d: {  	s5 =	simm.s32 @p1 $0x1;
	p0 =	seq.s32 s7, s2  }
0x1e: {  	s7 =	smul.u32 @!p0 $0xF7A, s2;
	p2 =	seq.s32 @!p0 s5, $0x0  }
0x1f: {  	s9 =	smul.u32 $0xF7A, s1;
	s8 =	simm.s32 @!p0 $0x1BF5;
	p2 =	por !p2, p0  }
0x20: {  	[sflag:s8] =	ssyncset.s32 @!p0 $0xFFFFF086;
	s6 =	sadd.s32 @!p0 s3, s7;
	s7 =	simm.s32 @!p0 $0x108  }
0x21: {  	s3 =	sadd.s32 s3, s9;
	s6 =	sadd.s32 @!p0 $0x88, s6;
	s7 =	simm.s32 @p2 $0x1082  }
0x22: {  	[simem:s7], [sflag:s8] =	dma.local @!p0 [hbm:s6], $0xF7A  }
0x23: {  	s9 =	sor.u32 $0xD0000000, s2;
	s6 =	simm.s32 $0x108;
	_ =	swait.ge @!p0 [sflag:s8], $0x0  }
0x24: {  	s3 =	sadd.s32 $0x88, s3;
	s6 =	simm.s32 @!p1 $0x1082;
	[sflag:s4] =	ssyncset.s32 $0xFFFFF086  }
0x25: {  	[simem:s6], [sflag:s4] =	dma.local [hbm:s3], $0xF7A  }
0x26: {  	[smem:$0x3F9E] =	sst s1;
	(tag) =	ssettag s2;
	_ =	strace s9  }
0x27: {  	s1 =	sld [smem:$0x3FAE]  }
0x28: {  	s2 =	sld [smem:$0x3FAF]  }
0x29: {  	s4 =	sld [smem:$0x3FB1]  }
0x2a: {  	p0 =	seq.s32 s5, $0x0;
	s5 =	sld [smem:$0x3FB2]  }
0x2b: {  	s6 =	sld [smem:$0x3FB3]  }
0x2c: {  	s7 =	sld [smem:$0x3FB4]  }
0x2d: {  	s3 =	simm.s32 $0x108;
	s8 =	sld [smem:$0x3FB5]  }
0x2e: {  	s3 =	simm.s32 @!p0 $0x1082;
	s9 =	sld [smem:$0x3FB6]  }
0x2f: {  	lr =	sadd.s32 s0, s3;
	s0 =	sld [smem:$0x3FAD]  }
0x30: {  	s3 =	sld [smem:$0x3FB0]  }
0x31: {  	[smem:$0x3FB9] =	sst s10  }
0x32: {  	s10 =	sld [smem:$0x3FB7];
	_ =	sdelay $0x3  }
0x33: {  	p0 =	seq.s32 s10, $0x1;
	s10 =	sld [smem:$0x3FB9];
	_ =	sdelay $0x3  }
0x34: {  	[smem:$0x3FB9] =	sst s10  }
0x35: {  	s10 =	sld [smem:$0x3FB8];
	_ =	sdelay $0x3  }
0x36: {  	p1 =	seq.s32 s10, $0x1;
	s10 =	sld [smem:$0x3FB9];
	_ =	sdelay $0x3  }
0x37: {  	[smem:$0x3FB9] =	sst s10  }
0x38: {  	s10 =	sld [smem:$0x3FBA]  }
0x39: {  	_ = 	snop;
	(pc) =	sbr.ind lr, $3  }
0x3a: {  	_ = 	snop  }
0x3b: {  	_ = 	snop  }
0x3c: {  	p2 =	seq.s32 s10, $0x1;
	s10 =	sld [smem:$0x3FB9]  }
0x3d: {  	_ =	shalt  }
0x3e: {  	_ =	shalt  }
0x3f: {  	_ =	shalt  }
0x40: {  	_ =	shalt  }
0x41: {  	_ =	shalt  }
0x42: {  	_ =	shalt  }
0x43: {  	_ =	shalt  }
0x44: {  	_ =	shalt  }
0x45: {  	_ =	shalt  }
0x46: {  	_ =	shalt  }
0x47: {  	_ =	shalt  }
0x48: {  	_ =	shalt  }
0x49: {  	_ =	shalt  }
0x4a: {  	_ =	shalt  }
0x4b: {  	_ =	shalt  }
0x4c: {  	_ =	shalt  }
0x4d: {  	_ =	shalt  }
0x4e: {  	_ =	shalt  }
0x4f: {  	_ =	shalt  }
0x50: {  	_ =	shalt  }
0x51: {  	_ =	shalt  }
0x52: {  	_ =	shalt  }
0x53: {  	_ =	shalt  }
0x54: {  	_ =	shalt  }
0x55: {  	_ =	shalt  }
0x56: {  	_ =	shalt  }
0x57: {  	_ =	shalt  }
0x58: {  	_ =	shalt  }
0x59: {  	_ =	shalt  }
0x5a: {  	_ =	shalt  }
0x5b: {  	_ =	shalt  }
0x5c: {  	_ =	shalt  }
0x5d: {  	_ =	shalt  }
0x5e: {  	_ =	shalt  }
0x5f: {  	_ =	shalt  }
0x60: {  	_ =	shalt  }
0x61: {  	_ =	shalt  }
0x62: {  	_ =	shalt  }
0x63: {  	_ =	shalt  }
0x64: {  	_ =	shalt  }
0x65: {  	_ =	shalt  }
0x66: {  	_ =	shalt  }
0x67: {  	_ =	shalt  }
0x68: {  	_ =	shalt  }
0x69: {  	_ =	shalt  }
0x6a: {  	_ =	shalt  }
0x6b: {  	_ =	shalt  }
0x6c: {  	_ =	shalt  }
0x6d: {  	_ =	shalt  }
0x6e: {  	_ =	shalt  }
0x6f: {  	_ =	shalt  }
0x70: {  	_ =	shalt  }
0x71: {  	_ =	shalt  }
0x72: {  	_ =	shalt  }
0x73: {  	_ =	shalt  }
0x74: {  	_ =	shalt  }
0x75: {  	_ =	shalt  }
0x76: {  	_ =	shalt  }
0x77: {  	_ =	shalt  }
0x78: {  	_ =	shalt  }
0x79: {  	_ =	shalt  }
0x7a: {  	_ =	shalt  }
0x7b: {  	_ =	shalt  }
0x7c: {  	_ =	shalt  }
0x7d: {  	_ =	shalt  }
0x7e: {  	_ =	shalt  }
0x7f: {  	_ =	shalt  }
0x80: {  	_ =	shalt  }
0x81: {  	_ =	shalt  }
0x82: {  	_ =	shalt  }
0x83: {  	_ =	shalt  }
0x84: {  	_ =	shalt  }
0x85: {  	_ =	shalt  }
0x86: {  	_ =	shalt  }
0x87: {  	_ =	shalt  }
.Lfunc_end0:
.L_simem_size_0:
called_computation_lowered:
.L_overlay_start_0:
0x88: {  	s2 =	sld [smem:$0x3FD9]  }
0x89: {  	s3 =	sld [smem:$0x3FFE];
	_ =	sdelay $0x1  }
0x8a: {  	s1 =	srdreg.scid  }
0x8b: {  	s0 =	sand.u32 $0x1, s1  }
0x8c: {  	s17 =	sshll.u32 s0, $0xA;
	s2 =	sadd.s32 s3, s2  }
0x8d: {  	s2 =	sadd.s32 s2, s17  }
0x8e: {  	[smem:$0x3FC5] =	sst s2  }
0x8f: {  	_ = 	snop  }
0x90: {  	s2 =	sld [smem:$0x3FC9]  }
0x91: {  	s18 =	sld [smem:$0x3FC8];
	(tm) =	ssettm $0x1  }
0x92: {  	s4 =	sld [smem:$0x3FFB];
	_ =	sdelay $0x3  }
0x93: {  	_ =	strace s4  }
0x94: {  	s4 =	sld [smem:$0x3FFC];
	_ =	sdelay $0x3  }
0x95: {  	_ =	strace s4  }
0x96: {  	s4 =	sld [smem:$0x3FFD];
	_ =	sdelay $0x3  }
0x97: {  	_ =	strace s4  }
0x98: {  	_ =	strace $0x8FFFFFFF  }
0x99: {  	s19 =	sld [smem:$0x3FDB];
	_ =	sdelay $0x1  }
0x9a: {  	s5 =	simm.s32 $_scs_section_size  }
0x9b: {  	s6 =	simm.s32 $_size__tile_overlayer_lowered;
	s7 =	simm.s32 $_tile_overlayer_lowered  }
0x9c: {  	s22 =	simm.s32 $0x1BFF;
	s21 =	sshll.u32 s7, $0x1;
	s4 =	sadd.s32 s5, s19  }
0x9d: {  	s8 =	simm.s32 $0x0;
	s20 =	sshll.u32 s6, $0x1;
	s6 =	sadd.s32 s21, s4  }
0x9e: {  	[timem:s8], [sflag:s22] =	dma.local [hbm:s6], s20  }
0x9f: {  	_ =	swait.ge [sflag:s22], s20  }
0xa0: {  	s5 =	ssub.s32 $0x0, s20;
	[sflag:s22] =	ssyncset.done $0x0  }
0xa1: {  	[sflag:s22] =	ssyncadd.s32 s5;
	_ =	sdelay $0x1  }
0xa2: {  	s23 =	simm.s32 $0x1B8B  }
0xa3: {  	_ =	swait.ge [sflag:s23], $0x1  }
0xa4: {  	[sflag:s23] =	ssyncset.done $0x0  }
0xa5: {  	s25 =	simm.s32 $0x1B8E;
	s24 =	sld [smem:$0x3FFE];
	[sflag:s23] =	ssyncadd.s32 $0xFFFFFFFF  }
0xa6: {  	s26 =	simm.s32 $execute0_lowered;
	[smem:$0x3FD2] =	sst s25  }
0xa7: {  	s6 =	sshll.u32 s26, $0x1;
	_ =	strace $0x80000046;
	[dreg:$0x1] =	wrdreg $0xFFFFFFFF  }
0xa8: {  	s28 =	simm.s32 $_size_execute0_lowered;
	s4 =	sadd.s32 s4, s6;
	[dreg:$0x0] =	wrdreg $0x0  }
0xa9: {  	s6 =	sshll.u32 s28, $0x1;
	[dreg:$0x2] =	wrdreg s4  }
0xaa: {  	[dreg:$0x3] =	wrdreg s6  }
0xab: {  	[dreg:$0x4] =	wrdreg $0xC0  }
0xac: {  	_ =	task [dreg:s8], $0x5FFFF  }
0xad: {  	[dreg:$0x1] =	wrdreg $0xFFFFFFFF  }
0xae: {  	[dreg:$0x0] =	wrdreg $0x60  }
0xaf: {  	[dreg:$0x2] =	wrdreg s2  }
0xb0: {  	[dreg:$0x3] =	wrdreg s18  }
0xb1: {  	[dreg:$0x4] =	wrdreg s24  }
0xb2: {  	[dreg:$0x5] =	wrdreg $0x16A800  }
0xb3: {  	[dreg:$0x6] =	wrdreg $0x16E800  }
0xb4: {  	[dreg:$0x7] =	wrdreg $0x9  }
0xb5: {  	_ =	task.clear_ibuf [dreg:s8], $0x8FFFF;
	_ =	strace $0x90000046  }
0xb6: {  	s29 =	simm.s32 $0x9;
	_ =	strace $0x80000048  }
0xb7: {  	_ =	swait.ge [sflag:s29], $0x1  }
0xb8: {  	[sflag:s29] =	ssyncadd.s32 $0xFFFFFFFF  }
0xb9: {  	_ =	strace $0x90000048  }
0xba: {  	_ =	sfence  }
0xbb: {  	s30 =	sld [smem:$0x0];
	_ =	sdelay $0x2  }
0xbc: {  	s31 =	sshll.u32 s1, $0xD;
	s1 =	sshrl.u32 s1, $0x2  }
0xbd: {  	s3 =	sand.u32 $0x4000, s31;
	s1 =	sadd.s32 s1, s30  }
0xbe: {  	s0 =	sor.u32 s3, s0;
	s1 =	sshll.u32 s1, $0x11  }
0xbf: {  	s0 =	sor.u32 s1, s0  }
0xc0: {  	s0 =	sadd.s32 $0x8F2B, s0  }
0xc1: {  	[sflag:s0] =	ssyncadd.remote.s32 $0x1  }
0xc2: {  	_ =	sfence.sel $0xFFFF  }
0xc3: {  	[dreg:$0x0] =	wrdreg $0xFFFFFFFF;
	(pc) =	sbr.abs _section_cstart, $3  }
0xc4: {  	[dreg:$0x1] =	wrdreg $0xFFFFFFFF  }
0xc5: {  	_ =	task.clear_ibuf [dreg:s8], $0x2FFFF;
	_ =	strace $0x9FFFFFFF  }
0xc6: {  	(tm) =	ssettm $0x7FFFFFFF  }
0xc7: {  	_ =	shalt  }
tec
execute0_lowered:
.L_overlay_start_1:
0x0: {  	(tag) =	ssettag $0x1  }
0x1: {  	s0 =	rddreg [dreg:$0x0]  }
0x2: {  	s1 =	rddreg [dreg:$0x1]  }
0x3: {  	s6 =	rddreg [dreg:$0x2];
	s3 =	srdreg.scid  }
0x4: {  	s11 =	rddreg [dreg:$0x3];
	s2 =	stileid.u32;
	s4 =	simm.s32 $0x0  }
0x5: {  	s14 =	simm.s32 $0x1;
	s15 =	simm.s32 $0x1;
	s16 =	simm.s32 $0x1  }
0x6: {  	s20 =	simm.s32 $0x1;
	s21 =	simm.s32 $0x1;
	s23 =	simm.s32 $0x1  }
0x7: {  	s24 =	simm.s32 $0x1;
	s25 =	simm.s32 $0x1;
	s26 =	simm.s32 $0x1  }
0x8: {  	s28 =	simm.s32 $0x1;
	s29 =	simm.s32 $0x1;
	s13 =	simm.s32 $0x1  }
0x9: {  	s7 =	sand.u32 $0x1, s3;
	s3 =	rddreg [dreg:$0x4];
	s5 =	sshll.u32 s2, $0x6  }
0xa: {  	[smem:$0x7FF] =	sst s4;
	s10 =	sshll.u32 s2, $0x7;
	p0 =	sgt.u32 s2, $0x1  }
0xb: {  	p1 =	sgt.u32 s2, $0x3;
	s8 =	sshll.u32 s7, $0x5;
	s9 =	ssub.s32 $0x2, s7  }
0xc: {  	_ =	strace $0x80000047;
	s1 =	sadd.s32 s1, s10;
	s10 =	sand.u32 $0x380, s10  }
0xd: {  	s7 =	sshll.u32 s7, $0x7;
	s22 =	sadd.s32 $0x4000, s3;
	[dreg:$0x6] =	wrdreg s1  }
0xe: {  	s30 =	sadd.s32 $0x4100, s3;
	s5 =	sor.u32 s8, s5;
	[dreg:$0xb] =	wrdreg s22  }
0xf: {  	s17 =	sshrl.u32 s9, $0x1;
	s1 =	simm.s32 $0x1;
	[dreg:$0xc] =	wrdreg s30  }
0x10: {  	s22 =	simm.s32 $0x5C80;
	s8 =	sshll.u32 s5, $0x4;
	s9 =	ssub.s32 s9, s17  }
0x11: {  	s1 =	simm.s32 @!p0 $0x0;
	s8 =	sadd.s32 s8, s6;
	s6 =	sshll.u32 s2, $0xA  }
0x12: {  	p0 =	sgt.u32 s2, $0x2;
	s31 =	sor.u32 $0x5800, s5;
	s18 =	sand.u32 $0x2000, s6  }
0x13: {  	s17 =	simm.s32 $0x5;
	s19 =	smax.u32 s9, $0x1;
	s11 =	sadd.s32 s18, s11  }
0x14: {  	s12 =	sadd.s32 $0x600, s8;
	[dreg:$0xa] =	wrdreg s19;
	s10 =	sadd.s32 s10, s11  }
0x15: {  	s8 =	sadd.s32 $0x4600, s8;
	s11 =	simm.s32 $0x1;
	[dreg:$0x7] =	wrdreg s10  }
0x16: {  	s10 =	simm.s32 $0x1;
	s11 =	simm.s32 @!p1 $0x0;
	p1 =	sgt.u32 s2, $0x5  }
0x17: {  	s10 =	simm.s32 @!p0 $0x0;
	p0 =	sgt.u32 s2, $0x4;
	s15 =	simm.s32 @!p1 $0x0  }
0x18: {  	p1 =	sgt.u32 s2, $0x7;
	s14 =	simm.s32 @!p0 $0x0;
	p0 =	sgt.u32 s2, $0x6  }
0x19: {  	s20 =	simm.s32 @!p1 $0x0;
	p1 =	sgt.u32 s2, $0x9;
	s16 =	simm.s32 @!p0 $0x0  }
0x1a: {  	p0 =	sgt.u32 s2, $0x8;
	s23 =	simm.s32 @!p1 $0x0;
	p1 =	sgt.u32 s2, $0xB  }
0x1b: {  	s21 =	simm.s32 @!p0 $0x0;
	p0 =	sgt.u32 s2, $0xA;
	s25 =	simm.s32 @!p1 $0x0  }
0x1c: {  	v16 =	vimm.s32 $0x0;
	p1 =	sgt.u32 s2, $0xD;
	s24 =	simm.s32 @!p0 $0x0;
	p0 =	sgt.u32 s2, $0xC  }
0x1d: {  	v17 =	vimm.s32 $0x1;
	v18 =	vlaneseq.u32;
	v1 =	vmov s1;
	s28 =	simm.s32 @!p1 $0x0;
	p1 =	seq.s32 s2, $0xF;
	s26 =	simm.s32 @!p0 $0x0  }
.Ltmp0:
0x1e: {  	v15 =	vmov s31;
	v3 =	vmov s11;
	v2 =	vmov s10;
	p0 =	sne.s32 s2, $0x0;
	s2 =	sshll.u32 s2, $0x8;
	(pc) =	sbr.rel .LBB2_1-.Ltmp0, $4  }
0x1f: {  	s19 =	simm.s32 $0x80;
	[dreg:$0x8] =	wrdreg s12;
	v5 =	vmov s15;
	v4 =	vmov s14;
	v7 =	vmov s20;
	s2 =	sor.u32 s7, s2  }
0x20: {  	[dreg:$0x9] =	wrdreg s8;
	v6 =	vmov s16;
	v9 =	vmov s23;
	v8 =	vmov s21;
	s7 =	simm.s32 $0x1;
	s2 =	sor.u32 $0x4, s2  }
0x21: {  	v11 =	vmov s25;
	s29 =	simm.s32 @!p1 $0x0;
	v10 =	vmov s24;
	v13 =	vmov s28;
	s7 =	simm.s32 @!p0 $0x0;
	s2 =	sshrl.u32 s2, $0x2  }
0x22: {  	s18 =	simm.s32 $0x1400;
	v12 =	vmov s26;
	v14 =	vmov s29;
	s26 =	simm.s32 $0x0;
	v0 =	vmov s7;
	s12 =	sor.u32 $0x5800, s2  }
.LBB2_28:
0x23: {  	p1 =	sle.s32 s29, s28  }
0x24: {  	s1 =	sshll.u32 @!p1 s2, $0x9  }
0x25: {  	s1 =	sshra.s32 @!p1 s1, $0x2  }
0x26: {  	[tilespmem:s1+$0x0] =	vst @!p1 v26  }
0x27: {  	[tilespmem:s1+$0x10] =	vst @!p1 v25  }
0x28: {  	[tilespmem:s1+$0x20] =	vst @!p1 v24  }
0x29: {  	[tilespmem:s1+$0x30] =	vst @!p1 v23  }
0x2a: {  	[tilespmem:s1+$0x40] =	vst @!p1 v22  }
0x2b: {  	[tilespmem:s1+$0x50] =	vst @!p1 v21  }
0x2c: {  	[tilespmem:s1+$0x60] =	vst @!p1 v20  }
0x2d: {  	s30 =	rddreg [dreg:$0x9];
	[tilespmem:s1+$0x70] =	vst @!p1 v19  }
0x2e: {  	[hbm4b:s30+s4] =	stream.linear.scatter [tilespmem:s4], [sflag:$0x5], $0x1000, $0x38;
	[tilespmem:$0x172A0] =	vst v63  }
0x2f: {  	_ =	swait.ge [sflag:s17], $0x1000  }
0x30: {  	s26 =	sadd.s32 $0x1, s26;
	s31 =	rddreg [dreg:$0xa]  }
0x31: {  	p1 =	sne.s32 s26, s31  }
.Ltmp1:
0x32: {  	_ = 	snop;
	(pc) =	sbr.rel @!p1 .LBB2_29-.Ltmp1, $3  }
0x33: {  	_ =	sdelay $0x1  }
0x34: {  	[sflag:s17] =	ssyncset.done $0x0  }
0x35: {  	[sflag:s17] =	ssyncadd.s32 $0xFFFFF000  }
.LBB2_1:
0x36: {  	s1 =	rddreg [dreg:$0x6];
	s2 =	simm.s32 $0x1000  }
0x37: {  	[tilespmem:s2], [sflag:$0x5] =	stream.linear.gather [hbm4b:s1+s4], $0x400, $0x38;
	[tilespmem:$0x172A0] =	vst v63  }
0x38: {  	_ =	swait.ge [sflag:s17], $0x400  }
0x39: {  	[sflag:s17] =	ssyncset.done $0x0  }
0x3a: {  	s1 =	simm.s32 $0x0;
	[sflag:s17] =	ssyncadd.s32 $0xFFFFFC00  }
.LBB2_2:
0x3b: {  	p1 =	sne.s32 s1, $0xFC0  }
.Ltmp2:
0x3c: {  	_ = 	snop;
	(pc) =	sbr.rel @p1 .LBB2_2-.Ltmp2, $3  }
0x3d: {  	_ =	sdelay $0x1  }
0x3e: {  	s2 =	sshra.s32 s1, $0x2  }
0x3f: {  	s1 =	sadd.s32 $0x40, s1;
	[tilespmem:s2+$0x1400] =	vst v16  }
0x40: {  	s2 =	simm.s32 $0x0;
	s1 =	simm.s32 $0x40  }
.LBB2_4:
0x41: {  	p1 =	sne.s32 s1, $0xFC0;
	v19 =	vld [tilespmem:s2+$0x1000];
	_ =	sdelay $0x3  }
.Ltmp3:
0x42: {  	(pc) =	sbr.rel @p1 .LBB2_4-.Ltmp3, $2  }
0x43: {  	_ =	sdelay $0x2  }
0x44: {  	s2 =	sshra.s32 s1, $0x2;
	s1 =	sadd.s32 $0x40, s1;
	[tilespmem:v19+s18+$0x0] =	vst.idx.add.s32.msk $0xffff, v17  }
0x45: {  	v19 =	vld [tilespmem:s2+$0x1000];
	_ =	sdelay $0x7  }
0x46: {  	s2 =	simm.s32 $0x1400;
	s1 =	rddreg [dreg:$0x7];
	s7 =	simm.s32 $0x400;
	[tilespmem:v19+s18+$0x0] =	vst.idx.add.s32.msk $0xffff, v17  }
0x47: {  	[spmem:s1] =	stream.strided.scatter [tilespmem:s2], [sflag:$0x5], $0x400, s7, s19, $0x38;
	[tilespmem:$0x172A0] =	vst v63  }
0x48: {  	_ =	swait.ge [sflag:s17], $0x400  }
0x49: {  	[sflag:s17] =	ssyncset.done $0x0  }
0x4a: {  	[sflag:s17] =	ssyncadd.s32 $0xFFFFFC00  }
0x4b: {  	[bflag:$0x0] =	sbarrier.arrive $0xFFFF  }
0x4c: {  	s29 =	simm.s32 $0x1800;
	s28 =	rddreg [dreg:$0x3]  }
0x4d: {  	[tilespmem:s29], [sflag:$0x5] =	stream.linear.gather [spmem:s28], $0x4000, $0x38;
	[tilespmem:$0x172A0] =	vst v63  }
0x4e: {  	s1 =	simm.s32 $0x0;
	_ =	swait.ge [sflag:s17], $0x4000  }
0x4f: {  	s30 =	sand.u32 $0x70, s1;
	s8 =	sand.u32 $0x1C00, s1;
	[sflag:s17] =	ssyncset.done $0x0  }
0x50: {  	s7 =	sor.u32 s30, s8;
	[sflag:s17] =	ssyncadd.s32 $0xFFFFC000  }
0x51: {  	v19 =	vld [tilespmem:s7+$0x1880]  }
0x52: {  	v20 =	vld [tilespmem:s7+$0x1800]  }
0x53: {  	v21 =	vld [tilespmem:s7+$0x1900]  }
0x54: {  	v22 =	vld [tilespmem:s7+$0x1980]  }
0x55: {  	v23 =	vld [tilespmem:s7+$0x1A00]  }
0x56: {  	v24 =	vld [tilespmem:s7+$0x1A80]  }
0x57: {  	v25 =	vmul.u32 v1, v19;
	v26 =	vmul.u32 v0, v20;
	v19 =	vadd.s32 v20, v19;
	v20 =	vld [tilespmem:s7+$0x1B00]  }
0x58: {  	v27 =	vld [tilespmem:s7+$0x1B80];
	v19 =	vadd.s32 v21, v19;
	v21 =	vmul.u32 v2, v21  }
0x59: {  	v47 =	vld [tilespmem:s7+$0x3800];
	v25 =	vadd.s32 v26, v25;
	v19 =	vadd.s32 v22, v19;
	v22 =	vmul.u32 v3, v22  }
0x5a: {  	v48 =	vld [tilespmem:s7+$0x3880];
	v21 =	vadd.s32 v21, v25;
	v19 =	vadd.s32 v23, v19;
	v23 =	vmul.u32 v4, v23  }
0x5b: {  	v50 =	vld [tilespmem:s7+$0x3900];
	v49 =	vmul.u32 v5, v24;
	v21 =	vadd.s32 v22, v21;
	v19 =	vadd.s32 v24, v19  }
0x5c: {  	v51 =	vld [tilespmem:s7+$0x3980];
	v21 =	vadd.s32 v23, v21;
	v19 =	vadd.s32 v20, v19;
	v20 =	vmul.u32 v6, v20  }
0x5d: {  	v53 =	vld [tilespmem:s7+$0x3A00];
	v52 =	vmul.u32 v7, v27;
	v21 =	vadd.s32 v49, v21;
	v19 =	vadd.s32 v27, v19  }
0x5e: {  	v55 =	vld [tilespmem:s7+$0x3A80];
	v54 =	vmul.u32 v8, v47;
	v20 =	vadd.s32 v20, v21;
	v19 =	vadd.s32 v47, v19  }
0x5f: {  	v57 =	vld [tilespmem:s7+$0x3B00];
	v56 =	vmul.u32 v9, v48;
	v20 =	vadd.s32 v52, v20;
	v19 =	vadd.s32 v48, v19  }
0x60: {  	v59 =	vld [tilespmem:s7+$0x3B80];
	v58 =	vmul.u32 v10, v50;
	v20 =	vadd.s32 v54, v20;
	v19 =	vadd.s32 v50, v19  }
0x61: {  	v60 =	vmul.u32 v11, v51;
	v20 =	vadd.s32 v56, v20;
	v19 =	vadd.s32 v51, v19  }
0x62: {  	v61 =	vmul.u32 v12, v53;
	v20 =	vadd.s32 v58, v20;
	v19 =	vadd.s32 v53, v19  }
0x63: {  	v62 =	vmul.u32 v13, v55;
	v20 =	vadd.s32 v60, v20;
	v19 =	vadd.s32 v55, v19  }
0x64: {  	v63 =	vmul.u32 v14, v57;
	v20 =	vadd.s32 v61, v20;
	v19 =	vadd.s32 v57, v19  }
0x65: {  	s31 =	simm.s32 $0x10;
	s8 =	simm.s32 $0x80;
	v20 =	vadd.s32 v62, v20;
	v19 =	vadd.s32 v59, v19  }
0x66: {  	s16 =	simm.s32 $0x5C80;
	s9 =	sand.u32 $0x1C00, s8;
	s7 =	sand.u32 $0x70, s31;
	v20 =	vadd.s32 v63, v20;
	[tilespmem:s2+$0x0] =	vst v19  }
0x67: {  	s7 =	sor.u32 s7, s9;
	s9 =	simm.s32 $0x20;
	[tilespmem:s16+$0x0] =	vst v20  }
.LBB2_6:
0x68: {  	p1 =	sne.s32 s9, $0x3F0;
	v19 =	vld [tilespmem:s7+$0x1880]  }
0x69: {  	v20 =	vld [tilespmem:s7+$0x1800]  }
0x6a: {  	v21 =	vld [tilespmem:s7+$0x1900]  }
0x6b: {  	v22 =	vld [tilespmem:s7+$0x1980]  }
0x6c: {  	v23 =	vld [tilespmem:s7+$0x1A00]  }
0x6d: {  	v24 =	vmul.u32 v1, v19;
	v25 =	vld [tilespmem:s7+$0x1A80]  }
0x6e: {  	v26 =	vmul.u32 v0, v20;
	v19 =	vadd.s32 v20, v19;
	v20 =	vld [tilespmem:s7+$0x1B00]  }
0x6f: {  	v19 =	vadd.s32 v21, v19;
	v21 =	vmul.u32 v2, v21;
	v27 =	vld [tilespmem:s7+$0x1B80]  }
0x70: {  	v24 =	vadd.s32 v26, v24;
	v19 =	vadd.s32 v22, v19;
	v22 =	vmul.u32 v3, v22;
	v26 =	vld [tilespmem:s7+$0x3800]  }
0x71: {  	v21 =	vadd.s32 v21, v24;
	v19 =	vadd.s32 v23, v19;
	v23 =	vmul.u32 v4, v23;
	v24 =	vld [tilespmem:s7+$0x3880]  }
0x72: {  	v21 =	vadd.s32 v22, v21;
	v19 =	vadd.s32 v25, v19;
	v22 =	vmul.u32 v5, v25;
	v25 =	vld [tilespmem:s7+$0x3900]  }
0x73: {  	v21 =	vadd.s32 v23, v21;
	v19 =	vadd.s32 v20, v19;
	v20 =	vmul.u32 v6, v20;
	v23 =	vld [tilespmem:s7+$0x3980]  }
0x74: {  	v21 =	vadd.s32 v22, v21;
	v19 =	vadd.s32 v27, v19;
	v22 =	vmul.u32 v7, v27;
	v27 =	vld [tilespmem:s7+$0x3A00]  }
0x75: {  	v20 =	vadd.s32 v20, v21;
	v19 =	vadd.s32 v26, v19;
	v21 =	vmul.u32 v8, v26;
	v26 =	vld [tilespmem:s7+$0x3A80]  }
0x76: {  	v20 =	vadd.s32 v22, v20;
	v19 =	vadd.s32 v24, v19;
	v22 =	vmul.u32 v9, v24;
	v24 =	vld [tilespmem:s7+$0x3B00]  }
0x77: {  	v20 =	vadd.s32 v21, v20;
	v19 =	vadd.s32 v25, v19;
	v21 =	vmul.u32 v10, v25;
	v25 =	vld [tilespmem:s7+$0x3B80]  }
0x78: {  	v20 =	vadd.s32 v22, v20;
	v19 =	vadd.s32 v23, v19;
	v22 =	vmul.u32 v11, v23  }
0x79: {  	v20 =	vadd.s32 v21, v20;
	v19 =	vadd.s32 v27, v19;
	v21 =	vmul.u32 v12, v27  }
.Ltmp4:
0x7a: {  	v20 =	vadd.s32 v22, v20;
	v19 =	vadd.s32 v26, v19;
	v22 =	vmul.u32 v13, v26;
	(pc) =	sbr.rel @p1 .LBB2_6-.Ltmp4, $4  }
0x7b: {  	v20 =	vadd.s32 v21, v20;
	v19 =	vadd.s32 v24, v19;
	v21 =	vmul.u32 v14, v24  }
0x7c: {  	s8 =	sadd.s32 $0x80, s8;
	s2 =	sadd.s32 $0x10, s2;
	v20 =	vadd.s32 v22, v20;
	v19 =	vadd.s32 v25, v19  }
0x7d: {  	s16 =	sadd.s32 $0x10, s16;
	s10 =	sand.u32 $0x1C00, s8;
	s7 =	sand.u32 $0x70, s9;
	v20 =	vadd.s32 v21, v20;
	[tilespmem:s2+$0x0] =	vst v19  }
0x7e: {  	s9 =	sadd.s32 $0x10, s9;
	s7 =	sor.u32 s7, s10;
	[tilespmem:s16+$0x0] =	vst v20  }
0x7f: {  	v19 =	vld [tilespmem:s7+$0x1880]  }
0x80: {  	v20 =	vld [tilespmem:s7+$0x1800]  }
0x81: {  	v21 =	vld [tilespmem:s7+$0x1900]  }
0x82: {  	v22 =	vld [tilespmem:s7+$0x1980]  }
0x83: {  	v23 =	vld [tilespmem:s7+$0x1A00]  }
0x84: {  	v24 =	vld [tilespmem:s7+$0x1A80]  }
0x85: {  	v25 =	vmul.u32 v1, v19;
	v26 =	vmul.u32 v0, v20;
	v19 =	vadd.s32 v20, v19;
	v20 =	vld [tilespmem:s7+$0x1B00]  }
0x86: {  	v27 =	vld [tilespmem:s7+$0x1B80];
	v19 =	vadd.s32 v21, v19;
	v21 =	vmul.u32 v2, v21  }
0x87: {  	v56 =	vld [tilespmem:s7+$0x3800];
	v25 =	vadd.s32 v26, v25;
	v19 =	vadd.s32 v22, v19;
	v22 =	vmul.u32 v3, v22  }
0x88: {  	v57 =	vld [tilespmem:s7+$0x3880];
	v21 =	vadd.s32 v21, v25;
	v19 =	vadd.s32 v23, v19;
	v23 =	vmul.u32 v4, v23  }
0x89: {  	v58 =	vld [tilespmem:s7+$0x3900];
	v21 =	vadd.s32 v22, v21;
	v19 =	vadd.s32 v24, v19;
	v22 =	vmul.u32 v5, v24  }
0x8a: {  	v21 =	vadd.s32 v23, v21;
	v19 =	vadd.s32 v20, v19;
	v20 =	vmul.u32 v6, v20;
	v23 =	vld [tilespmem:s7+$0x3980]  }
0x8b: {  	v59 =	vld [tilespmem:s7+$0x3A00];
	v21 =	vadd.s32 v22, v21;
	v19 =	vadd.s32 v27, v19;
	v22 =	vmul.u32 v7, v27  }
0x8c: {  	v60 =	vld [tilespmem:s7+$0x3A80];
	v20 =	vadd.s32 v20, v21;
	v19 =	vadd.s32 v56, v19;
	v21 =	vmul.u32 v8, v56  }
0x8d: {  	v61 =	vld [tilespmem:s7+$0x3B00];
	v20 =	vadd.s32 v22, v20;
	v19 =	vadd.s32 v57, v19;
	v22 =	vmul.u32 v9, v57  }
0x8e: {  	v62 =	vld [tilespmem:s7+$0x3B80];
	v20 =	vadd.s32 v21, v20;
	v19 =	vadd.s32 v58, v19;
	v21 =	vmul.u32 v10, v58  }
0x8f: {  	v20 =	vadd.s32 v22, v20;
	v19 =	vadd.s32 v23, v19;
	v22 =	vmul.u32 v11, v23  }
0x90: {  	v20 =	vadd.s32 v21, v20;
	v19 =	vadd.s32 v59, v19;
	v21 =	vmul.u32 v12, v59  }
0x91: {  	v20 =	vadd.s32 v22, v20;
	v19 =	vadd.s32 v60, v19;
	v22 =	vmul.u32 v13, v60  }
0x92: {  	v20 =	vadd.s32 v21, v20;
	v19 =	vadd.s32 v61, v19;
	v21 =	vmul.u32 v14, v61  }
0x93: {  	s2 =	sadd.s32 $0x10, s2;
	v20 =	vadd.s32 v22, v20;
	v19 =	vadd.s32 v62, v19  }
0x94: {  	s31 =	sadd.s32 $0x10, s16;
	v20 =	vadd.s32 v21, v20;
	[tilespmem:s2+$0x0] =	vst v19  }
0x95: {  	s9 =	simm.s32 $0x0;
	[tilespmem:s31+$0x0] =	vst v20  }
0x96: {  	v19 =	vld [tilespmem:s9+$0x1400];
	_ =	sdelay $0x1  }
0x97: {  	s8 =	simm.s32 $0x10  }
0x98: {  	v21 =	vld [tilespmem:s8+$0x1400];
	_ =	sdelay $0x1  }
0x99: {  	(xrf0) =	vadd.scan.msk.s32 $0xffff, v19;
	_ =	sdelay $0x2  }
0x9a: {  	(xrf0) =	vadd.scan.msk.s32 $0xffff, v21;
	_ =	sdelay $0x2  }
0x9b: {  	v22, _, _ =	vpop (xrf0)  }
0x9c: {  	(v2sf) =	vpush v22, $0xF  }
0x9d: {  	s7 =	simm.s32 $0x20  }
0x9e: {  	v20 =	vld [tilespmem:s7+$0x1400];
	v63 =	vsub.s32 v22, v19;
	v22, _, _ =	vpop (xrf0)  }
0x9f: {  	(v2sf) =	vpush v22, $0xF;
	_ =	sdelay $0x2  }
0xa0: {  	v23 =	vld [tilespmem:s9+$0x5C80]  }
0xa1: {  	(xrf0) =	vadd.scan.msk.s32 $0xffff, v20  }
0xa2: {  	s2 =	simm.s32 $0x30  }
0xa3: {  	v19 =	vld [tilespmem:s2+$0x1400]  }
0xa4: {  	v24 =	vadd.s32 s1, v63  }
0xa5: {  	s16 =	simm.s32 $0x100;
	s20 =	simm.s32 $0x140;
	[tilespmem:s9+$0x5800] =	vst v24;
	v23 =	vadd.s32 v23, v24  }
.LBB2_8:
0xa6: {  	p1 =	sne.s32 s20, $0xFC0;
	[tilespmem:s9+$0x5C80] =	vst v23;
	s9 =	smov.u32 s8;
	s8 =	smov.u32 s7  }
0xa7: {  	s7 =	smov.u32 s2;
	v23, _, _ =	vpop (xrf0);
	v24 =	vld [tilespmem:s9+$0x5C80]  }
.Ltmp5:
0xa8: {  	(xrf0) =	vadd.scan.msk.s32 $0xffff, v19;
	(v2sf) =	vpush v23, $0xF;
	(pc) =	sbr.rel @p1 .LBB2_8-.Ltmp5, $4  }
0xa9: {  	s2 =	sshra.s32 s16, $0x2;
	s16 =	smov.u32 s20;
	s10 =	spop (v2sf)  }
0xaa: {  	v25 =	vsub.s32 v22, v21;
	v21 =	vmovc v20;
	v22 =	vmov v23;
	v20 =	vmov v19;
	s1 =	sadd.s32 s1, s10;
	v19 =	vld [tilespmem:s2+$0x1400]  }
0xab: {  	v23 =	vadd.s32 s1, v25  }
0xac: {  	s20 =	sadd.s32 $0x40, s20;
	[tilespmem:s9+$0x5800] =	vst v23;
	v23 =	vadd.s32 v24, v23  }
0xad: {  	[tilespmem:s9+$0x5C80] =	vst v23;
	s24 =	sshra.s32 s16, $0x2  }
0xae: {  	v23 =	vld [tilespmem:s24+$0x1400];
	_ =	sdelay $0x1  }
0xaf: {  	v24, _, _ =	vpop (xrf0);
	v25 =	vld [tilespmem:s8+$0x5C80]  }
0xb0: {  	(xrf0) =	vadd.scan.msk.s32 $0xffff, v19;
	(v2sf) =	vpush v24, $0xF  }
0xb1: {  	s10 =	spop (v2sf)  }
0xb2: {  	v21 =	vsub.s32 v22, v21;
	s1 =	sadd.s32 s1, s10;
	(xrf0) =	vadd.scan.msk.s32 $0xffff, v23  }
0xb3: {  	v21 =	vadd.s32 s1, v21  }
0xb4: {  	[tilespmem:s8+$0x5800] =	vst v21;
	v21 =	vadd.s32 v25, v21  }
0xb5: {  	[tilespmem:s8+$0x5C80] =	vst v21  }
0xb6: {  	v59, _, _ =	vpop (xrf0);
	v60 =	vld [tilespmem:s7+$0x5C80]  }
0xb7: {  	(v2sf) =	vpush v59, $0xF  }
0xb8: {  	s25 =	spop (v2sf);
	v61, _, _ =	vpop (xrf0)  }
0xb9: {  	v20 =	vsub.s32 v24, v20;
	s1 =	sadd.s32 s1, s25;
	(v2sf) =	vpush v61, $0xF  }
0xba: {  	v20 =	vadd.s32 s1, v20  }
0xbb: {  	[tilespmem:s7+$0x5800] =	vst v20;
	v20 =	vadd.s32 v60, v20  }
0xbc: {  	[tilespmem:s7+$0x5C80] =	vst v20  }
0xbd: {  	v20 =	vld [tilespmem:s2+$0x5C80];
	_ =	sdelay $0x1  }
0xbe: {  	s28 =	spop (v2sf)  }
0xbf: {  	v19 =	vsub.s32 v59, v19;
	s1 =	sadd.s32 s1, s28  }
0xc0: {  	v19 =	vadd.s32 s1, v19  }
0xc1: {  	[tilespmem:s2+$0x5800] =	vst v19;
	v19 =	vadd.s32 v20, v19  }
0xc2: {  	[tilespmem:s2+$0x5C80] =	vst v19  }
0xc3: {  	v19 =	vld [tilespmem:s24+$0x5C80];
	_ =	sdelay $0x1  }
0xc4: {  	s29 =	spop (v2sf)  }
0xc5: {  	v20 =	vsub.s32 v61, v23;
	s1 =	sadd.s32 s1, s29  }
0xc6: {  	v20 =	vadd.s32 s1, v20;
	s30 =	spop (v2sf)  }
0xc7: {  	[tilespmem:s24+$0x5800] =	vst v20;
	v19 =	vadd.s32 v19, v20;
	s1 =	sadd.s32 s1, s30  }
0xc8: {  	[tilespmem:s24+$0x5C80] =	vst v19;
	v19 =	vmov s1  }
0xc9: {  	[tilespmem:$0x5C00] =	vst v19  }
0xca: {  	[tilespmem:$0x5C10] =	vst v19  }
0xcb: {  	[tilespmem:$0x5C20] =	vst v19  }
0xcc: {  	s31 =	simm.s32 $0x0;
	[tilespmem:$0x5C30] =	vst v19  }
0xcd: {  	v19 =	vld [tilespmem:s31+$0x1000];
	_ =	sdelay $0x4  }
0xce: {  	(xrf1) =	vunique.msk.u32 $0xffff, v19;
	_ =	sdelay $0x9  }
0xcf: {  	v20 =	vld.idx.msk [tilespmem:v19+s22+$0x0], $0xffff;
	_ =	sdelay $0x3  }
0xd0: {  	_, v62, _ =	vpop (xrf1)  }
0xd1: {  	v63 =	vor.u32 s6, v18;
	v20 =	vadd.s32 v62, v20  }
0xd2: {  	[tilespmem:s31+$0x6480] =	vst v63;
	v20 =	vadd.s32 $0xFFFFFFFF, v20  }
0xd3: {  	s7 =	simm.s32 $0x80;
	s2 =	simm.s32 $0x40;
	s1 =	smov.u32 s6;
	[tilespmem:s31+$0x6080] =	vst v20  }
.LBB2_10:
0xd4: {  	s8 =	sshra.s32 s2, $0x2  }
0xd5: {  	[tilespmem:v19+s22+$0x0] =	vst.idx.add.s32.msk $0xffff, v17;
	s1 =	sadd.s32 $0x10, s1;
	s2 =	smov.u32 s7;
	s9 =	sadd.s32 $0x40, s7  }
0xd6: {  	p1 =	sne.s32 s7, $0xFC0;
	v19 =	vld [tilespmem:s8+$0x1000];
	_ =	sdelay $0x4  }
0xd7: {  	(xrf1) =	vunique.msk.u32 $0xffff, v19;
	_ =	sdelay $0x8  }
0xd8: {  	v21 =	vor.u32 s1, v18;
	v20 =	vld.idx.msk [tilespmem:v19+s22+$0x0], $0xffff  }
0xd9: {  	[tilespmem:s8+$0x6480] =	vst v21;
	_ =	sdelay $0x2  }
.Ltmp6:
0xda: {  	(pc) =	sbr.rel @p1 .LBB2_10-.Ltmp6, $4  }
0xdb: {  	_, v21, _ =	vpop (xrf1)  }
0xdc: {  	v20 =	vadd.s32 v21, v20  }
0xdd: {  	v20 =	vadd.s32 $0xFFFFFFFF, v20  }
0xde: {  	s7 =	smov.u32 s9;
	[tilespmem:s8+$0x6080] =	vst v20  }
0xdf: {  	_ =	sdelay $0x3  }
0xe0: {  	s2 =	sshra.s32 s2, $0x2;
	[tilespmem:v19+s22+$0x0] =	vst.idx.add.s32.msk $0xffff, v17  }
0xe1: {  	v19 =	vld [tilespmem:s2+$0x1000];
	_ =	sdelay $0x4  }
0xe2: {  	(xrf1) =	vunique.msk.u32 $0xffff, v19;
	_ =	sdelay $0x9  }
0xe3: {  	v20 =	vld.idx.msk [tilespmem:v19+s22+$0x0], $0xffff;
	_ =	sdelay $0x3  }
0xe4: {  	s1 =	sadd.s32 $0x10, s1;
	_, v21, _ =	vpop (xrf1)  }
0xe5: {  	v63 =	vor.u32 s1, v18;
	v20 =	vadd.s32 v21, v20  }
0xe6: {  	[tilespmem:s2+$0x6480] =	vst v63;
	v20 =	vadd.s32 $0xFFFFFFFF, v20  }
0xe7: {  	[tilespmem:s2+$0x6080] =	vst v20  }
0xe8: {  	s16 =	simm.s32 $0x6080;
	s20 =	simm.s32 $0x6480;
	[tilespmem:v19+s22+$0x0] =	vst.idx.add.s32.msk $0xffff, v17  }
0xe9: {  	[spmem:s3] =	stream.indirect.scatter [tilespmem:s20], [sflag:$0x1], $0x1, s16, s19, $0xb8;
	[tilespmem:$0x172A0] =	vst v63  }
0xea: {  	s21 =	simm.s32 $0x6100;
	s23 =	simm.s32 $0x6500  }
0xeb: {  	[spmem:s3] =	stream.indirect.scatter [tilespmem:s23], [sflag:$0x1], $0x1, s21, s19, $0xb8;
	[tilespmem:$0x172A0] =	vst v63  }
0xec: {  	s24 =	simm.s32 $0x6180;
	s25 =	simm.s32 $0x6580  }
0xed: {  	[spmem:s3] =	stream.indirect.scatter [tilespmem:s25], [sflag:$0x1], $0x1, s24, s19, $0xb8;
	[tilespmem:$0x172A0] =	vst v63  }
0xee: {  	s7 =	simm.s32 $0x6200;
	s8 =	simm.s32 $0x6600  }
0xef: {  	[spmem:s3] =	stream.indirect.scatter [tilespmem:s8], [sflag:$0x1], $0x1, s7, s19, $0xb8;
	[tilespmem:$0x172A0] =	vst v63  }
0xf0: {  	s9 =	simm.s32 $0x6280;
	s10 =	simm.s32 $0x6680  }
0xf1: {  	[spmem:s3] =	stream.indirect.scatter [tilespmem:s10], [sflag:$0x1], $0x1, s9, s19, $0xb8;
	[tilespmem:$0x172A0] =	vst v63  }
0xf2: {  	s11 =	simm.s32 $0x6300;
	s14 =	simm.s32 $0x6700  }
0xf3: {  	[spmem:s3] =	stream.indirect.scatter [tilespmem:s14], [sflag:$0x1], $0x1, s11, s19, $0xb8;
	[tilespmem:$0x172A0] =	vst v63  }
0xf4: {  	s15 =	simm.s32 $0x6380;
	s16 =	simm.s32 $0x6780  }
0xf5: {  	[spmem:s3] =	stream.indirect.scatter [tilespmem:s16], [sflag:$0x1], $0x1, s15, s19, $0xb8;
	[tilespmem:$0x172A0] =	vst v63  }
0xf6: {  	s20 =	simm.s32 $0x6400;
	s21 =	simm.s32 $0x6800  }
0xf7: {  	[spmem:s3] =	stream.indirect.scatter [tilespmem:s21], [sflag:$0x1], $0x1, s20, s19, $0xb8;
	[tilespmem:$0x172A0] =	vst v63  }
0xf8: {  	_ =	swait.ge [sflag:s13], $0x80  }
0xf9: {  	[sflag:s13] =	ssyncset.done $0x0  }
0xfa: {  	[sflag:s13] =	ssyncadd.s32 $0xFFFFFF80  }
0xfb: {  	_ =	swait.ge [sflag:s13], $0x80  }
0xfc: {  	[sflag:s13] =	ssyncset.done $0x0  }
0xfd: {  	[sflag:s13] =	ssyncadd.s32 $0xFFFFFF80  }
0xfe: {  	_ =	swait.ge [sflag:s13], $0x80  }
0xff: {  	[sflag:s13] =	ssyncset.done $0x0  }
0x100: {  	[sflag:s13] =	ssyncadd.s32 $0xFFFFFF80  }
0x101: {  	_ =	swait.ge [sflag:s13], $0x80  }
0x102: {  	[sflag:s13] =	ssyncset.done $0x0  }
0x103: {  	[sflag:s13] =	ssyncadd.s32 $0xFFFFFF80  }
0x104: {  	_ =	swait.ge [sflag:s13], $0x80  }
0x105: {  	[sflag:s13] =	ssyncset.done $0x0  }
0x106: {  	[sflag:s13] =	ssyncadd.s32 $0xFFFFFF80  }
0x107: {  	_ =	swait.ge [sflag:s13], $0x80  }
0x108: {  	[sflag:s13] =	ssyncset.done $0x0  }
0x109: {  	[sflag:s13] =	ssyncadd.s32 $0xFFFFFF80  }
0x10a: {  	_ =	swait.ge [sflag:s13], $0x80  }
0x10b: {  	[sflag:s13] =	ssyncset.done $0x0  }
0x10c: {  	[sflag:s13] =	ssyncadd.s32 $0xFFFFFF80  }
0x10d: {  	_ =	swait.ge [sflag:s13], $0x80  }
0x10e: {  	[sflag:s13] =	ssyncset.done $0x0  }
0x10f: {  	v19 =	vimm.s32 @!p0 $0x0;
	[sflag:s13] =	ssyncadd.s32 $0xFFFFFF80  }
0x110: {  	[tilespmem:$0x6880] =	vst @!p0 v19  }
0x111: {  	[tilespmem:$0x6890] =	vst @!p0 v19  }
0x112: {  	[tilespmem:$0x68A0] =	vst @!p0 v19  }
0x113: {  	[tilespmem:$0x68B0] =	vst @!p0 v19  }
0x114: {  	[tilespmem:$0x68C0] =	vst @!p0 v19  }
0x115: {  	[tilespmem:$0x68D0] =	vst @!p0 v19  }
0x116: {  	[tilespmem:$0x68E0] =	vst @!p0 v19  }
0x117: {  	[tilespmem:$0x68F0] =	vst @!p0 v19  }
0x118: {  	[tilespmem:$0x6900] =	vst @!p0 v19  }
0x119: {  	[tilespmem:$0x6910] =	vst @!p0 v19  }
0x11a: {  	[tilespmem:$0x6920] =	vst @!p0 v19  }
0x11b: {  	[tilespmem:$0x6930] =	vst @!p0 v19  }
0x11c: {  	[tilespmem:$0x6940] =	vst @!p0 v19  }
0x11d: {  	[tilespmem:$0x6950] =	vst @!p0 v19  }
0x11e: {  	[tilespmem:$0x6960] =	vst @!p0 v19  }
0x11f: {  	s1 =	simm.s32 @!p0 $0x6880;
	s2 =	rddreg [dreg:$0xb];
	[tilespmem:$0x6970] =	vst @!p0 v19  }
0x120: {  	[spmem:s2] =	stream.linear.scatter @!p0 [tilespmem:s1], [sflag:$0x5], $0x100, $0x38;
	[tilespmem:$0x172A0] =	vst v63  }
0x121: {  	s2 =	simm.s32 @!p0 $0x5  }
0x122: {  	_ =	swait.ge @!p0 [sflag:s2], $0x100  }
0x123: {  	[sflag:s2] =	ssyncset.done @!p0 $0x0  }
0x124: {  	s7 =	rddreg [dreg:$0xc];
	[sflag:s2] =	ssyncadd.s32 @!p0 $0xFFFFFF00  }
0x125: {  	[spmem:s7] =	stream.linear.scatter @!p0 [tilespmem:s1], [sflag:$0x5], $0x100, $0x38;
	[tilespmem:$0x172A0] =	vst v63  }
0x126: {  	_ =	swait.ge @!p0 [sflag:s2], $0x100  }
0x127: {  	[sflag:s2] =	ssyncset.done @!p0 $0x0  }
0x128: {  	[sflag:s2] =	ssyncadd.s32 @!p0 $0xFFFFFF00  }
0x129: {  	[bflag:$0x0] =	sbarrier.arrive $0xFFFF  }
0x12a: {  	s23 =	rddreg [dreg:$0x8]  }
0x12b: {  	[tilespmem:s4], [sflag:$0x5] =	stream.linear.gather [hbm4b:s23+s4], $0x1000, $0x38;
	[tilespmem:$0x172A0] =	vst v63  }
0x12c: {  	_ =	swait.ge [sflag:s17], $0x1000  }
0x12d: {  	[sflag:s17] =	ssyncset.done $0x0  }
0x12e: {  	[sflag:s17] =	ssyncadd.s32 $0xFFFFF000  }
0x12f: {  	v19 =	vld [tilespmem:s5+$0x5800]  }
0x130: {  	v20 =	vld [tilespmem:s5+$0x5820];
	_ =	sdelay $0x3  }
0x131: {  	(v2sf) =	vpush v19, $0x0  }
0x132: {  	(v2sf) =	vpush v20, $0x0;
	_ =	sdelay $0xd  }
0x133: {  	s28 =	spop (v2sf)  }
0x134: {  	s29 =	spop (v2sf);
	s30 =	sand.u32 $0xFFFFFFF0, s28  }
0x135: {  	s24 =	ssub.s32 s29, s30  }
0x136: {  	s1 =	sadd.s32 $0xFF, s24  }
0x137: {  	p1 =	slt.s32 s1, $0x100  }
0x138: {  	s2 =	sadd.s32 @!p1 s30, s3;
	s7 =	simm.s32 @!p1 $0x6880;
	s8 =	simm.s32 @!p1 $0x3  }
0x139: {  	[tilespmem:s7], [sflag:$0x3] =	stream.linear.gather @!p1 [spmem:s2], $0x100, $0x38;
	[tilespmem:$0x172A0] =	vst v63  }
0x13a: {  	_ =	swait.ge @!p1 [sflag:s8], $0x100  }
0x13b: {  	s9 =	simm.s32 @!p1 $0x6A80;
	p2 =	slt.u32 @!p1 s1, $0x200;
	[sflag:s8] =	ssyncset.done @!p1 $0x0  }
0x13c: {  	p2 =	por p2, p1;
	[sflag:s8] =	ssyncadd.s32 @!p1 $0xFFFFFF00;
	s8 =	simm.s32 @!p1 $0x100  }
0x13d: {  	[tilespmem:s9], [sflag:$0x1] =	stream.indirect.gather @!p1 [hbm4b:s0+s8], $0x80, s7, s8, $0xb8;
	[tilespmem:$0x172A0] =	vst v63  }
0x13e: {  	s25 =	sshra.s32 s1, $0x1F;
	s2 =	sadd.s32 @!p2 $0x100, s2;
	s7 =	simm.s32 @!p2 $0x6980  }
0x13f: {  	[tilespmem:s7], [sflag:$0x4] =	stream.linear.gather @!p2 [spmem:s2], $0x100, $0x38;
	[tilespmem:$0x172A0] =	vst v63  }
0x140: {  	s2 =	sshrl.u32 s25, $0x18  }
0x141: {  	s1 =	sadd.s32 s2, s1  }
0x142: {  	s2 =	smov.u32 s12;
	s31 =	sshra.s32 s1, $0x8;
	s1 =	simm.s32 $0xFFFFFFFF  }
.LBB2_12:
0x143: {  	v19 =	vld [tilespmem:s2+$0x0];
	_ =	sdelay $0x4  }
0x144: {  	(v2sf) =	vpush v19, $0x0;
	_ =	sdelay $0xd  }
0x145: {  	s1 =	sadd.s32 $0x1, s1  }
0x146: {  	p2 =	sgt.u32 s1, $0x1F;
	s7 =	spop (v2sf)  }
0x147: {  	p3 =	sle.s32 @!p2 s7, s28  }
0x148: {  	p2 =	por p2, !p3  }
.Ltmp7:
0x149: {  	_ = 	snop;
	(pc) =	sbr.rel @!p2 .LBB2_12-.Ltmp7, $2  }
0x14a: {  	_ =	sdelay $0x2  }
0x14b: {  	s2 =	sadd.s32 $0x1, s2  }
0x14c: {  	s2 =	smin.u32 s1, $0x1F  }
0x14d: {  	s1 =	sshll.u32 s2, $0x7  }
0x14e: {  	v26 =	vld [tilespmem:s1+$0x0]  }
0x14f: {  	v25 =	vld [tilespmem:s1+$0x10]  }
0x150: {  	v24 =	vld [tilespmem:s1+$0x20]  }
.Ltmp8:
0x151: {  	v23 =	vld [tilespmem:s1+$0x30];
	(pc) =	sbr.rel @p1 .LBB2_28-.Ltmp8, $4  }
0x152: {  	v22 =	vld [tilespmem:s1+$0x40]  }
0x153: {  	v21 =	vld [tilespmem:s1+$0x50]  }
0x154: {  	v20 =	vld [tilespmem:s1+$0x60]  }
0x155: {  	v19 =	vld [tilespmem:s1+$0x70]  }
0x156: {  	_ =	sdelay $0x3  }
0x157: {  	v27 =	vld.idx.msk [tilespmem:v15+s2+$0x1 ss:$0x1], $0xffff;
	_ =	sdelay $0x4  }
0x158: {  	(v2sf) =	vpush v27, $0x0;
	_ =	sdelay $0xa  }
.Ltmp9:
0x159: {  	_ = 	snop;
	(pc) =	sbr.rel .LBB2_15-.Ltmp9, $4  }
0x15a: {  	_ = 	snop  }
0x15b: {  	s1 =	sadd.s32 $0x1, s31  }
0x15c: {  	s20 =	simm.s32 $0x0;
	s7 =	sshrl.u32 s1, $0x1  }
0x15d: {  	s1 =	sadd.s32 s30, s3;
	s16 =	smax.u32 s7, $0x1;
	s21 =	spop (v2sf)  }
.LBB2_27:
0x15e: {  	s20 =	sadd.s32 $0x1, s20  }
0x15f: {  	p1 =	sne.s32 s20, s16  }
.Ltmp10:
0x160: {  	_ = 	snop;
	(pc) =	sbr.rel @!p1 .LBB2_28-.Ltmp10, $1  }
0x161: {  	_ =	sdelay $0x3  }
.LBB2_15:
0x162: {  	s24 =	sshll.u32 s20, $0x1  }
0x163: {  	p2 =	sge.s32 s24, s31  }
0x164: {  	s7 =	simm.s32 @!p2 $0x1  }
0x165: {  	s23 =	sor.u32 $0x1, s24;
	_ =	swait.ge @!p2 [sflag:s7], $0x8000  }
0x166: {  	p1 =	sge.s32 s23, s31;
	[sflag:s7] =	ssyncset.done @!p2 $0x0  }
0x167: {  	[sflag:s7] =	ssyncadd.s32 @!p2 $0xFFFF8000;
	s7 =	simm.s32 @!p1 $0x4  }
0x168: {  	_ =	swait.ge @!p1 [sflag:s7], $0x100  }
0x169: {  	s8 =	simm.s32 @!p1 $0x6980;
	[sflag:s7] =	ssyncset.done @!p1 $0x0  }
0x16a: {  	s9 =	simm.s32 @!p1 $0xEA80;
	[sflag:s7] =	ssyncadd.s32 @!p1 $0xFFFFFF00;
	s7 =	simm.s32 @!p1 $0x100  }
0x16b: {  	[tilespmem:s9], [sflag:$0x2] =	stream.indirect.gather @!p1 [hbm4b:s0+s7], $0x80, s8, s7, $0xb8;
	[tilespmem:$0x172A0] =	vst v63  }
0x16c: {  	s7 =	sadd.s32 $0x2, s24  }
0x16d: {  	p2 =	sge.s32 s7, s31  }
0x16e: {  	s7 =	sshll.u32 @!p2 s7, $0xA  }
0x16f: {  	s7 =	sshra.s32 @!p2 s7, $0x2  }
0x170: {  	s15 =	sshll.u32 s20, $0x9;
	s25 =	simm.s32 @!p2 $0x6880;
	s7 =	sadd.s32 @!p2 s7, s1  }
0x171: {  	[tilespmem:s25], [sflag:$0x3] =	stream.linear.gather @!p2 [spmem:s7], $0x100, $0x38;
	[tilespmem:$0x172A0] =	vst v63  }
0x172: {  	s7 =	sadd.s32 s30, s15  }
0x173: {  	s8 =	ssub.s32 s28, s7;
	s9 =	ssub.s32 s29, s7  }
0x174: {  	p3 =	sgt.s32 s8, $0x0;
	p4 =	slt.s32 s9, $0x100  }
0x175: {  	s8 =	simm.s32 @!p3 $0x0;
	s9 =	simm.s32 @!p4 $0x100  }
0x176: {  	p3 =	sge.s32 s8, s9  }
.Ltmp11:
0x177: {  	_ = 	snop;
	(pc) =	sbr.rel @!p3 .LBB2_16-.Ltmp11, $1  }
0x178: {  	_ =	sdelay $0x3  }
.LBB2_21:
0x179: {  	s7 =	simm.s32 @!p1 $0x2  }
0x17a: {  	_ =	swait.ge @!p1 [sflag:s7], $0x8000  }
0x17b: {  	[sflag:s7] =	ssyncset.done @!p1 $0x0  }
0x17c: {  	[sflag:s7] =	ssyncadd.s32 @!p1 $0xFFFF8000;
	s7 =	simm.s32 @!p2 $0x3  }
0x17d: {  	_ =	swait.ge @!p2 [sflag:s7], $0x100  }
0x17e: {  	[sflag:s7] =	ssyncset.done @!p2 $0x0  }
0x17f: {  	s8 =	simm.s32 @!p2 $0x6A80;
	[sflag:s7] =	ssyncadd.s32 @!p2 $0xFFFFFF00;
	s7 =	simm.s32 @!p2 $0x100  }
0x180: {  	[tilespmem:s8], [sflag:$0x1] =	stream.indirect.gather @!p2 [hbm4b:s0+s7], $0x80, s25, s7, $0xb8;
	[tilespmem:$0x172A0] =	vst v63  }
0x181: {  	s7 =	sadd.s32 $0x3, s24  }
0x182: {  	p1 =	sge.s32 s7, s31  }
0x183: {  	s7 =	sshll.u32 @!p1 s7, $0xA  }
0x184: {  	s7 =	sshra.s32 @!p1 s7, $0x2  }
0x185: {  	s25 =	sshll.u32 s23, $0x8;
	s8 =	simm.s32 @!p1 $0x6980;
	s7 =	sadd.s32 @!p1 s7, s1  }
0x186: {  	[tilespmem:s8], [sflag:$0x4] =	stream.linear.gather @!p1 [spmem:s7], $0x100, $0x38;
	[tilespmem:$0x172A0] =	vst v63  }
0x187: {  	s7 =	sadd.s32 s30, s25  }
0x188: {  	s8 =	ssub.s32 s28, s7;
	s9 =	ssub.s32 s29, s7  }
0x189: {  	p1 =	sgt.s32 s8, $0x0;
	p2 =	slt.s32 s9, $0x100  }
0x18a: {  	s8 =	simm.s32 @!p1 $0x0;
	s9 =	simm.s32 @!p2 $0x100  }
0x18b: {  	p1 =	sge.s32 s8, s9  }
.Ltmp12:
0x18c: {  	_ = 	snop;
	(pc) =	sbr.rel @p1 .LBB2_27-.Ltmp12, $4  }
.Ltmp13:
0x18d: {  	_ = 	snop;
	(pc) =	sbr.rel @!p1 .LBB2_22-.Ltmp13, $4  }
0x18e: {  	_ = 	snop  }
0x18f: {  	_ = 	snop  }
0x190: {  	_ = 	snop  }
0x191: {  	_ = 	snop  }
.LBB2_20:
0x192: {  	s10 =	sshll.u32 s8, $0x7  }
0x193: {  	s10 =	sand.u32 $0x3FFFFF80, s10  }
0x194: {  	v27 =	vld [tilespmem:s10+$0x6A80]  }
0x195: {  	v28 =	vld [tilespmem:s10+$0x6A90]  }
0x196: {  	v29 =	vld [tilespmem:s10+$0x6AA0]  }
0x197: {  	v30 =	vld [tilespmem:s10+$0x6AB0]  }
0x198: {  	v26 =	vmul.f32 $9.990000120e-01, v26;
	v32 =	vld [tilespmem:s10+$0x6AD0]  }
0x199: {  	v25 =	vmul.f32 $9.990000120e-01, v25;
	v24 =	vmul.f32 $9.990000120e-01, v24;
	v49 =	vld [tilespmem:s10+$0x6AF0]  }
0x19a: {  	v23 =	vmul.f32 $9.990000120e-01, v23;
	v22 =	vmul.f32 $9.990000120e-01, v22;
	v31 =	vld [tilespmem:s10+$0x6AC0]  }
0x19b: {  	v21 =	vmul.f32 $9.990000120e-01, v21;
	v27 =	vmul.f32 $1.000000050e-03, v27  }
0x19c: {  	v33 =	vld [tilespmem:s10+$0x6AE0];
	v19 =	vmul.f32 $9.990000120e-01, v19;
	v28 =	vmul.f32 $1.000000050e-03, v28  }
0x19d: {  	v50 =	vmul.f32 $1.000000050e-03, v30;
	v26 =	vadd.f32 v27, v26;
	v27 =	vmul.f32 $1.000000050e-03, v29  }
0x19e: {  	v51 =	vmul.f32 $1.000000050e-03, v32;
	v52 =	vmul.f32 $1.000000050e-03, v49  }
0x19f: {  	v25 =	vadd.f32 v28, v25;
	v24 =	vadd.f32 v27, v24;
	v27 =	vmul.f32 $1.000000050e-03, v31  }
0x1a0: {  	v20 =	vmul.f32 $9.990000120e-01, v20;
	v23 =	vadd.f32 v50, v23;
	v21 =	vadd.f32 v51, v21  }
0x1a1: {  	v19 =	vadd.f32 v52, v19;
	v22 =	vadd.f32 v27, v22;
	v27 =	vmul.f32 $1.000000050e-03, v33  }
0x1a2: {  	v53 =	vmul.f32 v25, v25;
	v55 =	vmul.f32 v23, v23  }
0x1a3: {  	v57 =	vmul.f32 v21, v21;
	v34 =	vmul.f32 v19, v19;
	v20 =	vadd.f32 v27, v20  }
0x1a4: {  	v54 =	vmul.f32 v24, v24;
	v27 =	vmul.f32 v26, v26  }
0x1a5: {  	v56 =	vmul.f32 v22, v22;
	v58 =	vmul.f32 v20, v20  }
0x1a6: {  	v28 =	vadd.f32 v55, v54;
	v27 =	vadd.f32 v53, v27  }
0x1a7: {  	v59 =	vadd.f32 v57, v56;
	v60 =	vadd.f32 v34, v58;
	_ =	sdelay $0x1  }
0x1a8: {  	v27 =	vadd.f32 v28, v27;
	v61 =	vadd.f32 v60, v59;
	_ =	sdelay $0x1  }
0x1a9: {  	v27 =	vadd.f32 v61, v27;
	_ =	sdelay $0x1  }
0x1aa: {  	(xrf2) =	vadd.scan.msk.f32 $0xffff, v27;
	_ =	sdelay $0x9  }
0x1ab: {  	v27, _, _ =	vpop (xrf2)  }
0x1ac: {  	v27 =	vmax.f32 v27, $1.000000020e-24  }
0x1ad: {  	v27 =	vbroadcast v27, $0xF;
	_ =	sdelay $0x1  }
0x1ae: {  	v62 =	vshra.s32 v27, $0x1;
	v27 =	vmul.f32 $5.000000000e-01, v27  }
0x1af: {  	v28 =	vsub.s32 $0x5F3759DF, v62  }
0x1b0: {  	v63 =	vmul.f32 v28, v27;
	_ =	sdelay $0x1  }
0x1b1: {  	v29 =	vmul.f32 v28, v63;
	_ =	sdelay $0x1  }
0x1b2: {  	v29 =	vsub.f32 $1.500000000e+00, v29;
	_ =	sdelay $0x1  }
0x1b3: {  	v28 =	vmul.f32 v28, v29;
	_ =	sdelay $0x1  }
0x1b4: {  	v27 =	vmul.f32 v28, v27;
	_ =	sdelay $0x1  }
0x1b5: {  	v27 =	vmul.f32 v27, v28;
	_ =	sdelay $0x1  }
0x1b6: {  	v27 =	vsub.f32 $1.500000000e+00, v27  }
0x1b7: {  	s8 =	sadd.s32 $0x1, s8  }
0x1b8: {  	p3 =	slt.s32 s8, s9;
	v27 =	vmul.f32 v27, v28  }
.Ltmp14:
0x1b9: {  	_ = 	snop;
	(pc) =	sbr.rel @!p3 .LBB2_21-.Ltmp14, $4  }
0x1ba: {  	v26 =	vmul.f32 v27, v26;
	v25 =	vmul.f32 v27, v25  }
0x1bb: {  	v24 =	vmul.f32 v27, v24;
	v23 =	vmul.f32 v27, v23  }
0x1bc: {  	v22 =	vmul.f32 v27, v22;
	v21 =	vmul.f32 v27, v21  }
0x1bd: {  	v20 =	vmul.f32 v27, v20;
	v19 =	vmul.f32 v27, v19  }
.LBB2_16:
0x1be: {  	s10 =	sadd.s32 s7, s8  }
0x1bf: {  	p3 =	slt.s32 s10, s21  }
.Ltmp15:
0x1c0: {  	_ = 	snop;
	(pc) =	sbr.rel @p3 .LBB2_20-.Ltmp15, $1  }
0x1c1: {  	_ =	sdelay $0x3  }
0x1c2: {  	s11 =	sshll.u32 s2, $0x9  }
0x1c3: {  	s11 =	sshra.s32 s11, $0x2  }
0x1c4: {  	[tilespmem:s11+$0x0] =	vst v26  }
0x1c5: {  	[tilespmem:s11+$0x10] =	vst v25  }
0x1c6: {  	[tilespmem:s11+$0x20] =	vst v24  }
0x1c7: {  	[tilespmem:s11+$0x30] =	vst v23  }
0x1c8: {  	[tilespmem:s11+$0x40] =	vst v22  }
0x1c9: {  	s14 =	sshll.u32 s2, $0x2;
	[tilespmem:s11+$0x50] =	vst v21  }
0x1ca: {  	s14 =	sshra.s32 s14, $0x2;
	[tilespmem:s11+$0x60] =	vst v20  }
0x1cb: {  	s2 =	sadd.s32 $0xFFFFFFFF, s2;
	[tilespmem:s11+$0x70] =	vst v19;
	s14 =	sadd.s32 s14, s12;
	s11 =	sadd.s32 $0xFFFFFFC0, s11  }
.LBB2_18:
0x1cc: {  	v19 =	vld [tilespmem:s14+$0x0];
	_ =	sdelay $0x4  }
0x1cd: {  	(v2sf) =	vpush v19, $0x0;
	_ =	sdelay $0xe  }
0x1ce: {  	s21 =	spop (v2sf)  }
0x1cf: {  	p3 =	sle.s32 s21, s10  }
.Ltmp16:
0x1d0: {  	_ = 	snop;
	(pc) =	sbr.rel @p3 .LBB2_18-.Ltmp16, $3  }
0x1d1: {  	_ =	sdelay $0x1  }
0x1d2: {  	s15 =	smov.u32 s11  }
0x1d3: {  	s14 =	sadd.s32 $0x1, s14;
	s2 =	sadd.s32 $0x1, s2;
	s11 =	sadd.s32 $0x80, s11  }
0x1d4: {  	v26 =	vld [tilespmem:s15+$0x40]  }
0x1d5: {  	v25 =	vld [tilespmem:s15+$0x50]  }
0x1d6: {  	v24 =	vld [tilespmem:s15+$0x60]  }
.Ltmp17:
0x1d7: {  	v23 =	vld [tilespmem:s15+$0x70];
	(pc) =	sbr.rel .LBB2_20-.Ltmp17, $4  }
0x1d8: {  	v22 =	vld [tilespmem:s15+$0x80]  }
0x1d9: {  	v21 =	vld [tilespmem:s15+$0x90]  }
0x1da: {  	v20 =	vld [tilespmem:s15+$0xA0]  }
0x1db: {  	v19 =	vld [tilespmem:s15+$0xB0]  }
.LBB2_26:
0x1dc: {  	s10 =	sshll.u32 s8, $0x7  }
0x1dd: {  	s10 =	sand.u32 $0x3FFFFF80, s10  }
0x1de: {  	v27 =	vld [tilespmem:s10+$0xEA80]  }
0x1df: {  	v28 =	vld [tilespmem:s10+$0xEA90]  }
0x1e0: {  	v29 =	vld [tilespmem:s10+$0xEAA0]  }
0x1e1: {  	v30 =	vld [tilespmem:s10+$0xEAB0]  }
0x1e2: {  	v26 =	vmul.f32 $9.990000120e-01, v26;
	v32 =	vld [tilespmem:s10+$0xEAD0]  }
0x1e3: {  	v25 =	vmul.f32 $9.990000120e-01, v25;
	v24 =	vmul.f32 $9.990000120e-01, v24;
	v49 =	vld [tilespmem:s10+$0xEAF0]  }
0x1e4: {  	v23 =	vmul.f32 $9.990000120e-01, v23;
	v22 =	vmul.f32 $9.990000120e-01, v22;
	v31 =	vld [tilespmem:s10+$0xEAC0]  }
0x1e5: {  	v21 =	vmul.f32 $9.990000120e-01, v21;
	v27 =	vmul.f32 $1.000000050e-03, v27  }
0x1e6: {  	v33 =	vld [tilespmem:s10+$0xEAE0];
	v19 =	vmul.f32 $9.990000120e-01, v19;
	v28 =	vmul.f32 $1.000000050e-03, v28  }
0x1e7: {  	v50 =	vmul.f32 $1.000000050e-03, v30;
	v26 =	vadd.f32 v27, v26;
	v27 =	vmul.f32 $1.000000050e-03, v29  }
0x1e8: {  	v51 =	vmul.f32 $1.000000050e-03, v32;
	v52 =	vmul.f32 $1.000000050e-03, v49  }
0x1e9: {  	v25 =	vadd.f32 v28, v25;
	v24 =	vadd.f32 v27, v24;
	v27 =	vmul.f32 $1.000000050e-03, v31  }
0x1ea: {  	v20 =	vmul.f32 $9.990000120e-01, v20;
	v23 =	vadd.f32 v50, v23;
	v21 =	vadd.f32 v51, v21  }
0x1eb: {  	v19 =	vadd.f32 v52, v19;
	v22 =	vadd.f32 v27, v22;
	v27 =	vmul.f32 $1.000000050e-03, v33  }
0x1ec: {  	v53 =	vmul.f32 v25, v25;
	v55 =	vmul.f32 v23, v23  }
0x1ed: {  	v57 =	vmul.f32 v21, v21;
	v34 =	vmul.f32 v19, v19;
	v20 =	vadd.f32 v27, v20  }
0x1ee: {  	v54 =	vmul.f32 v24, v24;
	v27 =	vmul.f32 v26, v26  }
0x1ef: {  	v56 =	vmul.f32 v22, v22;
	v58 =	vmul.f32 v20, v20  }
0x1f0: {  	v28 =	vadd.f32 v55, v54;
	v27 =	vadd.f32 v53, v27  }
0x1f1: {  	v59 =	vadd.f32 v57, v56;
	v60 =	vadd.f32 v34, v58;
	_ =	sdelay $0x1  }
0x1f2: {  	v27 =	vadd.f32 v28, v27;
	v61 =	vadd.f32 v60, v59;
	_ =	sdelay $0x1  }
0x1f3: {  	v27 =	vadd.f32 v61, v27;
	_ =	sdelay $0x1  }
0x1f4: {  	(xrf2) =	vadd.scan.msk.f32 $0xffff, v27;
	_ =	sdelay $0x9  }
0x1f5: {  	v27, _, _ =	vpop (xrf2)  }
0x1f6: {  	v27 =	vmax.f32 v27, $1.000000020e-24  }
0x1f7: {  	v27 =	vbroadcast v27, $0xF;
	_ =	sdelay $0x1  }
0x1f8: {  	v62 =	vshra.s32 v27, $0x1;
	v27 =	vmul.f32 $5.000000000e-01, v27  }
0x1f9: {  	v28 =	vsub.s32 $0x5F3759DF, v62  }
0x1fa: {  	v63 =	vmul.f32 v28, v27;
	_ =	sdelay $0x1  }
0x1fb: {  	v29 =	vmul.f32 v28, v63;
	_ =	sdelay $0x1  }
0x1fc: {  	v29 =	vsub.f32 $1.500000000e+00, v29;
	_ =	sdelay $0x1  }
0x1fd: {  	v28 =	vmul.f32 v28, v29;
	_ =	sdelay $0x1  }
0x1fe: {  	v27 =	vmul.f32 v28, v27;
	_ =	sdelay $0x1  }
0x1ff: {  	v27 =	vmul.f32 v27, v28;
	_ =	sdelay $0x1  }
0x200: {  	v27 =	vsub.f32 $1.500000000e+00, v27  }
0x201: {  	s8 =	sadd.s32 $0x1, s8  }
0x202: {  	p1 =	slt.s32 s8, s9;
	v27 =	vmul.f32 v27, v28  }
.Ltmp18:
0x203: {  	_ = 	snop;
	(pc) =	sbr.rel @!p1 .LBB2_27-.Ltmp18, $4  }
0x204: {  	v26 =	vmul.f32 v27, v26;
	v25 =	vmul.f32 v27, v25  }
0x205: {  	v24 =	vmul.f32 v27, v24;
	v23 =	vmul.f32 v27, v23  }
0x206: {  	v22 =	vmul.f32 v27, v22;
	v21 =	vmul.f32 v27, v21  }
0x207: {  	v20 =	vmul.f32 v27, v20;
	v19 =	vmul.f32 v27, v19  }
.LBB2_22:
0x208: {  	s10 =	sadd.s32 s7, s8  }
0x209: {  	p1 =	slt.s32 s10, s21  }
.Ltmp19:
0x20a: {  	_ = 	snop;
	(pc) =	sbr.rel @p1 .LBB2_26-.Ltmp19, $1  }
0x20b: {  	_ =	sdelay $0x3  }
0x20c: {  	s11 =	sshll.u32 s2, $0x9  }
0x20d: {  	s11 =	sshra.s32 s11, $0x2  }
0x20e: {  	[tilespmem:s11+$0x0] =	vst v26  }
0x20f: {  	[tilespmem:s11+$0x10] =	vst v25  }
0x210: {  	[tilespmem:s11+$0x20] =	vst v24  }
0x211: {  	[tilespmem:s11+$0x30] =	vst v23  }
0x212: {  	[tilespmem:s11+$0x40] =	vst v22  }
0x213: {  	s14 =	sshll.u32 s2, $0x2;
	[tilespmem:s11+$0x50] =	vst v21  }
0x214: {  	s14 =	sshra.s32 s14, $0x2;
	[tilespmem:s11+$0x60] =	vst v20  }
0x215: {  	s2 =	sadd.s32 $0xFFFFFFFF, s2;
	[tilespmem:s11+$0x70] =	vst v19;
	s14 =	sadd.s32 s14, s12;
	s15 =	sadd.s32 $0xFFFFFFC0, s11  }
.LBB2_24:
0x216: {  	v19 =	vld [tilespmem:s14+$0x0];
	_ =	sdelay $0x4  }
0x217: {  	(v2sf) =	vpush v19, $0x0;
	_ =	sdelay $0xe  }
0x218: {  	s21 =	spop (v2sf)  }
0x219: {  	p1 =	sle.s32 s21, s10  }
.Ltmp20:
0x21a: {  	_ = 	snop;
	(pc) =	sbr.rel @p1 .LBB2_24-.Ltmp20, $3  }
0x21b: {  	_ =	sdelay $0x1  }
0x21c: {  	s11 =	smov.u32 s15  }
0x21d: {  	s14 =	sadd.s32 $0x1, s14;
	s2 =	sadd.s32 $0x1, s2;
	s15 =	sadd.s32 $0x80, s15  }
0x21e: {  	v26 =	vld [tilespmem:s11+$0x40]  }
0x21f: {  	v25 =	vld [tilespmem:s11+$0x50]  }
0x220: {  	v24 =	vld [tilespmem:s11+$0x60]  }
.Ltmp21:
0x221: {  	v23 =	vld [tilespmem:s11+$0x70];
	(pc) =	sbr.rel .LBB2_26-.Ltmp21, $4  }
0x222: {  	v22 =	vld [tilespmem:s11+$0x80]  }
0x223: {  	v21 =	vld [tilespmem:s11+$0x90]  }
0x224: {  	v20 =	vld [tilespmem:s11+$0xA0]  }
0x225: {  	v19 =	vld [tilespmem:s11+$0xB0]  }
.LBB2_29:
0x226: {  	_ =	sfence.sel $0x180000  }
0x227: {  	[bflag:$0x0] =	sbarrier.arrive $0xFFFF  }
0x228: {  	_ =	strace $0x90000047  }
0x229: {  	[bflag:$0x2] =	sbarrier.arrive $0xFFFF  }
0x22a: {  	s0 =	rddreg [dreg:$0x5]  }
0x22b: {  	s0 =	sadd.s32 @!p0 $0x100000, s0  }
0x22c: {  	[sflag:s0] =	ssyncadd.tile.s32 @!p0 $0x1;
	_ =	shalt  }
.Lfunc_end2:
_tile_overlayer_lowered:
.L_overlay_start_2:
0x22d: {  	(tag) =	ssettag $0x2  }
0x22e: {  	s0 =	rddreg [dreg:$0x0];
	s2 =	stileid.u32  }
0x22f: {  	s1 =	rddreg [dreg:$0x1];
	p0 =	sne.s32 s2, $0x0  }
0x230: {  	s3 =	rddreg [dreg:$0x2];
	[bflag:$0x3] =	sbarrier.arrive $0xFFFF;
	s2 =	simm.s32 @!p0 $0x1C05  }
0x231: {  	[timem:s3], [sflag:s2] =	dma.local @!p0 [hbm:s0], s1  }
0x232: {  	s0 =	simm.s32 @!p0 $0x5  }
0x233: {  	_ =	swait.ge @!p0 [sflag:s0], s1  }
0x234: {  	s1 =	ssub.s32 @!p0 $0x0, s1;
	[sflag:s0] =	ssyncset.done @!p0 $0x0  }
0x235: {  	[sflag:s0] =	ssyncadd.s32 @!p0 s1  }
0x236: {  	[bflag:$0x3] =	sbarrier.arrive $0xFFFF  }
0x237: {  	_ =	shalt  }

</sc_bundles>
